<compile_context>
chip_gen: v7x
topology: tpu7x:2x2x1
jax: 0.10.2.dev20260603
libtpu: 0.0.44.dev20260713+nightly
codegen_flags: <defaults>
</compile_context>

<pallas_src>
import jax
import jax.numpy as jnp
from jax import lax
from jax.experimental import pallas as pl
from jax.experimental.pallas import tpu as pltpu
from jax.experimental.pallas import tpu_sc as plsc

D = 64
SEQ = 200
BATCH = 4096
NC = 2
NS = 16
NW = NC * NS
SEQ_PER_W = BATCH // NW
EPS = 1e-12


def _lane_sum(v, perms):
    dn = lax.GatherDimensionNumbers(
        offset_dims=(), collapsed_slice_dims=(0,), start_index_map=(0,))
    for p in perms:
        v = v + lax.gather(v, p[:, None], dimension_numbers=dn,
                           slice_sizes=(1,),
                           mode=lax.GatherScatterMode.PROMISE_IN_BOUNDS)
    return v


def _rsqrt(x):
    i = lax.bitcast_convert_type(x, jnp.int32)
    i = jnp.int32(0x5F3759DF) - (i >> 1)
    y = lax.bitcast_convert_type(i, jnp.float32)
    for _ in range(2):
        y = y * (1.5 - 0.5 * x * y * y)
    return y


def _body(x_hbm, w_hbm, p_hbm, g_hbm, b_hbm, out_hbm,
          p_v, g_v, b_v, idx_v, rows_v, out_v, sem_g, sem_o):
    wid = lax.axis_index("s") * NC + lax.axis_index("c")

    pltpu.sync_copy(p_hbm, p_v)
    pltpu.sync_copy(g_hbm, g_v)
    pltpu.sync_copy(b_hbm, b_v)

    g03 = [g_v[pl.ds(16 * k, 16)] for k in range(4)]
    b03 = [b_v[pl.ds(16 * k, 16)] for k in range(4)]

    iota = lax.iota(jnp.int32, 16)
    perms = [iota ^ k for k in (1, 2, 4, 8)]

    def start_gather(b, seq):
        pltpu.sync_copy(x_hbm.at[seq], idx_v.at[b])
        pltpu.async_copy(w_hbm.at[idx_v.at[b, 0]], rows_v.at[b, pl.ds(0, 100)],
                         sem_g.at[b])
        pltpu.async_copy(w_hbm.at[idx_v.at[b, 1]], rows_v.at[b, pl.ds(100, 100)],
                         sem_g.at[b])

    def wait_gather(b):
        pltpu.make_async_copy(w_hbm.at[idx_v.at[b, 0]],
                              rows_v.at[b, pl.ds(0, 100)], sem_g.at[b]).wait()
        pltpu.make_async_copy(w_hbm.at[idx_v.at[b, 1]],
                              rows_v.at[b, pl.ds(100, 100)], sem_g.at[b]).wait()

    def wait_out(b, seq):
        pltpu.make_async_copy(out_v.at[b], out_hbm.at[seq], sem_o.at[b]).wait()

    def compute(b):
        @plsc.parallel_loop(0, SEQ, unroll=8)
        def row_body(r):
            e0 = rows_v[b, r, pl.ds(0, 16)] + p_v[r, pl.ds(0, 16)]
            e1 = rows_v[b, r, pl.ds(16, 16)] + p_v[r, pl.ds(16, 16)]
            e2 = rows_v[b, r, pl.ds(32, 16)] + p_v[r, pl.ds(32, 16)]
            e3 = rows_v[b, r, pl.ds(48, 16)] + p_v[r, pl.ds(48, 16)]
            tot = _lane_sum(e0 + e1 + e2 + e3, perms)
            tot2 = _lane_sum(e0 * e0 + e1 * e1 + e2 * e2 + e3 * e3, perms)
            mean = tot * (1.0 / D)
            var = tot2 * (1.0 / D) - mean * mean
            inv = _rsqrt(var + EPS)
            shift = -mean * inv
            out_v[b, r, pl.ds(0, 16)] = (e0 * inv + shift) * g03[0] + b03[0]
            out_v[b, r, pl.ds(16, 16)] = (e1 * inv + shift) * g03[1] + b03[1]
            out_v[b, r, pl.ds(32, 16)] = (e2 * inv + shift) * g03[2] + b03[2]
            out_v[b, r, pl.ds(48, 16)] = (e3 * inv + shift) * g03[3] + b03[3]

    seq0 = wid * SEQ_PER_W
    start_gather(0, seq0)

    def outer(i, _):
        for b in (0, 1):
            s = 2 * i + b
            seq = seq0 + s
            start_gather(1 - b, jnp.minimum(seq + 1, BATCH - 1))
            wait_gather(b)

            @pl.when(i >= 1)
            def _():
                wait_out(b, jnp.maximum(seq - 2, 0))

            compute(b)
            pltpu.async_copy(out_v.at[b], out_hbm.at[seq], sem_o.at[b])
        return 0

    lax.fori_loop(0, SEQ_PER_W // 2, outer, 0)
    wait_gather(0)
    wait_out(0, seq0 + SEQ_PER_W - 2)
    wait_out(1, seq0 + SEQ_PER_W - 1)


def kernel(x, W, P, gamma, beta):
    x2 = x.reshape(BATCH, 2, SEQ // 2).astype(jnp.int32)
    mesh = plsc.VectorSubcoreMesh(core_axis_name="c", subcore_axis_name="s")
    run = pl.kernel(
        _body,
        out_type=jax.ShapeDtypeStruct((BATCH, SEQ, D), jnp.float32),
        mesh=mesh,
        compiler_params=pltpu.CompilerParams(use_tc_tiling_on_sc=False,
                                             needs_layout_passes=False),
        scratch_types=[
            pltpu.VMEM((SEQ, D), jnp.float32),
            pltpu.VMEM((D,), jnp.float32),
            pltpu.VMEM((D,), jnp.float32),
            pltpu.VMEM((2, 2, SEQ // 2), jnp.int32),
            pltpu.VMEM((2, SEQ, D), jnp.float32),
            pltpu.VMEM((2, SEQ, D), jnp.float32),
            pltpu.SemaphoreType.DMA((2,)),
            pltpu.SemaphoreType.DMA((2,)),
        ],
    )
    return run(x2, W, P, gamma, beta)

# --- scband reference (transcript-rebuilt; emitter-appended) ---
"""Pipeline reference for scband-embeddings-56530359550565 (READ-ONLY COPY).

The authoritative reference and input builder live on the scoring server;
editing this copy changes nothing except your own understanding.
"""

import jax, jax.numpy as jnp
import numpy as np

D_MODEL = 64
VOCAB_SIZE = 1000000
MAX_POS = 200
PAD_IDX = VOCAB_SIZE - 1
BATCH = 4096
SEQ = 200
EPS = 1e-12


def _sinusoid_table(size, dim):
    j = np.arange(dim)
    i = np.arange(size)[:, None]
    theta = i / np.power(10000.0, 2 * (j // 2) / dim)
    E = np.zeros((size, dim), dtype=np.float64)
    E[:, 0::2] = np.sin(theta[:, 0::2])
    E[:, 1::2] = np.cos(theta[:, 1::2])
    return jnp.asarray(E, dtype=jnp.float32)


def setup_inputs(seed: int = 0) -> dict:
    key = jax.random.key(seed)
    kx, kw = jax.random.split(key)
    x = jax.random.randint(kx, (BATCH, SEQ), 0, VOCAB_SIZE, dtype=jnp.int64) if jax.config.jax_enable_x64 else jax.random.randint(kx, (BATCH, SEQ), 0, VOCAB_SIZE, dtype=jnp.int32)
    # word embedding table: N(0,1) init like nn.Embedding, padding row zeroed
    W = jax.random.normal(kw, (VOCAB_SIZE, D_MODEL), dtype=jnp.float32)
    W = W.at[PAD_IDX].set(0.0)
    # position embedding table: fixed sinusoidal (Embeddings.pos)
    P = _sinusoid_table(MAX_POS, D_MODEL)
    gamma = jnp.ones((D_MODEL,), dtype=jnp.float32)
    beta = jnp.zeros((D_MODEL,), dtype=jnp.float32)
    return {"x": x, "W": W, "P": P, "gamma": gamma, "beta": beta}


def reference(x, W, P, gamma, beta):
    B, L = x.shape
    position = jnp.broadcast_to(jnp.arange(L, dtype=x.dtype)[None, :], (B, L))
    word_embeddings = jnp.take(W, x, axis=0)
    position_embeddings = jnp.take(P, position, axis=0)
    embeddings = word_embeddings + position_embeddings
    # LayerNorm over last dim, eps=1e-12 (biased variance, like torch)
    mean = jnp.mean(embeddings, axis=-1, keepdims=True)
    var = jnp.mean(jnp.square(embeddings - mean), axis=-1, keepdims=True)
    normed = (embeddings - mean) / jnp.sqrt(var + EPS)
    return normed * gamma + beta

if __name__ == "__main__":
    import jax
    _d = setup_inputs()
    print(jax.jit(kernel)(*tuple(_d.values())))

</pallas_src>

<mosaic_0001>
#map = affine_map<(d0, d1) -> (0, 0, 0)>
#map1 = affine_map<(d0, d1) -> (0, 0)>
#map2 = affine_map<(d0, d1) -> (0)>
module attributes {stable_mosaic.version = 14 : i64} {
  func.func @_body(%arg0: i32, %arg1: i32, %arg2: memref<4096x2x100xi32, #tpu.memory_space<hbm>>, %arg3: memref<1000000x64xf32, #tpu.memory_space<hbm>>, %arg4: memref<200x64xf32, #tpu.memory_space<hbm>>, %arg5: memref<64xf32, #tpu.memory_space<hbm>>, %arg6: memref<64xf32, #tpu.memory_space<hbm>>, %arg7: memref<4096x200x64xf32, #tpu.memory_space<hbm>>, %arg8: memref<200x64xf32, #tpu.memory_space<vmem>>, %arg9: memref<64xf32, #tpu.memory_space<vmem>>, %arg10: memref<64xf32, #tpu.memory_space<vmem>>, %arg11: memref<2x2x100xi32, #tpu.memory_space<vmem>>, %arg12: memref<2x200x64xf32, #tpu.memory_space<vmem>>, %arg13: memref<2x200x64xf32, #tpu.memory_space<vmem>>, %arg14: memref<2x!tpu.dma_semaphore, #tpu.memory_space<semaphore_mem>>, %arg15: memref<2x!tpu.dma_semaphore, #tpu.memory_space<semaphore_mem>>) attributes {dimension_semantics = [#tpu.dimension_semantics<core_parallel>, #tpu.dimension_semantics<subcore_parallel>], iteration_bounds = array<i64: 2, 16>, scalar_prefetch = 0 : i64, scratch_operands = 8 : i64, tpu.core_type = #tpu.core_type<sc_vector_subcore>, window_params = [{transform_indices = #map}, {transform_indices = #map1}, {transform_indices = #map1}, {transform_indices = #map2}, {transform_indices = #map2}, {transform_indices = #map}]} {
    %mul3A = arith.constant 2 : i32
    %mul3A_0 = arith.muli %arg1, %mul3A : i32
    %add3A = arith.addi %mul3A_0, %arg0 : i32
    "tpu.region"() ({
      %run_scoped3A_144 = tpu.sem_alloc : memref<!tpu.dma_semaphore, #tpu.memory_space<semaphore_mem>>
      tpu.enqueue_dma source(%arg4 : memref<200x64xf32, #tpu.memory_space<hbm>>) target(%arg8 : memref<200x64xf32, #tpu.memory_space<vmem>>) target_semaphore(%run_scoped3A_144 : memref<!tpu.dma_semaphore, #tpu.memory_space<semaphore_mem>>)
      tpu.wait_dma2 semaphore(%run_scoped3A_144 : memref<!tpu.dma_semaphore, #tpu.memory_space<semaphore_mem>>) src(%arg4 : memref<200x64xf32, #tpu.memory_space<hbm>>) dst(%arg8 : memref<200x64xf32, #tpu.memory_space<vmem>>)
      tpu.yield
    }) : () -> ()
    "tpu.region"() ({
      %run_scoped3A_144 = tpu.sem_alloc : memref<!tpu.dma_semaphore, #tpu.memory_space<semaphore_mem>>
      tpu.enqueue_dma source(%arg5 : memref<64xf32, #tpu.memory_space<hbm>>) target(%arg9 : memref<64xf32, #tpu.memory_space<vmem>>) target_semaphore(%run_scoped3A_144 : memref<!tpu.dma_semaphore, #tpu.memory_space<semaphore_mem>>)
      tpu.wait_dma2 semaphore(%run_scoped3A_144 : memref<!tpu.dma_semaphore, #tpu.memory_space<semaphore_mem>>) src(%arg5 : memref<64xf32, #tpu.memory_space<hbm>>) dst(%arg9 : memref<64xf32, #tpu.memory_space<vmem>>)
      tpu.yield
    }) : () -> ()
    "tpu.region"() ({
      %run_scoped3A_144 = tpu.sem_alloc : memref<!tpu.dma_semaphore, #tpu.memory_space<semaphore_mem>>
      tpu.enqueue_dma source(%arg6 : memref<64xf32, #tpu.memory_space<hbm>>) target(%arg10 : memref<64xf32, #tpu.memory_space<vmem>>) target_semaphore(%run_scoped3A_144 : memref<!tpu.dma_semaphore, #tpu.memory_space<semaphore_mem>>)
      tpu.wait_dma2 semaphore(%run_scoped3A_144 : memref<!tpu.dma_semaphore, #tpu.memory_space<semaphore_mem>>) src(%arg6 : memref<64xf32, #tpu.memory_space<hbm>>) dst(%arg10 : memref<64xf32, #tpu.memory_space<vmem>>)
      tpu.yield
    }) : () -> ()
    %get3A = arith.constant 0 : index
    %get3A_1 = tpu.vector_load %arg9[%get3A] {strides = array<i32>} : memref<64xf32, #tpu.memory_space<vmem>>, vector<16xf32>,
    %get3A_2 = arith.constant 16 : index
    %get3A_3 = tpu.vector_load %arg9[%get3A_2] {strides = array<i32>} : memref<64xf32, #tpu.memory_space<vmem>>, vector<16xf32>,
    %get3A_4 = arith.constant 32 : index
    %get3A_5 = tpu.vector_load %arg9[%get3A_4] {strides = array<i32>} : memref<64xf32, #tpu.memory_space<vmem>>, vector<16xf32>,
    %get3A_6 = arith.constant 48 : index
    %get3A_7 = tpu.vector_load %arg9[%get3A_6] {strides = array<i32>} : memref<64xf32, #tpu.memory_space<vmem>>, vector<16xf32>,
    %get3A_8 = arith.constant 0 : index
    %get3A_9 = tpu.vector_load %arg10[%get3A_8] {strides = array<i32>} : memref<64xf32, #tpu.memory_space<vmem>>, vector<16xf32>,
    %get3A_10 = arith.constant 16 : index
    %get3A_11 = tpu.vector_load %arg10[%get3A_10] {strides = array<i32>} : memref<64xf32, #tpu.memory_space<vmem>>, vector<16xf32>,
    %get3A_12 = arith.constant 32 : index
    %get3A_13 = tpu.vector_load %arg10[%get3A_12] {strides = array<i32>} : memref<64xf32, #tpu.memory_space<vmem>>, vector<16xf32>,
    %get3A_14 = arith.constant 48 : index
    %get3A_15 = tpu.vector_load %arg10[%get3A_14] {strides = array<i32>} : memref<64xf32, #tpu.memory_space<vmem>>, vector<16xf32>,
    %iota3A = tpu.iota {dimensions = array<i32: 0>} : vector<16xi32>
    %xor3A = arith.constant 1 : i32
    %xor3A_16 = vector.broadcast %xor3A : i32 to vector<16xi32>
    %xor3A_17 = arith.xori %iota3A, %xor3A_16 : vector<16xi32>
    %xor3A_18 = arith.constant 2 : i32
    %xor3A_19 = vector.broadcast %xor3A_18 : i32 to vector<16xi32>
    %xor3A_20 = arith.xori %iota3A, %xor3A_19 : vector<16xi32>
    %xor3A_21 = arith.constant 4 : i32
    %xor3A_22 = vector.broadcast %xor3A_21 : i32 to vector<16xi32>
    %xor3A_23 = arith.xori %iota3A, %xor3A_22 : vector<16xi32>
    %xor3A_24 = arith.constant 8 : i32
    %xor3A_25 = vector.broadcast %xor3A_24 : i32 to vector<16xi32>
    %xor3A_26 = arith.xori %iota3A, %xor3A_25 : vector<16xi32>
    %mul3A_27 = arith.constant 128 : i32
    %mul3A_28 = arith.muli %add3A, %mul3A_27 : i32
    %run_scoped3A = arith.constant 0 : i32
    "tpu.region"() ({
      %run_scoped3A_144 = tpu.sem_alloc : memref<!tpu.dma_semaphore, #tpu.memory_space<semaphore_mem>>
      %dma_start3A_145 = arith.constant 0 : i32
      %dma_start3A_146 = arith.constant 0 : i32
      %dma_start3A_147 = tpu.memref_slice %arg11[%run_scoped3A, %dma_start3A_145, %dma_start3A_146] : memref<2x2x100xi32, #tpu.memory_space<vmem>> -> memref<1x2x100xi32, #tpu.memory_space<vmem>>
      %dma_start3A_148 = tpu.memref_squeeze %dma_start3A_147 : memref<1x2x100xi32, #tpu.memory_space<vmem>> -> memref<2x100xi32, #tpu.memory_space<vmem>>
      %dma_start3A_149 = arith.constant 0 : i32
      %dma_start3A_150 = arith.constant 0 : i32
      %dma_start3A_151 = tpu.memref_slice %arg2[%mul3A_28, %dma_start3A_149, %dma_start3A_150] : memref<4096x2x100xi32, #tpu.memory_space<hbm>> -> memref<1x2x100xi32, #tpu.memory_space<hbm>>
      %dma_start3A_152 = tpu.memref_squeeze %dma_start3A_151 : memref<1x2x100xi32, #tpu.memory_space<hbm>> -> memref<2x100xi32, #tpu.memory_space<hbm>>
      %dma_start3A_153 = arith.constant 0 : i32
      %dma_start3A_154 = arith.constant 0 : i32
      %dma_start3A_155 = tpu.memref_slice %arg11[%run_scoped3A, %dma_start3A_153, %dma_start3A_154] : memref<2x2x100xi32, #tpu.memory_space<vmem>> -> memref<1x2x100xi32, #tpu.memory_space<vmem>>
      %dma_start3A_156 = tpu.memref_squeeze %dma_start3A_155 : memref<1x2x100xi32, #tpu.memory_space<vmem>> -> memref<2x100xi32, #tpu.memory_space<vmem>>
      %dma_start3A_157 = arith.constant 0 : i32
      %dma_start3A_158 = arith.constant 0 : i32
      %dma_start3A_159 = tpu.memref_slice %arg2[%mul3A_28, %dma_start3A_157, %dma_start3A_158] : memref<4096x2x100xi32, #tpu.memory_space<hbm>> -> memref<1x2x100xi32, #tpu.memory_space<hbm>>
      %dma_start3A_160 = tpu.memref_squeeze %dma_start3A_159 : memref<1x2x100xi32, #tpu.memory_space<hbm>> -> memref<2x100xi32, #tpu.memory_space<hbm>>
      tpu.enqueue_dma source(%dma_start3A_160 : memref<2x100xi32, #tpu.memory_space<hbm>>) target(%dma_start3A_156 : memref<2x100xi32, #tpu.memory_space<vmem>>) target_semaphore(%run_scoped3A_144 : memref<!tpu.dma_semaphore, #tpu.memory_space<semaphore_mem>>)
      %dma_wait3A_161 = arith.constant 0 : i32
      %dma_wait3A_162 = arith.constant 0 : i32
      %dma_wait3A_163 = tpu.memref_slice %arg11[%run_scoped3A, %dma_wait3A_161, %dma_wait3A_162] : memref<2x2x100xi32, #tpu.memory_space<vmem>> -> memref<1x2x100xi32, #tpu.memory_space<vmem>>
      %dma_wait3A_164 = tpu.memref_squeeze %dma_wait3A_163 : memref<1x2x100xi32, #tpu.memory_space<vmem>> -> memref<2x100xi32, #tpu.memory_space<vmem>>
      %dma_wait3A_165 = arith.constant 0 : i32
      %dma_wait3A_166 = arith.constant 0 : i32
      %dma_wait3A_167 = tpu.memref_slice %arg2[%mul3A_28, %dma_wait3A_165, %dma_wait3A_166] : memref<4096x2x100xi32, #tpu.memory_space<hbm>> -> memref<1x2x100xi32, #tpu.memory_space<hbm>>
      %dma_wait3A_168 = tpu.memref_squeeze %dma_wait3A_167 : memref<1x2x100xi32, #tpu.memory_space<hbm>> -> memref<2x100xi32, #tpu.memory_space<hbm>>
      %dma_wait3A_169 = arith.constant 0 : i32
      %dma_wait3A_170 = arith.constant 0 : i32
      %dma_wait3A_171 = tpu.memref_slice %arg11[%run_scoped3A, %dma_wait3A_169, %dma_wait3A_170] : memref<2x2x100xi32, #tpu.memory_space<vmem>> -> memref<1x2x100xi32, #tpu.memory_space<vmem>>
      %dma_wait3A_172 = tpu.memref_squeeze %dma_wait3A_171 : memref<1x2x100xi32, #tpu.memory_space<vmem>> -> memref<2x100xi32, #tpu.memory_space<vmem>>
      %dma_wait3A_173 = arith.constant 0 : i32
      %dma_wait3A_174 = arith.constant 0 : i32
      %dma_wait3A_175 = tpu.memref_slice %arg2[%mul3A_28, %dma_wait3A_173, %dma_wait3A_174] : memref<4096x2x100xi32, #tpu.memory_space<hbm>> -> memref<1x2x100xi32, #tpu.memory_space<hbm>>
      %dma_wait3A_176 = tpu.memref_squeeze %dma_wait3A_175 : memref<1x2x100xi32, #tpu.memory_space<hbm>> -> memref<2x100xi32, #tpu.memory_space<hbm>>
      tpu.wait_dma2 semaphore(%run_scoped3A_144 : memref<!tpu.dma_semaphore, #tpu.memory_space<semaphore_mem>>) src(%dma_wait3A_176 : memref<2x100xi32, #tpu.memory_space<hbm>>) dst(%dma_wait3A_172 : memref<2x100xi32, #tpu.memory_space<vmem>>)
      tpu.yield
    }) : () -> ()
    %dma_start3A = arith.constant 0 : i32
    %dma_start3A_29 = arith.constant 0 : i32
    %dma_start3A_30 = arith.constant 0 : i32
    %dma_start3A_31 = arith.constant 0 : i32
    %dma_start3A_32 = arith.constant 0 : i32
    %dma_start3A_33 = arith.constant 0 : i32
    %dma_start3A_34 = tpu.memref_slice %arg12[%dma_start3A_30, %dma_start3A_32, %dma_start3A_33] : memref<2x200x64xf32, #tpu.memory_space<vmem>> -> memref<1x100x64xf32, #tpu.memory_space<vmem>>
    %dma_start3A_35 = tpu.memref_squeeze %dma_start3A_34 : memref<1x100x64xf32, #tpu.memory_space<vmem>> -> memref<100x64xf32, #tpu.memory_space<vmem>>
    %dma_start3A_36 = arith.constant 0 : i32
    %dma_start3A_37 = tpu.memref_slice %arg11[%dma_start3A, %dma_start3A_29, %dma_start3A_36] : memref<2x2x100xi32, #tpu.memory_space<vmem>> -> memref<1x1x100xi32, #tpu.memory_space<vmem>>
    %dma_start3A_38 = tpu.memref_squeeze %dma_start3A_37 : memref<1x1x100xi32, #tpu.memory_space<vmem>> -> memref<100xi32, #tpu.memory_space<vmem>>
    %dma_start3A_39 = arith.constant 0 : i32
    %dma_start3A_40 = arith.constant 0 : i32
    %dma_start3A_41 = tpu.memref_slice %arg3[%dma_start3A_39, %dma_start3A_40] : memref<1000000x64xf32, #tpu.memory_space<hbm>> -> memref<1000000x64xf32, #tpu.memory_space<hbm>>
    %dma_start3A_42 = tpu.memref_slice %arg14[%dma_start3A_31] : memref<2x!tpu.dma_semaphore, #tpu.memory_space<semaphore_mem>> -> memref<1x!tpu.dma_semaphore, #tpu.memory_space<semaphore_mem>>
    %dma_start3A_43 = tpu.memref_squeeze %dma_start3A_42 : memref<1x!tpu.dma_semaphore, #tpu.memory_space<semaphore_mem>> -> memref<!tpu.dma_semaphore, #tpu.memory_space<semaphore_mem>>
    tpu.enqueue_indirect_dma source(%dma_start3A_41 : memref<1000000x64xf32, #tpu.memory_space<hbm>>) target(%dma_start3A_35 : memref<100x64xf32, #tpu.memory_space<vmem>>) offsets(%dma_start3A_38 : memref<100xi32, #tpu.memory_space<vmem>>) semaphore(%dma_start3A_43 : memref<!tpu.dma_semaphore, #tpu.memory_space<semaphore_mem>>)
    %dma_start3A_44 = arith.constant 0 : i32
    %dma_start3A_45 = arith.constant 1 : i32
    %dma_start3A_46 = arith.constant 0 : i32
    %dma_start3A_47 = arith.constant 0 : i32
    %dma_start3A_48 = arith.constant 100 : i32
    %dma_start3A_49 = arith.constant 0 : i32
    %dma_start3A_50 = tpu.memref_slice %arg12[%dma_start3A_46, %dma_start3A_48, %dma_start3A_49] : memref<2x200x64xf32, #tpu.memory_space<vmem>> -> memref<1x100x64xf32, #tpu.memory_space<vmem>>
    %dma_start3A_51 = tpu.memref_squeeze %dma_start3A_50 : memref<1x100x64xf32, #tpu.memory_space<vmem>> -> memref<100x64xf32, #tpu.memory_space<vmem>>
    %dma_start3A_52 = arith.constant 0 : i32
    %dma_start3A_53 = tpu.memref_slice %arg11[%dma_start3A_44, %dma_start3A_45, %dma_start3A_52] : memref<2x2x100xi32, #tpu.memory_space<vmem>> -> memref<1x1x100xi32, #tpu.memory_space<vmem>>
    %dma_start3A_54 = tpu.memref_squeeze %dma_start3A_53 : memref<1x1x100xi32, #tpu.memory_space<vmem>> -> memref<100xi32, #tpu.memory_space<vmem>>
    %dma_start3A_55 = arith.constant 0 : i32
    %dma_start3A_56 = arith.constant 0 : i32
    %dma_start3A_57 = tpu.memref_slice %arg3[%dma_start3A_55, %dma_start3A_56] : memref<1000000x64xf32, #tpu.memory_space<hbm>> -> memref<1000000x64xf32, #tpu.memory_space<hbm>>
    %dma_start3A_58 = tpu.memref_slice %arg14[%dma_start3A_47] : memref<2x!tpu.dma_semaphore, #tpu.memory_space<semaphore_mem>> -> memref<1x!tpu.dma_semaphore, #tpu.memory_space<semaphore_mem>>
    %dma_start3A_59 = tpu.memref_squeeze %dma_start3A_58 : memref<1x!tpu.dma_semaphore, #tpu.memory_space<semaphore_mem>> -> memref<!tpu.dma_semaphore, #tpu.memory_space<semaphore_mem>>
    tpu.enqueue_indirect_dma source(%dma_start3A_57 : memref<1000000x64xf32, #tpu.memory_space<hbm>>) target(%dma_start3A_51 : memref<100x64xf32, #tpu.memory_space<vmem>>) offsets(%dma_start3A_54 : memref<100xi32, #tpu.memory_space<vmem>>) semaphore(%dma_start3A_59 : memref<!tpu.dma_semaphore, #tpu.memory_space<semaphore_mem>>)
    %scan3A = arith.constant 0 : i32
    %scan3A_60 = arith.constant 0 : i32
    %scan3A_61 = arith.constant 64 : i32
    %scan3A_62 = arith.addi %scan3A_60, %scan3A_61 : i32
    %scan3A_63 = arith.constant 1 : i32
    %scan3A_64 = scf.for %scan3A_144 = %scan3A_60 to %scan3A_62 step %scan3A_63 iter_args(%scan3A_145 = %scan3A) -> (i32)  : i32 {
      %mul3A_146 = arith.constant 2 : i32
      %mul3A_147 = arith.muli %mul3A_146, %scan3A_144 : i32
      %add3A_148 = arith.constant 0 : i32
      %add3A_149 = arith.addi %mul3A_147, %add3A_148 : i32
      %add3A_150 = arith.addi %mul3A_28, %add3A_149 : i32
      %add3A_151 = arith.constant 1 : i32
      %add3A_152 = arith.addi %add3A_150, %add3A_151 : i32
      %min3A = arith.constant 4095 : i32
      %min3A_153 = arith.minsi %add3A_152, %min3A : i32
      %run_scoped3A_154 = arith.constant 1 : i32
      "tpu.region"() ({
        %run_scoped3A_346 = tpu.sem_alloc : memref<!tpu.dma_semaphore, #tpu.memory_space<semaphore_mem>>
        %dma_start3A_347 = arith.constant 0 : i32
        %dma_start3A_348 = arith.constant 0 : i32
        %dma_start3A_349 = tpu.memref_slice %arg11[%run_scoped3A_154, %dma_start3A_347, %dma_start3A_348] : memref<2x2x100xi32, #tpu.memory_space<vmem>> -> memref<1x2x100xi32, #tpu.memory_space<vmem>>
        %dma_start3A_350 = tpu.memref_squeeze %dma_start3A_349 : memref<1x2x100xi32, #tpu.memory_space<vmem>> -> memref<2x100xi32, #tpu.memory_space<vmem>>
        %dma_start3A_351 = arith.constant 0 : i32
        %dma_start3A_352 = arith.constant 0 : i32
        %dma_start3A_353 = tpu.memref_slice %arg2[%min3A_153, %dma_start3A_351, %dma_start3A_352] : memref<4096x2x100xi32, #tpu.memory_space<hbm>> -> memref<1x2x100xi32, #tpu.memory_space<hbm>>
        %dma_start3A_354 = tpu.memref_squeeze %dma_start3A_353 : memref<1x2x100xi32, #tpu.memory_space<hbm>> -> memref<2x100xi32, #tpu.memory_space<hbm>>
        %dma_start3A_355 = arith.constant 0 : i32
        %dma_start3A_356 = arith.constant 0 : i32
        %dma_start3A_357 = tpu.memref_slice %arg11[%run_scoped3A_154, %dma_start3A_355, %dma_start3A_356] : memref<2x2x100xi32, #tpu.memory_space<vmem>> -> memref<1x2x100xi32, #tpu.memory_space<vmem>>
        %dma_start3A_358 = tpu.memref_squeeze %dma_start3A_357 : memref<1x2x100xi32, #tpu.memory_space<vmem>> -> memref<2x100xi32, #tpu.memory_space<vmem>>
        %dma_start3A_359 = arith.constant 0 : i32
        %dma_start3A_360 = arith.constant 0 : i32
        %dma_start3A_361 = tpu.memref_slice %arg2[%min3A_153, %dma_start3A_359, %dma_start3A_360] : memref<4096x2x100xi32, #tpu.memory_space<hbm>> -> memref<1x2x100xi32, #tpu.memory_space<hbm>>
        %dma_start3A_362 = tpu.memref_squeeze %dma_start3A_361 : memref<1x2x100xi32, #tpu.memory_space<hbm>> -> memref<2x100xi32, #tpu.memory_space<hbm>>
        tpu.enqueue_dma source(%dma_start3A_362 : memref<2x100xi32, #tpu.memory_space<hbm>>) target(%dma_start3A_358 : memref<2x100xi32, #tpu.memory_space<vmem>>) target_semaphore(%run_scoped3A_346 : memref<!tpu.dma_semaphore, #tpu.memory_space<semaphore_mem>>)
        %dma_wait3A_363 = arith.constant 0 : i32
        %dma_wait3A_364 = arith.constant 0 : i32
        %dma_wait3A_365 = tpu.memref_slice %arg11[%run_scoped3A_154, %dma_wait3A_363, %dma_wait3A_364] : memref<2x2x100xi32, #tpu.memory_space<vmem>> -> memref<1x2x100xi32, #tpu.memory_space<vmem>>
        %dma_wait3A_366 = tpu.memref_squeeze %dma_wait3A_365 : memref<1x2x100xi32, #tpu.memory_space<vmem>> -> memref<2x100xi32, #tpu.memory_space<vmem>>
        %dma_wait3A_367 = arith.constant 0 : i32
        %dma_wait3A_368 = arith.constant 0 : i32
        %dma_wait3A_369 = tpu.memref_slice %arg2[%min3A_153, %dma_wait3A_367, %dma_wait3A_368] : memref<4096x2x100xi32, #tpu.memory_space<hbm>> -> memref<1x2x100xi32, #tpu.memory_space<hbm>>
        %dma_wait3A_370 = tpu.memref_squeeze %dma_wait3A_369 : memref<1x2x100xi32, #tpu.memory_space<hbm>> -> memref<2x100xi32, #tpu.memory_space<hbm>>
        %dma_wait3A_371 = arith.constant 0 : i32
        %dma_wait3A_372 = arith.constant 0 : i32
        %dma_wait3A_373 = tpu.memref_slice %arg11[%run_scoped3A_154, %dma_wait3A_371, %dma_wait3A_372] : memref<2x2x100xi32, #tpu.memory_space<vmem>> -> memref<1x2x100xi32, #tpu.memory_space<vmem>>
        %dma_wait3A_374 = tpu.memref_squeeze %dma_wait3A_373 : memref<1x2x100xi32, #tpu.memory_space<vmem>> -> memref<2x100xi32, #tpu.memory_space<vmem>>
        %dma_wait3A_375 = arith.constant 0 : i32
        %dma_wait3A_376 = arith.constant 0 : i32
        %dma_wait3A_377 = tpu.memref_slice %arg2[%min3A_153, %dma_wait3A_375, %dma_wait3A_376] : memref<4096x2x100xi32, #tpu.memory_space<hbm>> -> memref<1x2x100xi32, #tpu.memory_space<hbm>>
        %dma_wait3A_378 = tpu.memref_squeeze %dma_wait3A_377 : memref<1x2x100xi32, #tpu.memory_space<hbm>> -> memref<2x100xi32, #tpu.memory_space<hbm>>
        tpu.wait_dma2 semaphore(%run_scoped3A_346 : memref<!tpu.dma_semaphore, #tpu.memory_space<semaphore_mem>>) src(%dma_wait3A_378 : memref<2x100xi32, #tpu.memory_space<hbm>>) dst(%dma_wait3A_374 : memref<2x100xi32, #tpu.memory_space<vmem>>)
        tpu.yield
      }) : () -> ()
      %dma_start3A_155 = arith.constant 1 : i32
      %dma_start3A_156 = arith.constant 0 : i32
      %dma_start3A_157 = arith.constant 1 : i32
      %dma_start3A_158 = arith.constant 1 : i32
      %dma_start3A_159 = arith.constant 0 : i32
      %dma_start3A_160 = arith.constant 0 : i32
      %dma_start3A_161 = tpu.memref_slice %arg12[%dma_start3A_157, %dma_start3A_159, %dma_start3A_160] : memref<2x200x64xf32, #tpu.memory_space<vmem>> -> memref<1x100x64xf32, #tpu.memory_space<vmem>>
      %dma_start3A_162 = tpu.memref_squeeze %dma_start3A_161 : memref<1x100x64xf32, #tpu.memory_space<vmem>> -> memref<100x64xf32, #tpu.memory_space<vmem>>
      %dma_start3A_163 = arith.constant 0 : i32
      %dma_start3A_164 = tpu.memref_slice %arg11[%dma_start3A_155, %dma_start3A_156, %dma_start3A_163] : memref<2x2x100xi32, #tpu.memory_space<vmem>> -> memref<1x1x100xi32, #tpu.memory_space<vmem>>
      %dma_start3A_165 = tpu.memref_squeeze %dma_start3A_164 : memref<1x1x100xi32, #tpu.memory_space<vmem>> -> memref<100xi32, #tpu.memory_space<vmem>>
      %dma_start3A_166 = arith.constant 0 : i32
      %dma_start3A_167 = arith.constant 0 : i32
      %dma_start3A_168 = tpu.memref_slice %arg3[%dma_start3A_166, %dma_start3A_167] : memref<1000000x64xf32, #tpu.memory_space<hbm>> -> memref<1000000x64xf32, #tpu.memory_space<hbm>>
      %dma_start3A_169 = tpu.memref_slice %arg14[%dma_start3A_158] : memref<2x!tpu.dma_semaphore, #tpu.memory_space<semaphore_mem>> -> memref<1x!tpu.dma_semaphore, #tpu.memory_space<semaphore_mem>>
      %dma_start3A_170 = tpu.memref_squeeze %dma_start3A_169 : memref<1x!tpu.dma_semaphore, #tpu.memory_space<semaphore_mem>> -> memref<!tpu.dma_semaphore, #tpu.memory_space<semaphore_mem>>
      tpu.enqueue_indirect_dma source(%dma_start3A_168 : memref<1000000x64xf32, #tpu.memory_space<hbm>>) target(%dma_start3A_162 : memref<100x64xf32, #tpu.memory_space<vmem>>) offsets(%dma_start3A_165 : memref<100xi32, #tpu.memory_space<vmem>>) semaphore(%dma_start3A_170 : memref<!tpu.dma_semaphore, #tpu.memory_space<semaphore_mem>>)
      %dma_start3A_171 = arith.constant 1 : i32
      %dma_start3A_172 = arith.constant 1 : i32
      %dma_start3A_173 = arith.constant 1 : i32
      %dma_start3A_174 = arith.constant 1 : i32
      %dma_start3A_175 = arith.constant 100 : i32
      %dma_start3A_176 = arith.constant 0 : i32
      %dma_start3A_177 = tpu.memref_slice %arg12[%dma_start3A_173, %dma_start3A_175, %dma_start3A_176] : memref<2x200x64xf32, #tpu.memory_space<vmem>> -> memref<1x100x64xf32, #tpu.memory_space<vmem>>
      %dma_start3A_178 = tpu.memref_squeeze %dma_start3A_177 : memref<1x100x64xf32, #tpu.memory_space<vmem>> -> memref<100x64xf32, #tpu.memory_space<vmem>>
      %dma_start3A_179 = arith.constant 0 : i32
      %dma_start3A_180 = tpu.memref_slice %arg11[%dma_start3A_171, %dma_start3A_172, %dma_start3A_179] : memref<2x2x100xi32, #tpu.memory_space<vmem>> -> memref<1x1x100xi32, #tpu.memory_space<vmem>>
      %dma_start3A_181 = tpu.memref_squeeze %dma_start3A_180 : memref<1x1x100xi32, #tpu.memory_space<vmem>> -> memref<100xi32, #tpu.memory_space<vmem>>
      %dma_start3A_182 = arith.constant 0 : i32
      %dma_start3A_183 = arith.constant 0 : i32
      %dma_start3A_184 = tpu.memref_slice %arg3[%dma_start3A_182, %dma_start3A_183] : memref<1000000x64xf32, #tpu.memory_space<hbm>> -> memref<1000000x64xf32, #tpu.memory_space<hbm>>
      %dma_start3A_185 = tpu.memref_slice %arg14[%dma_start3A_174] : memref<2x!tpu.dma_semaphore, #tpu.memory_space<semaphore_mem>> -> memref<1x!tpu.dma_semaphore, #tpu.memory_space<semaphore_mem>>
      %dma_start3A_186 = tpu.memref_squeeze %dma_start3A_185 : memref<1x!tpu.dma_semaphore, #tpu.memory_space<semaphore_mem>> -> memref<!tpu.dma_semaphore, #tpu.memory_space<semaphore_mem>>
      tpu.enqueue_indirect_dma source(%dma_start3A_184 : memref<1000000x64xf32, #tpu.memory_space<hbm>>) target(%dma_start3A_178 : memref<100x64xf32, #tpu.memory_space<vmem>>) offsets(%dma_start3A_181 : memref<100xi32, #tpu.memory_space<vmem>>) semaphore(%dma_start3A_186 : memref<!tpu.dma_semaphore, #tpu.memory_space<semaphore_mem>>)
      %dma_wait3A_187 = arith.constant 0 : i32
      %dma_wait3A_188 = arith.constant 0 : i32
      %dma_wait3A_189 = arith.constant 0 : i32
      %dma_wait3A_190 = arith.constant 0 : i32
      %dma_wait3A_191 = arith.constant 0 : i32
      %dma_wait3A_192 = arith.constant 0 : i32
      %dma_wait3A_193 = tpu.memref_slice %arg12[%dma_wait3A_189, %dma_wait3A_191, %dma_wait3A_192] : memref<2x200x64xf32, #tpu.memory_space<vmem>> -> memref<1x100x64xf32, #tpu.memory_space<vmem>>
      %dma_wait3A_194 = tpu.memref_squeeze %dma_wait3A_193 : memref<1x100x64xf32, #tpu.memory_space<vmem>> -> memref<100x64xf32, #tpu.memory_space<vmem>>
      %dma_wait3A_195 = arith.constant 0 : i32
      %dma_wait3A_196 = tpu.memref_slice %arg11[%dma_wait3A_187, %dma_wait3A_188, %dma_wait3A_195] : memref<2x2x100xi32, #tpu.memory_space<vmem>> -> memref<1x1x100xi32, #tpu.memory_space<vmem>>
      %dma_wait3A_197 = tpu.memref_squeeze %dma_wait3A_196 : memref<1x1x100xi32, #tpu.memory_space<vmem>> -> memref<100xi32, #tpu.memory_space<vmem>>
      %dma_wait3A_198 = arith.constant 0 : i32
      %dma_wait3A_199 = arith.constant 0 : i32
      %dma_wait3A_200 = tpu.memref_slice %arg3[%dma_wait3A_198, %dma_wait3A_199] : memref<1000000x64xf32, #tpu.memory_space<hbm>> -> memref<1000000x64xf32, #tpu.memory_space<hbm>>
      %dma_wait3A_201 = tpu.memref_slice %arg14[%dma_wait3A_190] : memref<2x!tpu.dma_semaphore, #tpu.memory_space<semaphore_mem>> -> memref<1x!tpu.dma_semaphore, #tpu.memory_space<semaphore_mem>>
      %dma_wait3A_202 = tpu.memref_squeeze %dma_wait3A_201 : memref<1x!tpu.dma_semaphore, #tpu.memory_space<semaphore_mem>> -> memref<!tpu.dma_semaphore, #tpu.memory_space<semaphore_mem>>
      tpu.wait_indirect_dma semaphore(%dma_wait3A_202 : memref<!tpu.dma_semaphore, #tpu.memory_space<semaphore_mem>>) src(%dma_wait3A_200 : memref<1000000x64xf32, #tpu.memory_space<hbm>>) dst(%dma_wait3A_194 : memref<100x64xf32, #tpu.memory_space<vmem>>)
      %dma_wait3A_203 = arith.constant 0 : i32
      %dma_wait3A_204 = arith.constant 1 : i32
      %dma_wait3A_205 = arith.constant 0 : i32
      %dma_wait3A_206 = arith.constant 0 : i32
      %dma_wait3A_207 = arith.constant 100 : i32
      %dma_wait3A_208 = arith.constant 0 : i32
      %dma_wait3A_209 = tpu.memref_slice %arg12[%dma_wait3A_205, %dma_wait3A_207, %dma_wait3A_208] : memref<2x200x64xf32, #tpu.memory_space<vmem>> -> memref<1x100x64xf32, #tpu.memory_space<vmem>>
      %dma_wait3A_210 = tpu.memref_squeeze %dma_wait3A_209 : memref<1x100x64xf32, #tpu.memory_space<vmem>> -> memref<100x64xf32, #tpu.memory_space<vmem>>
      %dma_wait3A_211 = arith.constant 0 : i32
      %dma_wait3A_212 = tpu.memref_slice %arg11[%dma_wait3A_203, %dma_wait3A_204, %dma_wait3A_211] : memref<2x2x100xi32, #tpu.memory_space<vmem>> -> memref<1x1x100xi32, #tpu.memory_space<vmem>>
      %dma_wait3A_213 = tpu.memref_squeeze %dma_wait3A_212 : memref<1x1x100xi32, #tpu.memory_space<vmem>> -> memref<100xi32, #tpu.memory_space<vmem>>
      %dma_wait3A_214 = arith.constant 0 : i32
      %dma_wait3A_215 = arith.constant 0 : i32
      %dma_wait3A_216 = tpu.memref_slice %arg3[%dma_wait3A_214, %dma_wait3A_215] : memref<1000000x64xf32, #tpu.memory_space<hbm>> -> memref<1000000x64xf32, #tpu.memory_space<hbm>>
      %dma_wait3A_217 = tpu.memref_slice %arg14[%dma_wait3A_206] : memref<2x!tpu.dma_semaphore, #tpu.memory_space<semaphore_mem>> -> memref<1x!tpu.dma_semaphore, #tpu.memory_space<semaphore_mem>>
      %dma_wait3A_218 = tpu.memref_squeeze %dma_wait3A_217 : memref<1x!tpu.dma_semaphore, #tpu.memory_space<semaphore_mem>> -> memref<!tpu.dma_semaphore, #tpu.memory_space<semaphore_mem>>
      tpu.wait_indirect_dma semaphore(%dma_wait3A_218 : memref<!tpu.dma_semaphore, #tpu.memory_space<semaphore_mem>>) src(%dma_wait3A_216 : memref<1000000x64xf32, #tpu.memory_space<hbm>>) dst(%dma_wait3A_210 : memref<100x64xf32, #tpu.memory_space<vmem>>)
      %ge3A = arith.constant 1 : i32
      %ge3A_219 = arith.cmpi sge, %scan3A_144, %ge3A : i32
      %convert_element_type3A = arith.extui %ge3A_219 : i1 to i32
      %cond3A = arith.constant 0 : i32
      %cond3A_220 = arith.cmpi ne, %convert_element_type3A, %cond3A : i32
      scf.if %cond3A_220 {
        %sub3A_346 = arith.constant 2 : i32
        %sub3A_347 = arith.subi %add3A_150, %sub3A_346 : i32
        %max3A = arith.constant 0 : i32
        %max3A_348 = arith.maxsi %sub3A_347, %max3A : i32
        %dma_wait3A_349 = arith.constant 0 : i32
        %dma_wait3A_350 = arith.constant 0 : i32
        %dma_wait3A_351 = arith.constant 0 : i32
        %dma_wait3A_352 = arith.constant 0 : i32
        %dma_wait3A_353 = tpu.memref_slice %arg13[%dma_wait3A_349, %dma_wait3A_351, %dma_wait3A_352] : memref<2x200x64xf32, #tpu.memory_space<vmem>> -> memref<1x200x64xf32, #tpu.memory_space<vmem>>
        %dma_wait3A_354 = tpu.memref_squeeze %dma_wait3A_353 : memref<1x200x64xf32, #tpu.memory_space<vmem>> -> memref<200x64xf32, #tpu.memory_space<vmem>>
        %dma_wait3A_355 = arith.constant 0 : i32
        %dma_wait3A_356 = arith.constant 0 : i32
        %dma_wait3A_357 = tpu.memref_slice %arg7[%max3A_348, %dma_wait3A_355, %dma_wait3A_356] : memref<4096x200x64xf32, #tpu.memory_space<hbm>> -> memref<1x200x64xf32, #tpu.memory_space<hbm>>
        %dma_wait3A_358 = tpu.memref_squeeze %dma_wait3A_357 : memref<1x200x64xf32, #tpu.memory_space<hbm>> -> memref<200x64xf32, #tpu.memory_space<hbm>>
        %dma_wait3A_359 = tpu.memref_slice %arg15[%dma_wait3A_350] : memref<2x!tpu.dma_semaphore, #tpu.memory_space<semaphore_mem>> -> memref<1x!tpu.dma_semaphore, #tpu.memory_space<semaphore_mem>>
        %dma_wait3A_360 = tpu.memref_squeeze %dma_wait3A_359 : memref<1x!tpu.dma_semaphore, #tpu.memory_space<semaphore_mem>> -> memref<!tpu.dma_semaphore, #tpu.memory_space<semaphore_mem>>
        %dma_wait3A_361 = arith.constant 0 : i32
        %dma_wait3A_362 = arith.constant 0 : i32
        %dma_wait3A_363 = tpu.memref_slice %arg7[%max3A_348, %dma_wait3A_361, %dma_wait3A_362] : memref<4096x200x64xf32, #tpu.memory_space<hbm>> -> memref<1x200x64xf32, #tpu.memory_space<hbm>>
        %dma_wait3A_364 = tpu.memref_squeeze %dma_wait3A_363 : memref<1x200x64xf32, #tpu.memory_space<hbm>> -> memref<200x64xf32, #tpu.memory_space<hbm>>
        %dma_wait3A_365 = arith.constant 0 : i32
        %dma_wait3A_366 = arith.constant 0 : i32
        %dma_wait3A_367 = tpu.memref_slice %arg13[%dma_wait3A_349, %dma_wait3A_365, %dma_wait3A_366] : memref<2x200x64xf32, #tpu.memory_space<vmem>> -> memref<1x200x64xf32, #tpu.memory_space<vmem>>
        %dma_wait3A_368 = tpu.memref_squeeze %dma_wait3A_367 : memref<1x200x64xf32, #tpu.memory_space<vmem>> -> memref<200x64xf32, #tpu.memory_space<vmem>>
        tpu.wait_dma2 semaphore(%dma_wait3A_360 : memref<!tpu.dma_semaphore, #tpu.memory_space<semaphore_mem>>) src(%dma_wait3A_368 : memref<200x64xf32, #tpu.memory_space<vmem>>) dst(%dma_wait3A_364 : memref<200x64xf32, #tpu.memory_space<hbm>>)
      } else {
      }
      %parallel_loop3A = arith.constant 0 : i32
      %parallel_loop3A_221 = arith.constant 200 : i32
      %parallel_loop3A_222 = arith.constant 1 : i32
      scf.for %parallel_loop3A_346 = %parallel_loop3A to %parallel_loop3A_221 step %parallel_loop3A_222  : i32 {
        %parallel_loop3A_347 = arith.constant 0 : i32
        %parallel_loop3A_348 = arith.index_cast %parallel_loop3A_347 : i32 to index
        %parallel_loop3A_349 = arith.index_cast %parallel_loop3A_346 : i32 to index
        %parallel_loop3A_350 = arith.constant 0 : index
        %parallel_loop3A_351 = tpu.vector_load %arg12[%parallel_loop3A_348, %parallel_loop3A_349, %parallel_loop3A_350] {strides = array<i32>} : memref<2x200x64xf32, #tpu.memory_space<vmem>>, vector<16xf32>,
        %parallel_loop3A_352 = arith.index_cast %parallel_loop3A_346 : i32 to index
        %parallel_loop3A_353 = arith.constant 0 : index
        %parallel_loop3A_354 = tpu.vector_load %arg8[%parallel_loop3A_352, %parallel_loop3A_353] {strides = array<i32>} : memref<200x64xf32, #tpu.memory_space<vmem>>, vector<16xf32>,
        %parallel_loop3A_355 = arith.addf %parallel_loop3A_351, %parallel_loop3A_354 : vector<16xf32>
        %parallel_loop3A_356 = arith.constant 0 : i32
        %parallel_loop3A_357 = arith.index_cast %parallel_loop3A_356 : i32 to index
        %parallel_loop3A_358 = arith.index_cast %parallel_loop3A_346 : i32 to index
        %parallel_loop3A_359 = arith.constant 16 : index
        %parallel_loop3A_360 = tpu.vector_load %arg12[%parallel_loop3A_357, %parallel_loop3A_358, %parallel_loop3A_359] {strides = array<i32>} : memref<2x200x64xf32, #tpu.memory_space<vmem>>, vector<16xf32>,
        %parallel_loop3A_361 = arith.index_cast %parallel_loop3A_346 : i32 to index
        %parallel_loop3A_362 = arith.constant 16 : index
        %parallel_loop3A_363 = tpu.vector_load %arg8[%parallel_loop3A_361, %parallel_loop3A_362] {strides = array<i32>} : memref<200x64xf32, #tpu.memory_space<vmem>>, vector<16xf32>,
        %parallel_loop3A_364 = arith.addf %parallel_loop3A_360, %parallel_loop3A_363 : vector<16xf32>
        %parallel_loop3A_365 = arith.constant 0 : i32
        %parallel_loop3A_366 = arith.index_cast %parallel_loop3A_365 : i32 to index
        %parallel_loop3A_367 = arith.index_cast %parallel_loop3A_346 : i32 to index
        %parallel_loop3A_368 = arith.constant 32 : index
        %parallel_loop3A_369 = tpu.vector_load %arg12[%parallel_loop3A_366, %parallel_loop3A_367, %parallel_loop3A_368] {strides = array<i32>} : memref<2x200x64xf32, #tpu.memory_space<vmem>>, vector<16xf32>,
        %parallel_loop3A_370 = arith.index_cast %parallel_loop3A_346 : i32 to index
        %parallel_loop3A_371 = arith.constant 32 : index
        %parallel_loop3A_372 = tpu.vector_load %arg8[%parallel_loop3A_370, %parallel_loop3A_371] {strides = array<i32>} : memref<200x64xf32, #tpu.memory_space<vmem>>, vector<16xf32>,
        %parallel_loop3A_373 = arith.addf %parallel_loop3A_369, %parallel_loop3A_372 : vector<16xf32>
        %parallel_loop3A_374 = arith.constant 0 : i32
        %parallel_loop3A_375 = arith.index_cast %parallel_loop3A_374 : i32 to index
        %parallel_loop3A_376 = arith.index_cast %parallel_loop3A_346 : i32 to index
        %parallel_loop3A_377 = arith.constant 48 : index
        %parallel_loop3A_378 = tpu.vector_load %arg12[%parallel_loop3A_375, %parallel_loop3A_376, %parallel_loop3A_377] {strides = array<i32>} : memref<2x200x64xf32, #tpu.memory_space<vmem>>, vector<16xf32>,
        %parallel_loop3A_379 = arith.index_cast %parallel_loop3A_346 : i32 to index
        %parallel_loop3A_380 = arith.constant 48 : index
        %parallel_loop3A_381 = tpu.vector_load %arg8[%parallel_loop3A_379, %parallel_loop3A_380] {strides = array<i32>} : memref<200x64xf32, #tpu.memory_space<vmem>>, vector<16xf32>,
        %parallel_loop3A_382 = arith.addf %parallel_loop3A_378, %parallel_loop3A_381 : vector<16xf32>
        %parallel_loop3A_383 = arith.addf %parallel_loop3A_355, %parallel_loop3A_364 : vector<16xf32>
        %parallel_loop3A_384 = arith.addf %parallel_loop3A_383, %parallel_loop3A_373 : vector<16xf32>
        %parallel_loop3A_385 = arith.addf %parallel_loop3A_384, %parallel_loop3A_382 : vector<16xf32>
        %parallel_loop3A_386 = vector.shape_cast %xor3A_17 : vector<16xi32> to vector<16x1xi32>
        %parallel_loop3A_387 = vector.shape_cast %parallel_loop3A_386 : vector<16x1xi32> to vector<16xi32>
        %parallel_loop3A_388 = tpu.dynamic_gather %parallel_loop3A_385[%parallel_loop3A_387] in [0] : vector<16xf32>, vector<16xi32> -> vector<16xf32>
        %parallel_loop3A_389 = arith.addf %parallel_loop3A_385, %parallel_loop3A_388 : vector<16xf32>
        %parallel_loop3A_390 = vector.shape_cast %xor3A_20 : vector<16xi32> to vector<16x1xi32>
        %parallel_loop3A_391 = vector.shape_cast %parallel_loop3A_390 : vector<16x1xi32> to vector<16xi32>
        %parallel_loop3A_392 = tpu.dynamic_gather %parallel_loop3A_389[%parallel_loop3A_391] in [0] : vector<16xf32>, vector<16xi32> -> vector<16xf32>
        %parallel_loop3A_393 = arith.addf %parallel_loop3A_389, %parallel_loop3A_392 : vector<16xf32>
        %parallel_loop3A_394 = vector.shape_cast %xor3A_23 : vector<16xi32> to vector<16x1xi32>
        %parallel_loop3A_395 = vector.shape_cast %parallel_loop3A_394 : vector<16x1xi32> to vector<16xi32>
        %parallel_loop3A_396 = tpu.dynamic_gather %parallel_loop3A_393[%parallel_loop3A_395] in [0] : vector<16xf32>, vector<16xi32> -> vector<16xf32>
        %parallel_loop3A_397 = arith.addf %parallel_loop3A_393, %parallel_loop3A_396 : vector<16xf32>
        %parallel_loop3A_398 = vector.shape_cast %xor3A_26 : vector<16xi32> to vector<16x1xi32>
        %parallel_loop3A_399 = vector.shape_cast %parallel_loop3A_398 : vector<16x1xi32> to vector<16xi32>
        %parallel_loop3A_400 = tpu.dynamic_gather %parallel_loop3A_397[%parallel_loop3A_399] in [0] : vector<16xf32>, vector<16xi32> -> vector<16xf32>
        %parallel_loop3A_401 = arith.addf %parallel_loop3A_397, %parallel_loop3A_400 : vector<16xf32>
        %parallel_loop3A_402 = arith.mulf %parallel_loop3A_355, %parallel_loop3A_355 : vector<16xf32>
        %parallel_loop3A_403 = arith.mulf %parallel_loop3A_364, %parallel_loop3A_364 : vector<16xf32>
        %parallel_loop3A_404 = arith.addf %parallel_loop3A_402, %parallel_loop3A_403 : vector<16xf32>
        %parallel_loop3A_405 = arith.mulf %parallel_loop3A_373, %parallel_loop3A_373 : vector<16xf32>
        %parallel_loop3A_406 = arith.addf %parallel_loop3A_404, %parallel_loop3A_405 : vector<16xf32>
        %parallel_loop3A_407 = arith.mulf %parallel_loop3A_382, %parallel_loop3A_382 : vector<16xf32>
        %parallel_loop3A_408 = arith.addf %parallel_loop3A_406, %parallel_loop3A_407 : vector<16xf32>
        %parallel_loop3A_409 = vector.shape_cast %xor3A_17 : vector<16xi32> to vector<16x1xi32>
        %parallel_loop3A_410 = vector.shape_cast %parallel_loop3A_409 : vector<16x1xi32> to vector<16xi32>
        %parallel_loop3A_411 = tpu.dynamic_gather %parallel_loop3A_408[%parallel_loop3A_410] in [0] : vector<16xf32>, vector<16xi32> -> vector<16xf32>
        %parallel_loop3A_412 = arith.addf %parallel_loop3A_408, %parallel_loop3A_411 : vector<16xf32>
        %parallel_loop3A_413 = vector.shape_cast %xor3A_20 : vector<16xi32> to vector<16x1xi32>
        %parallel_loop3A_414 = vector.shape_cast %parallel_loop3A_413 : vector<16x1xi32> to vector<16xi32>
        %parallel_loop3A_415 = tpu.dynamic_gather %parallel_loop3A_412[%parallel_loop3A_414] in [0] : vector<16xf32>, vector<16xi32> -> vector<16xf32>
        %parallel_loop3A_416 = arith.addf %parallel_loop3A_412, %parallel_loop3A_415 : vector<16xf32>
        %parallel_loop3A_417 = vector.shape_cast %xor3A_23 : vector<16xi32> to vector<16x1xi32>
        %parallel_loop3A_418 = vector.shape_cast %parallel_loop3A_417 : vector<16x1xi32> to vector<16xi32>
        %parallel_loop3A_419 = tpu.dynamic_gather %parallel_loop3A_416[%parallel_loop3A_418] in [0] : vector<16xf32>, vector<16xi32> -> vector<16xf32>
        %parallel_loop3A_420 = arith.addf %parallel_loop3A_416, %parallel_loop3A_419 : vector<16xf32>
        %parallel_loop3A_421 = vector.shape_cast %xor3A_26 : vector<16xi32> to vector<16x1xi32>
        %parallel_loop3A_422 = vector.shape_cast %parallel_loop3A_421 : vector<16x1xi32> to vector<16xi32>
        %parallel_loop3A_423 = tpu.dynamic_gather %parallel_loop3A_420[%parallel_loop3A_422] in [0] : vector<16xf32>, vector<16xi32> -> vector<16xf32>
        %parallel_loop3A_424 = arith.addf %parallel_loop3A_420, %parallel_loop3A_423 : vector<16xf32>
        %parallel_loop3A_425 = arith.constant 1.562500e-02 : f32
        %parallel_loop3A_426 = vector.broadcast %parallel_loop3A_425 : f32 to vector<16xf32>
        %parallel_loop3A_427 = arith.mulf %parallel_loop3A_401, %parallel_loop3A_426 : vector<16xf32>
        %parallel_loop3A_428 = arith.constant 1.562500e-02 : f32
        %parallel_loop3A_429 = vector.broadcast %parallel_loop3A_428 : f32 to vector<16xf32>
        %parallel_loop3A_430 = arith.mulf %parallel_loop3A_424, %parallel_loop3A_429 : vector<16xf32>
        %parallel_loop3A_431 = arith.mulf %parallel_loop3A_427, %parallel_loop3A_427 : vector<16xf32>
        %parallel_loop3A_432 = arith.subf %parallel_loop3A_430, %parallel_loop3A_431 : vector<16xf32>
        %parallel_loop3A_433 = arith.constant 9.99999996E-13 : f32
        %parallel_loop3A_434 = vector.broadcast %parallel_loop3A_433 : f32 to vector<16xf32>
        %parallel_loop3A_435 = arith.addf %parallel_loop3A_432, %parallel_loop3A_434 : vector<16xf32>
        %parallel_loop3A_436 = tpu.bitcast %parallel_loop3A_435 : vector<16xf32> -> vector<16xi32>
        %parallel_loop3A_437 = arith.constant 1 : i32
        %parallel_loop3A_438 = vector.broadcast %parallel_loop3A_437 : i32 to vector<16xi32>
        %parallel_loop3A_439 = arith.shrsi %parallel_loop3A_436, %parallel_loop3A_438 : vector<16xi32>
        %parallel_loop3A_440 = arith.constant 1597463007 : i32
        %parallel_loop3A_441 = vector.broadcast %parallel_loop3A_440 : i32 to vector<16xi32>
        %parallel_loop3A_442 = arith.subi %parallel_loop3A_441, %parallel_loop3A_439 : vector<16xi32>
        %parallel_loop3A_443 = tpu.bitcast %parallel_loop3A_442 : vector<16xi32> -> vector<16xf32>
        %parallel_loop3A_444 = arith.constant 5.000000e-01 : f32
        %parallel_loop3A_445 = vector.broadcast %parallel_loop3A_444 : f32 to vector<16xf32>
        %parallel_loop3A_446 = arith.mulf %parallel_loop3A_445, %parallel_loop3A_435 : vector<16xf32>
        %parallel_loop3A_447 = arith.mulf %parallel_loop3A_446, %parallel_loop3A_443 : vector<16xf32>
        %parallel_loop3A_448 = arith.mulf %parallel_loop3A_447, %parallel_loop3A_443 : vector<16xf32>
        %parallel_loop3A_449 = arith.constant 1.500000e+00 : f32
        %parallel_loop3A_450 = vector.broadcast %parallel_loop3A_449 : f32 to vector<16xf32>
        %parallel_loop3A_451 = arith.subf %parallel_loop3A_450, %parallel_loop3A_448 : vector<16xf32>
        %parallel_loop3A_452 = arith.mulf %parallel_loop3A_443, %parallel_loop3A_451 : vector<16xf32>
        %parallel_loop3A_453 = arith.constant 5.000000e-01 : f32
        %parallel_loop3A_454 = vector.broadcast %parallel_loop3A_453 : f32 to vector<16xf32>
        %parallel_loop3A_455 = arith.mulf %parallel_loop3A_454, %parallel_loop3A_435 : vector<16xf32>
        %parallel_loop3A_456 = arith.mulf %parallel_loop3A_455, %parallel_loop3A_452 : vector<16xf32>
        %parallel_loop3A_457 = arith.mulf %parallel_loop3A_456, %parallel_loop3A_452 : vector<16xf32>
        %parallel_loop3A_458 = arith.constant 1.500000e+00 : f32
        %parallel_loop3A_459 = vector.broadcast %parallel_loop3A_458 : f32 to vector<16xf32>
        %parallel_loop3A_460 = arith.subf %parallel_loop3A_459, %parallel_loop3A_457 : vector<16xf32>
        %parallel_loop3A_461 = arith.mulf %parallel_loop3A_452, %parallel_loop3A_460 : vector<16xf32>
        %parallel_loop3A_462 = arith.constant 0.000000e+00 : f32
        %parallel_loop3A_463 = vector.broadcast %parallel_loop3A_462 : f32 to vector<16xf32>
        %parallel_loop3A_464 = arith.subf %parallel_loop3A_463, %parallel_loop3A_427 : vector<16xf32>
        %parallel_loop3A_465 = arith.mulf %parallel_loop3A_464, %parallel_loop3A_461 : vector<16xf32>
        %parallel_loop3A_466 = arith.mulf %parallel_loop3A_355, %parallel_loop3A_461 : vector<16xf32>
        %parallel_loop3A_467 = arith.addf %parallel_loop3A_466, %parallel_loop3A_465 : vector<16xf32>
        %parallel_loop3A_468 = arith.mulf %parallel_loop3A_467, %get3A_1 : vector<16xf32>
        %parallel_loop3A_469 = arith.addf %parallel_loop3A_468, %get3A_9 : vector<16xf32>
        %parallel_loop3A_470 = arith.constant 0 : i32
        %parallel_loop3A_471 = arith.index_cast %parallel_loop3A_470 : i32 to index
        %parallel_loop3A_472 = arith.index_cast %parallel_loop3A_346 : i32 to index
        %parallel_loop3A_473 = arith.constant 0 : index
        %parallel_loop3A_474 = tpu.vector_load %arg13[%parallel_loop3A_471, %parallel_loop3A_472, %parallel_loop3A_473] {strides = array<i32>} : memref<2x200x64xf32, #tpu.memory_space<vmem>>, vector<16xf32>,
        tpu.vector_store %arg13[%parallel_loop3A_471, %parallel_loop3A_472, %parallel_loop3A_473], %parallel_loop3A_469 {strides = array<i32>} : memref<2x200x64xf32, #tpu.memory_space<vmem>>, vector<16xf32>,
        %parallel_loop3A_475 = arith.mulf %parallel_loop3A_364, %parallel_loop3A_461 : vector<16xf32>
        %parallel_loop3A_476 = arith.addf %parallel_loop3A_475, %parallel_loop3A_465 : vector<16xf32>
        %parallel_loop3A_477 = arith.mulf %parallel_loop3A_476, %get3A_3 : vector<16xf32>
        %parallel_loop3A_478 = arith.addf %parallel_loop3A_477, %get3A_11 : vector<16xf32>
        %parallel_loop3A_479 = arith.constant 0 : i32
        %parallel_loop3A_480 = arith.index_cast %parallel_loop3A_479 : i32 to index
        %parallel_loop3A_481 = arith.index_cast %parallel_loop3A_346 : i32 to index
        %parallel_loop3A_482 = arith.constant 16 : index
        %parallel_loop3A_483 = tpu.vector_load %arg13[%parallel_loop3A_480, %parallel_loop3A_481, %parallel_loop3A_482] {strides = array<i32>} : memref<2x200x64xf32, #tpu.memory_space<vmem>>, vector<16xf32>,
        tpu.vector_store %arg13[%parallel_loop3A_480, %parallel_loop3A_481, %parallel_loop3A_482], %parallel_loop3A_478 {strides = array<i32>} : memref<2x200x64xf32, #tpu.memory_space<vmem>>, vector<16xf32>,
        %parallel_loop3A_484 = arith.mulf %parallel_loop3A_373, %parallel_loop3A_461 : vector<16xf32>
        %parallel_loop3A_485 = arith.addf %parallel_loop3A_484, %parallel_loop3A_465 : vector<16xf32>
        %parallel_loop3A_486 = arith.mulf %parallel_loop3A_485, %get3A_5 : vector<16xf32>
        %parallel_loop3A_487 = arith.addf %parallel_loop3A_486, %get3A_13 : vector<16xf32>
        %parallel_loop3A_488 = arith.constant 0 : i32
        %parallel_loop3A_489 = arith.index_cast %parallel_loop3A_488 : i32 to index
        %parallel_loop3A_490 = arith.index_cast %parallel_loop3A_346 : i32 to index
        %parallel_loop3A_491 = arith.constant 32 : index
        %parallel_loop3A_492 = tpu.vector_load %arg13[%parallel_loop3A_489, %parallel_loop3A_490, %parallel_loop3A_491] {strides = array<i32>} : memref<2x200x64xf32, #tpu.memory_space<vmem>>, vector<16xf32>,
        tpu.vector_store %arg13[%parallel_loop3A_489, %parallel_loop3A_490, %parallel_loop3A_491], %parallel_loop3A_487 {strides = array<i32>} : memref<2x200x64xf32, #tpu.memory_space<vmem>>, vector<16xf32>,
        %parallel_loop3A_493 = arith.mulf %parallel_loop3A_382, %parallel_loop3A_461 : vector<16xf32>
        %parallel_loop3A_494 = arith.addf %parallel_loop3A_493, %parallel_loop3A_465 : vector<16xf32>
        %parallel_loop3A_495 = arith.mulf %parallel_loop3A_494, %get3A_7 : vector<16xf32>
        %parallel_loop3A_496 = arith.addf %parallel_loop3A_495, %get3A_15 : vector<16xf32>
        %parallel_loop3A_497 = arith.constant 0 : i32
        %parallel_loop3A_498 = arith.index_cast %parallel_loop3A_497 : i32 to index
        %parallel_loop3A_499 = arith.index_cast %parallel_loop3A_346 : i32 to index
        %parallel_loop3A_500 = arith.constant 48 : index
        %parallel_loop3A_501 = tpu.vector_load %arg13[%parallel_loop3A_498, %parallel_loop3A_499, %parallel_loop3A_500] {strides = array<i32>} : memref<2x200x64xf32, #tpu.memory_space<vmem>>, vector<16xf32>,
        tpu.vector_store %arg13[%parallel_loop3A_498, %parallel_loop3A_499, %parallel_loop3A_500], %parallel_loop3A_496 {strides = array<i32>} : memref<2x200x64xf32, #tpu.memory_space<vmem>>, vector<16xf32>,
      } {sc.loop_unroll_factor = 8 : i64, sc.parallel_access}
      %dma_start3A_223 = arith.constant 0 : i32
      %dma_start3A_224 = arith.constant 0 : i32
      %dma_start3A_225 = arith.constant 0 : i32
      %dma_start3A_226 = arith.constant 0 : i32
      %dma_start3A_227 = tpu.memref_slice %arg13[%dma_start3A_223, %dma_start3A_225, %dma_start3A_226] : memref<2x200x64xf32, #tpu.memory_space<vmem>> -> memref<1x200x64xf32, #tpu.memory_space<vmem>>
      %dma_start3A_228 = tpu.memref_squeeze %dma_start3A_227 : memref<1x200x64xf32, #tpu.memory_space<vmem>> -> memref<200x64xf32, #tpu.memory_space<vmem>>
      %dma_start3A_229 = arith.constant 0 : i32
      %dma_start3A_230 = arith.constant 0 : i32
      %dma_start3A_231 = tpu.memref_slice %arg7[%add3A_150, %dma_start3A_229, %dma_start3A_230] : memref<4096x200x64xf32, #tpu.memory_space<hbm>> -> memref<1x200x64xf32, #tpu.memory_space<hbm>>
      %dma_start3A_232 = tpu.memref_squeeze %dma_start3A_231 : memref<1x200x64xf32, #tpu.memory_space<hbm>> -> memref<200x64xf32, #tpu.memory_space<hbm>>
      %dma_start3A_233 = tpu.memref_slice %arg15[%dma_start3A_224] : memref<2x!tpu.dma_semaphore, #tpu.memory_space<semaphore_mem>> -> memref<1x!tpu.dma_semaphore, #tpu.memory_space<semaphore_mem>>
      %dma_start3A_234 = tpu.memref_squeeze %dma_start3A_233 : memref<1x!tpu.dma_semaphore, #tpu.memory_space<semaphore_mem>> -> memref<!tpu.dma_semaphore, #tpu.memory_space<semaphore_mem>>
      %dma_start3A_235 = arith.constant 0 : i32
      %dma_start3A_236 = arith.constant 0 : i32
      %dma_start3A_237 = tpu.memref_slice %arg7[%add3A_150, %dma_start3A_235, %dma_start3A_236] : memref<4096x200x64xf32, #tpu.memory_space<hbm>> -> memref<1x200x64xf32, #tpu.memory_space<hbm>>
      %dma_start3A_238 = tpu.memref_squeeze %dma_start3A_237 : memref<1x200x64xf32, #tpu.memory_space<hbm>> -> memref<200x64xf32, #tpu.memory_space<hbm>>
      %dma_start3A_239 = arith.constant 0 : i32
      %dma_start3A_240 = arith.constant 0 : i32
      %dma_start3A_241 = tpu.memref_slice %arg13[%dma_start3A_223, %dma_start3A_239, %dma_start3A_240] : memref<2x200x64xf32, #tpu.memory_space<vmem>> -> memref<1x200x64xf32, #tpu.memory_space<vmem>>
      %dma_start3A_242 = tpu.memref_squeeze %dma_start3A_241 : memref<1x200x64xf32, #tpu.memory_space<vmem>> -> memref<200x64xf32, #tpu.memory_space<vmem>>
      tpu.enqueue_dma source(%dma_start3A_242 : memref<200x64xf32, #tpu.memory_space<vmem>>) target(%dma_start3A_238 : memref<200x64xf32, #tpu.memory_space<hbm>>) target_semaphore(%dma_start3A_234 : memref<!tpu.dma_semaphore, #tpu.memory_space<semaphore_mem>>)
      %mul3A_243 = arith.constant 2 : i32
      %mul3A_244 = arith.muli %mul3A_243, %scan3A_144 : i32
      %add3A_245 = arith.constant 1 : i32
      %add3A_246 = arith.addi %mul3A_244, %add3A_245 : i32
      %add3A_247 = arith.addi %mul3A_28, %add3A_246 : i32
      %add3A_248 = arith.constant 1 : i32
      %add3A_249 = arith.addi %add3A_247, %add3A_248 : i32
      %min3A_250 = arith.constant 4095 : i32
      %min3A_251 = arith.minsi %add3A_249, %min3A_250 : i32
      %run_scoped3A_252 = arith.constant 0 : i32
      "tpu.region"() ({
        %run_scoped3A_346 = tpu.sem_alloc : memref<!tpu.dma_semaphore, #tpu.memory_space<semaphore_mem>>
        %dma_start3A_347 = arith.constant 0 : i32
        %dma_start3A_348 = arith.constant 0 : i32
        %dma_start3A_349 = tpu.memref_slice %arg11[%run_scoped3A_252, %dma_start3A_347, %dma_start3A_348] : memref<2x2x100xi32, #tpu.memory_space<vmem>> -> memref<1x2x100xi32, #tpu.memory_space<vmem>>
        %dma_start3A_350 = tpu.memref_squeeze %dma_start3A_349 : memref<1x2x100xi32, #tpu.memory_space<vmem>> -> memref<2x100xi32, #tpu.memory_space<vmem>>
        %dma_start3A_351 = arith.constant 0 : i32
        %dma_start3A_352 = arith.constant 0 : i32
        %dma_start3A_353 = tpu.memref_slice %arg2[%min3A_251, %dma_start3A_351, %dma_start3A_352] : memref<4096x2x100xi32, #tpu.memory_space<hbm>> -> memref<1x2x100xi32, #tpu.memory_space<hbm>>
        %dma_start3A_354 = tpu.memref_squeeze %dma_start3A_353 : memref<1x2x100xi32, #tpu.memory_space<hbm>> -> memref<2x100xi32, #tpu.memory_space<hbm>>
        %dma_start3A_355 = arith.constant 0 : i32
        %dma_start3A_356 = arith.constant 0 : i32
        %dma_start3A_357 = tpu.memref_slice %arg11[%run_scoped3A_252, %dma_start3A_355, %dma_start3A_356] : memref<2x2x100xi32, #tpu.memory_space<vmem>> -> memref<1x2x100xi32, #tpu.memory_space<vmem>>
        %dma_start3A_358 = tpu.memref_squeeze %dma_start3A_357 : memref<1x2x100xi32, #tpu.memory_space<vmem>> -> memref<2x100xi32, #tpu.memory_space<vmem>>
        %dma_start3A_359 = arith.constant 0 : i32
        %dma_start3A_360 = arith.constant 0 : i32
        %dma_start3A_361 = tpu.memref_slice %arg2[%min3A_251, %dma_start3A_359, %dma_start3A_360] : memref<4096x2x100xi32, #tpu.memory_space<hbm>> -> memref<1x2x100xi32, #tpu.memory_space<hbm>>
        %dma_start3A_362 = tpu.memref_squeeze %dma_start3A_361 : memref<1x2x100xi32, #tpu.memory_space<hbm>> -> memref<2x100xi32, #tpu.memory_space<hbm>>
        tpu.enqueue_dma source(%dma_start3A_362 : memref<2x100xi32, #tpu.memory_space<hbm>>) target(%dma_start3A_358 : memref<2x100xi32, #tpu.memory_space<vmem>>) target_semaphore(%run_scoped3A_346 : memref<!tpu.dma_semaphore, #tpu.memory_space<semaphore_mem>>)
        %dma_wait3A_363 = arith.constant 0 : i32
        %dma_wait3A_364 = arith.constant 0 : i32
        %dma_wait3A_365 = tpu.memref_slice %arg11[%run_scoped3A_252, %dma_wait3A_363, %dma_wait3A_364] : memref<2x2x100xi32, #tpu.memory_space<vmem>> -> memref<1x2x100xi32, #tpu.memory_space<vmem>>
        %dma_wait3A_366 = tpu.memref_squeeze %dma_wait3A_365 : memref<1x2x100xi32, #tpu.memory_space<vmem>> -> memref<2x100xi32, #tpu.memory_space<vmem>>
        %dma_wait3A_367 = arith.constant 0 : i32
        %dma_wait3A_368 = arith.constant 0 : i32
        %dma_wait3A_369 = tpu.memref_slice %arg2[%min3A_251, %dma_wait3A_367, %dma_wait3A_368] : memref<4096x2x100xi32, #tpu.memory_space<hbm>> -> memref<1x2x100xi32, #tpu.memory_space<hbm>>
        %dma_wait3A_370 = tpu.memref_squeeze %dma_wait3A_369 : memref<1x2x100xi32, #tpu.memory_space<hbm>> -> memref<2x100xi32, #tpu.memory_space<hbm>>
        %dma_wait3A_371 = arith.constant 0 : i32
        %dma_wait3A_372 = arith.constant 0 : i32
        %dma_wait3A_373 = tpu.memref_slice %arg11[%run_scoped3A_252, %dma_wait3A_371, %dma_wait3A_372] : memref<2x2x100xi32, #tpu.memory_space<vmem>> -> memref<1x2x100xi32, #tpu.memory_space<vmem>>
        %dma_wait3A_374 = tpu.memref_squeeze %dma_wait3A_373 : memref<1x2x100xi32, #tpu.memory_space<vmem>> -> memref<2x100xi32, #tpu.memory_space<vmem>>
        %dma_wait3A_375 = arith.constant 0 : i32
        %dma_wait3A_376 = arith.constant 0 : i32
        %dma_wait3A_377 = tpu.memref_slice %arg2[%min3A_251, %dma_wait3A_375, %dma_wait3A_376] : memref<4096x2x100xi32, #tpu.memory_space<hbm>> -> memref<1x2x100xi32, #tpu.memory_space<hbm>>
        %dma_wait3A_378 = tpu.memref_squeeze %dma_wait3A_377 : memref<1x2x100xi32, #tpu.memory_space<hbm>> -> memref<2x100xi32, #tpu.memory_space<hbm>>
        tpu.wait_dma2 semaphore(%run_scoped3A_346 : memref<!tpu.dma_semaphore, #tpu.memory_space<semaphore_mem>>) src(%dma_wait3A_378 : memref<2x100xi32, #tpu.memory_space<hbm>>) dst(%dma_wait3A_374 : memref<2x100xi32, #tpu.memory_space<vmem>>)
        tpu.yield
      }) : () -> ()
      %dma_start3A_253 = arith.constant 0 : i32
      %dma_start3A_254 = arith.constant 0 : i32
      %dma_start3A_255 = arith.constant 0 : i32
      %dma_start3A_256 = arith.constant 0 : i32
      %dma_start3A_257 = arith.constant 0 : i32
      %dma_start3A_258 = arith.constant 0 : i32
      %dma_start3A_259 = tpu.memref_slice %arg12[%dma_start3A_255, %dma_start3A_257, %dma_start3A_258] : memref<2x200x64xf32, #tpu.memory_space<vmem>> -> memref<1x100x64xf32, #tpu.memory_space<vmem>>
      %dma_start3A_260 = tpu.memref_squeeze %dma_start3A_259 : memref<1x100x64xf32, #tpu.memory_space<vmem>> -> memref<100x64xf32, #tpu.memory_space<vmem>>
      %dma_start3A_261 = arith.constant 0 : i32
      %dma_start3A_262 = tpu.memref_slice %arg11[%dma_start3A_253, %dma_start3A_254, %dma_start3A_261] : memref<2x2x100xi32, #tpu.memory_space<vmem>> -> memref<1x1x100xi32, #tpu.memory_space<vmem>>
      %dma_start3A_263 = tpu.memref_squeeze %dma_start3A_262 : memref<1x1x100xi32, #tpu.memory_space<vmem>> -> memref<100xi32, #tpu.memory_space<vmem>>
      %dma_start3A_264 = arith.constant 0 : i32
      %dma_start3A_265 = arith.constant 0 : i32
      %dma_start3A_266 = tpu.memref_slice %arg3[%dma_start3A_264, %dma_start3A_265] : memref<1000000x64xf32, #tpu.memory_space<hbm>> -> memref<1000000x64xf32, #tpu.memory_space<hbm>>
      %dma_start3A_267 = tpu.memref_slice %arg14[%dma_start3A_256] : memref<2x!tpu.dma_semaphore, #tpu.memory_space<semaphore_mem>> -> memref<1x!tpu.dma_semaphore, #tpu.memory_space<semaphore_mem>>
      %dma_start3A_268 = tpu.memref_squeeze %dma_start3A_267 : memref<1x!tpu.dma_semaphore, #tpu.memory_space<semaphore_mem>> -> memref<!tpu.dma_semaphore, #tpu.memory_space<semaphore_mem>>
      tpu.enqueue_indirect_dma source(%dma_start3A_266 : memref<1000000x64xf32, #tpu.memory_space<hbm>>) target(%dma_start3A_260 : memref<100x64xf32, #tpu.memory_space<vmem>>) offsets(%dma_start3A_263 : memref<100xi32, #tpu.memory_space<vmem>>) semaphore(%dma_start3A_268 : memref<!tpu.dma_semaphore, #tpu.memory_space<semaphore_mem>>)
      %dma_start3A_269 = arith.constant 0 : i32
      %dma_start3A_270 = arith.constant 1 : i32
      %dma_start3A_271 = arith.constant 0 : i32
      %dma_start3A_272 = arith.constant 0 : i32
      %dma_start3A_273 = arith.constant 100 : i32
      %dma_start3A_274 = arith.constant 0 : i32
      %dma_start3A_275 = tpu.memref_slice %arg12[%dma_start3A_271, %dma_start3A_273, %dma_start3A_274] : memref<2x200x64xf32, #tpu.memory_space<vmem>> -> memref<1x100x64xf32, #tpu.memory_space<vmem>>
      %dma_start3A_276 = tpu.memref_squeeze %dma_start3A_275 : memref<1x100x64xf32, #tpu.memory_space<vmem>> -> memref<100x64xf32, #tpu.memory_space<vmem>>
      %dma_start3A_277 = arith.constant 0 : i32
      %dma_start3A_278 = tpu.memref_slice %arg11[%dma_start3A_269, %dma_start3A_270, %dma_start3A_277] : memref<2x2x100xi32, #tpu.memory_space<vmem>> -> memref<1x1x100xi32, #tpu.memory_space<vmem>>
      %dma_start3A_279 = tpu.memref_squeeze %dma_start3A_278 : memref<1x1x100xi32, #tpu.memory_space<vmem>> -> memref<100xi32, #tpu.memory_space<vmem>>
      %dma_start3A_280 = arith.constant 0 : i32
      %dma_start3A_281 = arith.constant 0 : i32
      %dma_start3A_282 = tpu.memref_slice %arg3[%dma_start3A_280, %dma_start3A_281] : memref<1000000x64xf32, #tpu.memory_space<hbm>> -> memref<1000000x64xf32, #tpu.memory_space<hbm>>
      %dma_start3A_283 = tpu.memref_slice %arg14[%dma_start3A_272] : memref<2x!tpu.dma_semaphore, #tpu.memory_space<semaphore_mem>> -> memref<1x!tpu.dma_semaphore, #tpu.memory_space<semaphore_mem>>
      %dma_start3A_284 = tpu.memref_squeeze %dma_start3A_283 : memref<1x!tpu.dma_semaphore, #tpu.memory_space<semaphore_mem>> -> memref<!tpu.dma_semaphore, #tpu.memory_space<semaphore_mem>>
      tpu.enqueue_indirect_dma source(%dma_start3A_282 : memref<1000000x64xf32, #tpu.memory_space<hbm>>) target(%dma_start3A_276 : memref<100x64xf32, #tpu.memory_space<vmem>>) offsets(%dma_start3A_279 : memref<100xi32, #tpu.memory_space<vmem>>) semaphore(%dma_start3A_284 : memref<!tpu.dma_semaphore, #tpu.memory_space<semaphore_mem>>)
      %dma_wait3A_285 = arith.constant 1 : i32
      %dma_wait3A_286 = arith.constant 0 : i32
      %dma_wait3A_287 = arith.constant 1 : i32
      %dma_wait3A_288 = arith.constant 1 : i32
      %dma_wait3A_289 = arith.constant 0 : i32
      %dma_wait3A_290 = arith.constant 0 : i32
      %dma_wait3A_291 = tpu.memref_slice %arg12[%dma_wait3A_287, %dma_wait3A_289, %dma_wait3A_290] : memref<2x200x64xf32, #tpu.memory_space<vmem>> -> memref<1x100x64xf32, #tpu.memory_space<vmem>>
      %dma_wait3A_292 = tpu.memref_squeeze %dma_wait3A_291 : memref<1x100x64xf32, #tpu.memory_space<vmem>> -> memref<100x64xf32, #tpu.memory_space<vmem>>
      %dma_wait3A_293 = arith.constant 0 : i32
      %dma_wait3A_294 = tpu.memref_slice %arg11[%dma_wait3A_285, %dma_wait3A_286, %dma_wait3A_293] : memref<2x2x100xi32, #tpu.memory_space<vmem>> -> memref<1x1x100xi32, #tpu.memory_space<vmem>>
      %dma_wait3A_295 = tpu.memref_squeeze %dma_wait3A_294 : memref<1x1x100xi32, #tpu.memory_space<vmem>> -> memref<100xi32, #tpu.memory_space<vmem>>
      %dma_wait3A_296 = arith.constant 0 : i32
      %dma_wait3A_297 = arith.constant 0 : i32
      %dma_wait3A_298 = tpu.memref_slice %arg3[%dma_wait3A_296, %dma_wait3A_297] : memref<1000000x64xf32, #tpu.memory_space<hbm>> -> memref<1000000x64xf32, #tpu.memory_space<hbm>>
      %dma_wait3A_299 = tpu.memref_slice %arg14[%dma_wait3A_288] : memref<2x!tpu.dma_semaphore, #tpu.memory_space<semaphore_mem>> -> memref<1x!tpu.dma_semaphore, #tpu.memory_space<semaphore_mem>>
      %dma_wait3A_300 = tpu.memref_squeeze %dma_wait3A_299 : memref<1x!tpu.dma_semaphore, #tpu.memory_space<semaphore_mem>> -> memref<!tpu.dma_semaphore, #tpu.memory_space<semaphore_mem>>
      tpu.wait_indirect_dma semaphore(%dma_wait3A_300 : memref<!tpu.dma_semaphore, #tpu.memory_space<semaphore_mem>>) src(%dma_wait3A_298 : memref<1000000x64xf32, #tpu.memory_space<hbm>>) dst(%dma_wait3A_292 : memref<100x64xf32, #tpu.memory_space<vmem>>)
      %dma_wait3A_301 = arith.constant 1 : i32
      %dma_wait3A_302 = arith.constant 1 : i32
      %dma_wait3A_303 = arith.constant 1 : i32
      %dma_wait3A_304 = arith.constant 1 : i32
      %dma_wait3A_305 = arith.constant 100 : i32
      %dma_wait3A_306 = arith.constant 0 : i32
      %dma_wait3A_307 = tpu.memref_slice %arg12[%dma_wait3A_303, %dma_wait3A_305, %dma_wait3A_306] : memref<2x200x64xf32, #tpu.memory_space<vmem>> -> memref<1x100x64xf32, #tpu.memory_space<vmem>>
      %dma_wait3A_308 = tpu.memref_squeeze %dma_wait3A_307 : memref<1x100x64xf32, #tpu.memory_space<vmem>> -> memref<100x64xf32, #tpu.memory_space<vmem>>
      %dma_wait3A_309 = arith.constant 0 : i32
      %dma_wait3A_310 = tpu.memref_slice %arg11[%dma_wait3A_301, %dma_wait3A_302, %dma_wait3A_309] : memref<2x2x100xi32, #tpu.memory_space<vmem>> -> memref<1x1x100xi32, #tpu.memory_space<vmem>>
      %dma_wait3A_311 = tpu.memref_squeeze %dma_wait3A_310 : memref<1x1x100xi32, #tpu.memory_space<vmem>> -> memref<100xi32, #tpu.memory_space<vmem>>
      %dma_wait3A_312 = arith.constant 0 : i32
      %dma_wait3A_313 = arith.constant 0 : i32
      %dma_wait3A_314 = tpu.memref_slice %arg3[%dma_wait3A_312, %dma_wait3A_313] : memref<1000000x64xf32, #tpu.memory_space<hbm>> -> memref<1000000x64xf32, #tpu.memory_space<hbm>>
      %dma_wait3A_315 = tpu.memref_slice %arg14[%dma_wait3A_304] : memref<2x!tpu.dma_semaphore, #tpu.memory_space<semaphore_mem>> -> memref<1x!tpu.dma_semaphore, #tpu.memory_space<semaphore_mem>>
      %dma_wait3A_316 = tpu.memref_squeeze %dma_wait3A_315 : memref<1x!tpu.dma_semaphore, #tpu.memory_space<semaphore_mem>> -> memref<!tpu.dma_semaphore, #tpu.memory_space<semaphore_mem>>
      tpu.wait_indirect_dma semaphore(%dma_wait3A_316 : memref<!tpu.dma_semaphore, #tpu.memory_space<semaphore_mem>>) src(%dma_wait3A_314 : memref<1000000x64xf32, #tpu.memory_space<hbm>>) dst(%dma_wait3A_308 : memref<100x64xf32, #tpu.memory_space<vmem>>)
      %ge3A_317 = arith.constant 1 : i32
      %ge3A_318 = arith.cmpi sge, %scan3A_144, %ge3A_317 : i32
      %convert_element_type3A_319 = arith.extui %ge3A_318 : i1 to i32
      %cond3A_320 = arith.constant 0 : i32
      %cond3A_321 = arith.cmpi ne, %convert_element_type3A_319, %cond3A_320 : i32
      scf.if %cond3A_321 {
        %sub3A_346 = arith.constant 2 : i32
        %sub3A_347 = arith.subi %add3A_247, %sub3A_346 : i32
        %max3A = arith.constant 0 : i32
        %max3A_348 = arith.maxsi %sub3A_347, %max3A : i32
        %dma_wait3A_349 = arith.constant 1 : i32
        %dma_wait3A_350 = arith.constant 1 : i32
        %dma_wait3A_351 = arith.constant 0 : i32
        %dma_wait3A_352 = arith.constant 0 : i32
        %dma_wait3A_353 = tpu.memref_slice %arg13[%dma_wait3A_349, %dma_wait3A_351, %dma_wait3A_352] : memref<2x200x64xf32, #tpu.memory_space<vmem>> -> memref<1x200x64xf32, #tpu.memory_space<vmem>>
        %dma_wait3A_354 = tpu.memref_squeeze %dma_wait3A_353 : memref<1x200x64xf32, #tpu.memory_space<vmem>> -> memref<200x64xf32, #tpu.memory_space<vmem>>
        %dma_wait3A_355 = arith.constant 0 : i32
        %dma_wait3A_356 = arith.constant 0 : i32
        %dma_wait3A_357 = tpu.memref_slice %arg7[%max3A_348, %dma_wait3A_355, %dma_wait3A_356] : memref<4096x200x64xf32, #tpu.memory_space<hbm>> -> memref<1x200x64xf32, #tpu.memory_space<hbm>>
        %dma_wait3A_358 = tpu.memref_squeeze %dma_wait3A_357 : memref<1x200x64xf32, #tpu.memory_space<hbm>> -> memref<200x64xf32, #tpu.memory_space<hbm>>
        %dma_wait3A_359 = tpu.memref_slice %arg15[%dma_wait3A_350] : memref<2x!tpu.dma_semaphore, #tpu.memory_space<semaphore_mem>> -> memref<1x!tpu.dma_semaphore, #tpu.memory_space<semaphore_mem>>
        %dma_wait3A_360 = tpu.memref_squeeze %dma_wait3A_359 : memref<1x!tpu.dma_semaphore, #tpu.memory_space<semaphore_mem>> -> memref<!tpu.dma_semaphore, #tpu.memory_space<semaphore_mem>>
        %dma_wait3A_361 = arith.constant 0 : i32
        %dma_wait3A_362 = arith.constant 0 : i32
        %dma_wait3A_363 = tpu.memref_slice %arg7[%max3A_348, %dma_wait3A_361, %dma_wait3A_362] : memref<4096x200x64xf32, #tpu.memory_space<hbm>> -> memref<1x200x64xf32, #tpu.memory_space<hbm>>
        %dma_wait3A_364 = tpu.memref_squeeze %dma_wait3A_363 : memref<1x200x64xf32, #tpu.memory_space<hbm>> -> memref<200x64xf32, #tpu.memory_space<hbm>>
        %dma_wait3A_365 = arith.constant 0 : i32
        %dma_wait3A_366 = arith.constant 0 : i32
        %dma_wait3A_367 = tpu.memref_slice %arg13[%dma_wait3A_349, %dma_wait3A_365, %dma_wait3A_366] : memref<2x200x64xf32, #tpu.memory_space<vmem>> -> memref<1x200x64xf32, #tpu.memory_space<vmem>>
        %dma_wait3A_368 = tpu.memref_squeeze %dma_wait3A_367 : memref<1x200x64xf32, #tpu.memory_space<vmem>> -> memref<200x64xf32, #tpu.memory_space<vmem>>
        tpu.wait_dma2 semaphore(%dma_wait3A_360 : memref<!tpu.dma_semaphore, #tpu.memory_space<semaphore_mem>>) src(%dma_wait3A_368 : memref<200x64xf32, #tpu.memory_space<vmem>>) dst(%dma_wait3A_364 : memref<200x64xf32, #tpu.memory_space<hbm>>)
      } else {
      }
      %parallel_loop3A_322 = arith.constant 0 : i32
      %parallel_loop3A_323 = arith.constant 200 : i32
      %parallel_loop3A_324 = arith.constant 1 : i32
      scf.for %parallel_loop3A_346 = %parallel_loop3A_322 to %parallel_loop3A_323 step %parallel_loop3A_324  : i32 {
        %parallel_loop3A_347 = arith.constant 1 : i32
        %parallel_loop3A_348 = arith.index_cast %parallel_loop3A_347 : i32 to index
        %parallel_loop3A_349 = arith.index_cast %parallel_loop3A_346 : i32 to index
        %parallel_loop3A_350 = arith.constant 0 : index
        %parallel_loop3A_351 = tpu.vector_load %arg12[%parallel_loop3A_348, %parallel_loop3A_349, %parallel_loop3A_350] {strides = array<i32>} : memref<2x200x64xf32, #tpu.memory_space<vmem>>, vector<16xf32>,
        %parallel_loop3A_352 = arith.index_cast %parallel_loop3A_346 : i32 to index
        %parallel_loop3A_353 = arith.constant 0 : index
        %parallel_loop3A_354 = tpu.vector_load %arg8[%parallel_loop3A_352, %parallel_loop3A_353] {strides = array<i32>} : memref<200x64xf32, #tpu.memory_space<vmem>>, vector<16xf32>,
        %parallel_loop3A_355 = arith.addf %parallel_loop3A_351, %parallel_loop3A_354 : vector<16xf32>
        %parallel_loop3A_356 = arith.constant 1 : i32
        %parallel_loop3A_357 = arith.index_cast %parallel_loop3A_356 : i32 to index
        %parallel_loop3A_358 = arith.index_cast %parallel_loop3A_346 : i32 to index
        %parallel_loop3A_359 = arith.constant 16 : index
        %parallel_loop3A_360 = tpu.vector_load %arg12[%parallel_loop3A_357, %parallel_loop3A_358, %parallel_loop3A_359] {strides = array<i32>} : memref<2x200x64xf32, #tpu.memory_space<vmem>>, vector<16xf32>,
        %parallel_loop3A_361 = arith.index_cast %parallel_loop3A_346 : i32 to index
        %parallel_loop3A_362 = arith.constant 16 : index
        %parallel_loop3A_363 = tpu.vector_load %arg8[%parallel_loop3A_361, %parallel_loop3A_362] {strides = array<i32>} : memref<200x64xf32, #tpu.memory_space<vmem>>, vector<16xf32>,
        %parallel_loop3A_364 = arith.addf %parallel_loop3A_360, %parallel_loop3A_363 : vector<16xf32>
        %parallel_loop3A_365 = arith.constant 1 : i32
        %parallel_loop3A_366 = arith.index_cast %parallel_loop3A_365 : i32 to index
        %parallel_loop3A_367 = arith.index_cast %parallel_loop3A_346 : i32 to index
        %parallel_loop3A_368 = arith.constant 32 : index
        %parallel_loop3A_369 = tpu.vector_load %arg12[%parallel_loop3A_366, %parallel_loop3A_367, %parallel_loop3A_368] {strides = array<i32>} : memref<2x200x64xf32, #tpu.memory_space<vmem>>, vector<16xf32>,
        %parallel_loop3A_370 = arith.index_cast %parallel_loop3A_346 : i32 to index
        %parallel_loop3A_371 = arith.constant 32 : index
        %parallel_loop3A_372 = tpu.vector_load %arg8[%parallel_loop3A_370, %parallel_loop3A_371] {strides = array<i32>} : memref<200x64xf32, #tpu.memory_space<vmem>>, vector<16xf32>,
        %parallel_loop3A_373 = arith.addf %parallel_loop3A_369, %parallel_loop3A_372 : vector<16xf32>
        %parallel_loop3A_374 = arith.constant 1 : i32
        %parallel_loop3A_375 = arith.index_cast %parallel_loop3A_374 : i32 to index
        %parallel_loop3A_376 = arith.index_cast %parallel_loop3A_346 : i32 to index
        %parallel_loop3A_377 = arith.constant 48 : index
        %parallel_loop3A_378 = tpu.vector_load %arg12[%parallel_loop3A_375, %parallel_loop3A_376, %parallel_loop3A_377] {strides = array<i32>} : memref<2x200x64xf32, #tpu.memory_space<vmem>>, vector<16xf32>,
        %parallel_loop3A_379 = arith.index_cast %parallel_loop3A_346 : i32 to index
        %parallel_loop3A_380 = arith.constant 48 : index
        %parallel_loop3A_381 = tpu.vector_load %arg8[%parallel_loop3A_379, %parallel_loop3A_380] {strides = array<i32>} : memref<200x64xf32, #tpu.memory_space<vmem>>, vector<16xf32>,
        %parallel_loop3A_382 = arith.addf %parallel_loop3A_378, %parallel_loop3A_381 : vector<16xf32>
        %parallel_loop3A_383 = arith.addf %parallel_loop3A_355, %parallel_loop3A_364 : vector<16xf32>
        %parallel_loop3A_384 = arith.addf %parallel_loop3A_383, %parallel_loop3A_373 : vector<16xf32>
        %parallel_loop3A_385 = arith.addf %parallel_loop3A_384, %parallel_loop3A_382 : vector<16xf32>
        %parallel_loop3A_386 = vector.shape_cast %xor3A_17 : vector<16xi32> to vector<16x1xi32>
        %parallel_loop3A_387 = vector.shape_cast %parallel_loop3A_386 : vector<16x1xi32> to vector<16xi32>
        %parallel_loop3A_388 = tpu.dynamic_gather %parallel_loop3A_385[%parallel_loop3A_387] in [0] : vector<16xf32>, vector<16xi32> -> vector<16xf32>
        %parallel_loop3A_389 = arith.addf %parallel_loop3A_385, %parallel_loop3A_388 : vector<16xf32>
        %parallel_loop3A_390 = vector.shape_cast %xor3A_20 : vector<16xi32> to vector<16x1xi32>
        %parallel_loop3A_391 = vector.shape_cast %parallel_loop3A_390 : vector<16x1xi32> to vector<16xi32>
        %parallel_loop3A_392 = tpu.dynamic_gather %parallel_loop3A_389[%parallel_loop3A_391] in [0] : vector<16xf32>, vector<16xi32> -> vector<16xf32>
        %parallel_loop3A_393 = arith.addf %parallel_loop3A_389, %parallel_loop3A_392 : vector<16xf32>
        %parallel_loop3A_394 = vector.shape_cast %xor3A_23 : vector<16xi32> to vector<16x1xi32>
        %parallel_loop3A_395 = vector.shape_cast %parallel_loop3A_394 : vector<16x1xi32> to vector<16xi32>
        %parallel_loop3A_396 = tpu.dynamic_gather %parallel_loop3A_393[%parallel_loop3A_395] in [0] : vector<16xf32>, vector<16xi32> -> vector<16xf32>
        %parallel_loop3A_397 = arith.addf %parallel_loop3A_393, %parallel_loop3A_396 : vector<16xf32>
        %parallel_loop3A_398 = vector.shape_cast %xor3A_26 : vector<16xi32> to vector<16x1xi32>
        %parallel_loop3A_399 = vector.shape_cast %parallel_loop3A_398 : vector<16x1xi32> to vector<16xi32>
        %parallel_loop3A_400 = tpu.dynamic_gather %parallel_loop3A_397[%parallel_loop3A_399] in [0] : vector<16xf32>, vector<16xi32> -> vector<16xf32>
        %parallel_loop3A_401 = arith.addf %parallel_loop3A_397, %parallel_loop3A_400 : vector<16xf32>
        %parallel_loop3A_402 = arith.mulf %parallel_loop3A_355, %parallel_loop3A_355 : vector<16xf32>
        %parallel_loop3A_403 = arith.mulf %parallel_loop3A_364, %parallel_loop3A_364 : vector<16xf32>
        %parallel_loop3A_404 = arith.addf %parallel_loop3A_402, %parallel_loop3A_403 : vector<16xf32>
        %parallel_loop3A_405 = arith.mulf %parallel_loop3A_373, %parallel_loop3A_373 : vector<16xf32>
        %parallel_loop3A_406 = arith.addf %parallel_loop3A_404, %parallel_loop3A_405 : vector<16xf32>
        %parallel_loop3A_407 = arith.mulf %parallel_loop3A_382, %parallel_loop3A_382 : vector<16xf32>
        %parallel_loop3A_408 = arith.addf %parallel_loop3A_406, %parallel_loop3A_407 : vector<16xf32>
        %parallel_loop3A_409 = vector.shape_cast %xor3A_17 : vector<16xi32> to vector<16x1xi32>
        %parallel_loop3A_410 = vector.shape_cast %parallel_loop3A_409 : vector<16x1xi32> to vector<16xi32>
        %parallel_loop3A_411 = tpu.dynamic_gather %parallel_loop3A_408[%parallel_loop3A_410] in [0] : vector<16xf32>, vector<16xi32> -> vector<16xf32>
        %parallel_loop3A_412 = arith.addf %parallel_loop3A_408, %parallel_loop3A_411 : vector<16xf32>
        %parallel_loop3A_413 = vector.shape_cast %xor3A_20 : vector<16xi32> to vector<16x1xi32>
        %parallel_loop3A_414 = vector.shape_cast %parallel_loop3A_413 : vector<16x1xi32> to vector<16xi32>
        %parallel_loop3A_415 = tpu.dynamic_gather %parallel_loop3A_412[%parallel_loop3A_414] in [0] : vector<16xf32>, vector<16xi32> -> vector<16xf32>
        %parallel_loop3A_416 = arith.addf %parallel_loop3A_412, %parallel_loop3A_415 : vector<16xf32>
        %parallel_loop3A_417 = vector.shape_cast %xor3A_23 : vector<16xi32> to vector<16x1xi32>
        %parallel_loop3A_418 = vector.shape_cast %parallel_loop3A_417 : vector<16x1xi32> to vector<16xi32>
        %parallel_loop3A_419 = tpu.dynamic_gather %parallel_loop3A_416[%parallel_loop3A_418] in [0] : vector<16xf32>, vector<16xi32> -> vector<16xf32>
        %parallel_loop3A_420 = arith.addf %parallel_loop3A_416, %parallel_loop3A_419 : vector<16xf32>
        %parallel_loop3A_421 = vector.shape_cast %xor3A_26 : vector<16xi32> to vector<16x1xi32>
        %parallel_loop3A_422 = vector.shape_cast %parallel_loop3A_421 : vector<16x1xi32> to vector<16xi32>
        %parallel_loop3A_423 = tpu.dynamic_gather %parallel_loop3A_420[%parallel_loop3A_422] in [0] : vector<16xf32>, vector<16xi32> -> vector<16xf32>
        %parallel_loop3A_424 = arith.addf %parallel_loop3A_420, %parallel_loop3A_423 : vector<16xf32>
        %parallel_loop3A_425 = arith.constant 1.562500e-02 : f32
        %parallel_loop3A_426 = vector.broadcast %parallel_loop3A_425 : f32 to vector<16xf32>
        %parallel_loop3A_427 = arith.mulf %parallel_loop3A_401, %parallel_loop3A_426 : vector<16xf32>
        %parallel_loop3A_428 = arith.constant 1.562500e-02 : f32
        %parallel_loop3A_429 = vector.broadcast %parallel_loop3A_428 : f32 to vector<16xf32>
        %parallel_loop3A_430 = arith.mulf %parallel_loop3A_424, %parallel_loop3A_429 : vector<16xf32>
        %parallel_loop3A_431 = arith.mulf %parallel_loop3A_427, %parallel_loop3A_427 : vector<16xf32>
        %parallel_loop3A_432 = arith.subf %parallel_loop3A_430, %parallel_loop3A_431 : vector<16xf32>
        %parallel_loop3A_433 = arith.constant 9.99999996E-13 : f32
        %parallel_loop3A_434 = vector.broadcast %parallel_loop3A_433 : f32 to vector<16xf32>
        %parallel_loop3A_435 = arith.addf %parallel_loop3A_432, %parallel_loop3A_434 : vector<16xf32>
        %parallel_loop3A_436 = tpu.bitcast %parallel_loop3A_435 : vector<16xf32> -> vector<16xi32>
        %parallel_loop3A_437 = arith.constant 1 : i32
        %parallel_loop3A_438 = vector.broadcast %parallel_loop3A_437 : i32 to vector<16xi32>
        %parallel_loop3A_439 = arith.shrsi %parallel_loop3A_436, %parallel_loop3A_438 : vector<16xi32>
        %parallel_loop3A_440 = arith.constant 1597463007 : i32
        %parallel_loop3A_441 = vector.broadcast %parallel_loop3A_440 : i32 to vector<16xi32>
        %parallel_loop3A_442 = arith.subi %parallel_loop3A_441, %parallel_loop3A_439 : vector<16xi32>
        %parallel_loop3A_443 = tpu.bitcast %parallel_loop3A_442 : vector<16xi32> -> vector<16xf32>
        %parallel_loop3A_444 = arith.constant 5.000000e-01 : f32
        %parallel_loop3A_445 = vector.broadcast %parallel_loop3A_444 : f32 to vector<16xf32>
        %parallel_loop3A_446 = arith.mulf %parallel_loop3A_445, %parallel_loop3A_435 : vector<16xf32>
        %parallel_loop3A_447 = arith.mulf %parallel_loop3A_446, %parallel_loop3A_443 : vector<16xf32>
        %parallel_loop3A_448 = arith.mulf %parallel_loop3A_447, %parallel_loop3A_443 : vector<16xf32>
        %parallel_loop3A_449 = arith.constant 1.500000e+00 : f32
        %parallel_loop3A_450 = vector.broadcast %parallel_loop3A_449 : f32 to vector<16xf32>
        %parallel_loop3A_451 = arith.subf %parallel_loop3A_450, %parallel_loop3A_448 : vector<16xf32>
        %parallel_loop3A_452 = arith.mulf %parallel_loop3A_443, %parallel_loop3A_451 : vector<16xf32>
        %parallel_loop3A_453 = arith.constant 5.000000e-01 : f32
        %parallel_loop3A_454 = vector.broadcast %parallel_loop3A_453 : f32 to vector<16xf32>
        %parallel_loop3A_455 = arith.mulf %parallel_loop3A_454, %parallel_loop3A_435 : vector<16xf32>
        %parallel_loop3A_456 = arith.mulf %parallel_loop3A_455, %parallel_loop3A_452 : vector<16xf32>
        %parallel_loop3A_457 = arith.mulf %parallel_loop3A_456, %parallel_loop3A_452 : vector<16xf32>
        %parallel_loop3A_458 = arith.constant 1.500000e+00 : f32
        %parallel_loop3A_459 = vector.broadcast %parallel_loop3A_458 : f32 to vector<16xf32>
        %parallel_loop3A_460 = arith.subf %parallel_loop3A_459, %parallel_loop3A_457 : vector<16xf32>
        %parallel_loop3A_461 = arith.mulf %parallel_loop3A_452, %parallel_loop3A_460 : vector<16xf32>
        %parallel_loop3A_462 = arith.constant 0.000000e+00 : f32
        %parallel_loop3A_463 = vector.broadcast %parallel_loop3A_462 : f32 to vector<16xf32>
        %parallel_loop3A_464 = arith.subf %parallel_loop3A_463, %parallel_loop3A_427 : vector<16xf32>
        %parallel_loop3A_465 = arith.mulf %parallel_loop3A_464, %parallel_loop3A_461 : vector<16xf32>
        %parallel_loop3A_466 = arith.mulf %parallel_loop3A_355, %parallel_loop3A_461 : vector<16xf32>
        %parallel_loop3A_467 = arith.addf %parallel_loop3A_466, %parallel_loop3A_465 : vector<16xf32>
        %parallel_loop3A_468 = arith.mulf %parallel_loop3A_467, %get3A_1 : vector<16xf32>
        %parallel_loop3A_469 = arith.addf %parallel_loop3A_468, %get3A_9 : vector<16xf32>
        %parallel_loop3A_470 = arith.constant 1 : i32
        %parallel_loop3A_471 = arith.index_cast %parallel_loop3A_470 : i32 to index
        %parallel_loop3A_472 = arith.index_cast %parallel_loop3A_346 : i32 to index
        %parallel_loop3A_473 = arith.constant 0 : index
        %parallel_loop3A_474 = tpu.vector_load %arg13[%parallel_loop3A_471, %parallel_loop3A_472, %parallel_loop3A_473] {strides = array<i32>} : memref<2x200x64xf32, #tpu.memory_space<vmem>>, vector<16xf32>,
        tpu.vector_store %arg13[%parallel_loop3A_471, %parallel_loop3A_472, %parallel_loop3A_473], %parallel_loop3A_469 {strides = array<i32>} : memref<2x200x64xf32, #tpu.memory_space<vmem>>, vector<16xf32>,
        %parallel_loop3A_475 = arith.mulf %parallel_loop3A_364, %parallel_loop3A_461 : vector<16xf32>
        %parallel_loop3A_476 = arith.addf %parallel_loop3A_475, %parallel_loop3A_465 : vector<16xf32>
        %parallel_loop3A_477 = arith.mulf %parallel_loop3A_476, %get3A_3 : vector<16xf32>
        %parallel_loop3A_478 = arith.addf %parallel_loop3A_477, %get3A_11 : vector<16xf32>
        %parallel_loop3A_479 = arith.constant 1 : i32
        %parallel_loop3A_480 = arith.index_cast %parallel_loop3A_479 : i32 to index
        %parallel_loop3A_481 = arith.index_cast %parallel_loop3A_346 : i32 to index
        %parallel_loop3A_482 = arith.constant 16 : index
        %parallel_loop3A_483 = tpu.vector_load %arg13[%parallel_loop3A_480, %parallel_loop3A_481, %parallel_loop3A_482] {strides = array<i32>} : memref<2x200x64xf32, #tpu.memory_space<vmem>>, vector<16xf32>,
        tpu.vector_store %arg13[%parallel_loop3A_480, %parallel_loop3A_481, %parallel_loop3A_482], %parallel_loop3A_478 {strides = array<i32>} : memref<2x200x64xf32, #tpu.memory_space<vmem>>, vector<16xf32>,
        %parallel_loop3A_484 = arith.mulf %parallel_loop3A_373, %parallel_loop3A_461 : vector<16xf32>
        %parallel_loop3A_485 = arith.addf %parallel_loop3A_484, %parallel_loop3A_465 : vector<16xf32>
        %parallel_loop3A_486 = arith.mulf %parallel_loop3A_485, %get3A_5 : vector<16xf32>
        %parallel_loop3A_487 = arith.addf %parallel_loop3A_486, %get3A_13 : vector<16xf32>
        %parallel_loop3A_488 = arith.constant 1 : i32
        %parallel_loop3A_489 = arith.index_cast %parallel_loop3A_488 : i32 to index
        %parallel_loop3A_490 = arith.index_cast %parallel_loop3A_346 : i32 to index
        %parallel_loop3A_491 = arith.constant 32 : index
        %parallel_loop3A_492 = tpu.vector_load %arg13[%parallel_loop3A_489, %parallel_loop3A_490, %parallel_loop3A_491] {strides = array<i32>} : memref<2x200x64xf32, #tpu.memory_space<vmem>>, vector<16xf32>,
        tpu.vector_store %arg13[%parallel_loop3A_489, %parallel_loop3A_490, %parallel_loop3A_491], %parallel_loop3A_487 {strides = array<i32>} : memref<2x200x64xf32, #tpu.memory_space<vmem>>, vector<16xf32>,
        %parallel_loop3A_493 = arith.mulf %parallel_loop3A_382, %parallel_loop3A_461 : vector<16xf32>
        %parallel_loop3A_494 = arith.addf %parallel_loop3A_493, %parallel_loop3A_465 : vector<16xf32>
        %parallel_loop3A_495 = arith.mulf %parallel_loop3A_494, %get3A_7 : vector<16xf32>
        %parallel_loop3A_496 = arith.addf %parallel_loop3A_495, %get3A_15 : vector<16xf32>
        %parallel_loop3A_497 = arith.constant 1 : i32
        %parallel_loop3A_498 = arith.index_cast %parallel_loop3A_497 : i32 to index
        %parallel_loop3A_499 = arith.index_cast %parallel_loop3A_346 : i32 to index
        %parallel_loop3A_500 = arith.constant 48 : index
        %parallel_loop3A_501 = tpu.vector_load %arg13[%parallel_loop3A_498, %parallel_loop3A_499, %parallel_loop3A_500] {strides = array<i32>} : memref<2x200x64xf32, #tpu.memory_space<vmem>>, vector<16xf32>,
        tpu.vector_store %arg13[%parallel_loop3A_498, %parallel_loop3A_499, %parallel_loop3A_500], %parallel_loop3A_496 {strides = array<i32>} : memref<2x200x64xf32, #tpu.memory_space<vmem>>, vector<16xf32>,
      } {sc.loop_unroll_factor = 8 : i64, sc.parallel_access}
      %dma_start3A_325 = arith.constant 1 : i32
      %dma_start3A_326 = arith.constant 1 : i32
      %dma_start3A_327 = arith.constant 0 : i32
      %dma_start3A_328 = arith.constant 0 : i32
      %dma_start3A_329 = tpu.memref_slice %arg13[%dma_start3A_325, %dma_start3A_327, %dma_start3A_328] : memref<2x200x64xf32, #tpu.memory_space<vmem>> -> memref<1x200x64xf32, #tpu.memory_space<vmem>>
      %dma_start3A_330 = tpu.memref_squeeze %dma_start3A_329 : memref<1x200x64xf32, #tpu.memory_space<vmem>> -> memref<200x64xf32, #tpu.memory_space<vmem>>
      %dma_start3A_331 = arith.constant 0 : i32
      %dma_start3A_332 = arith.constant 0 : i32
      %dma_start3A_333 = tpu.memref_slice %arg7[%add3A_247, %dma_start3A_331, %dma_start3A_332] : memref<4096x200x64xf32, #tpu.memory_space<hbm>> -> memref<1x200x64xf32, #tpu.memory_space<hbm>>
      %dma_start3A_334 = tpu.memref_squeeze %dma_start3A_333 : memref<1x200x64xf32, #tpu.memory_space<hbm>> -> memref<200x64xf32, #tpu.memory_space<hbm>>
      %dma_start3A_335 = tpu.memref_slice %arg15[%dma_start3A_326] : memref<2x!tpu.dma_semaphore, #tpu.memory_space<semaphore_mem>> -> memref<1x!tpu.dma_semaphore, #tpu.memory_space<semaphore_mem>>
      %dma_start3A_336 = tpu.memref_squeeze %dma_start3A_335 : memref<1x!tpu.dma_semaphore, #tpu.memory_space<semaphore_mem>> -> memref<!tpu.dma_semaphore, #tpu.memory_space<semaphore_mem>>
      %dma_start3A_337 = arith.constant 0 : i32
      %dma_start3A_338 = arith.constant 0 : i32
      %dma_start3A_339 = tpu.memref_slice %arg7[%add3A_247, %dma_start3A_337, %dma_start3A_338] : memref<4096x200x64xf32, #tpu.memory_space<hbm>> -> memref<1x200x64xf32, #tpu.memory_space<hbm>>
      %dma_start3A_340 = tpu.memref_squeeze %dma_start3A_339 : memref<1x200x64xf32, #tpu.memory_space<hbm>> -> memref<200x64xf32, #tpu.memory_space<hbm>>
      %dma_start3A_341 = arith.constant 0 : i32
      %dma_start3A_342 = arith.constant 0 : i32
      %dma_start3A_343 = tpu.memref_slice %arg13[%dma_start3A_325, %dma_start3A_341, %dma_start3A_342] : memref<2x200x64xf32, #tpu.memory_space<vmem>> -> memref<1x200x64xf32, #tpu.memory_space<vmem>>
      %dma_start3A_344 = tpu.memref_squeeze %dma_start3A_343 : memref<1x200x64xf32, #tpu.memory_space<vmem>> -> memref<200x64xf32, #tpu.memory_space<vmem>>
      tpu.enqueue_dma source(%dma_start3A_344 : memref<200x64xf32, #tpu.memory_space<vmem>>) target(%dma_start3A_340 : memref<200x64xf32, #tpu.memory_space<hbm>>) target_semaphore(%dma_start3A_336 : memref<!tpu.dma_semaphore, #tpu.memory_space<semaphore_mem>>)
      %scan3A_345 = arith.constant 0 : i32
      scf.yield %scan3A_345 : i32
    }
    %scan3A_65 = arith.constant 64 : i32
    %dma_wait3A = arith.constant 0 : i32
    %dma_wait3A_66 = arith.constant 0 : i32
    %dma_wait3A_67 = arith.constant 0 : i32
    %dma_wait3A_68 = arith.constant 0 : i32
    %dma_wait3A_69 = arith.constant 0 : i32
    %dma_wait3A_70 = arith.constant 0 : i32
    %dma_wait3A_71 = tpu.memref_slice %arg12[%dma_wait3A_67, %dma_wait3A_69, %dma_wait3A_70] : memref<2x200x64xf32, #tpu.memory_space<vmem>> -> memref<1x100x64xf32, #tpu.memory_space<vmem>>
    %dma_wait3A_72 = tpu.memref_squeeze %dma_wait3A_71 : memref<1x100x64xf32, #tpu.memory_space<vmem>> -> memref<100x64xf32, #tpu.memory_space<vmem>>
    %dma_wait3A_73 = arith.constant 0 : i32
    %dma_wait3A_74 = tpu.memref_slice %arg11[%dma_wait3A, %dma_wait3A_66, %dma_wait3A_73] : memref<2x2x100xi32, #tpu.memory_space<vmem>> -> memref<1x1x100xi32, #tpu.memory_space<vmem>>
    %dma_wait3A_75 = tpu.memref_squeeze %dma_wait3A_74 : memref<1x1x100xi32, #tpu.memory_space<vmem>> -> memref<100xi32, #tpu.memory_space<vmem>>
    %dma_wait3A_76 = arith.constant 0 : i32
    %dma_wait3A_77 = arith.constant 0 : i32
    %dma_wait3A_78 = tpu.memref_slice %arg3[%dma_wait3A_76, %dma_wait3A_77] : memref<1000000x64xf32, #tpu.memory_space<hbm>> -> memref<1000000x64xf32, #tpu.memory_space<hbm>>
    %dma_wait3A_79 = tpu.memref_slice %arg14[%dma_wait3A_68] : memref<2x!tpu.dma_semaphore, #tpu.memory_space<semaphore_mem>> -> memref<1x!tpu.dma_semaphore, #tpu.memory_space<semaphore_mem>>
    %dma_wait3A_80 = tpu.memref_squeeze %dma_wait3A_79 : memref<1x!tpu.dma_semaphore, #tpu.memory_space<semaphore_mem>> -> memref<!tpu.dma_semaphore, #tpu.memory_space<semaphore_mem>>
    tpu.wait_indirect_dma semaphore(%dma_wait3A_80 : memref<!tpu.dma_semaphore, #tpu.memory_space<semaphore_mem>>) src(%dma_wait3A_78 : memref<1000000x64xf32, #tpu.memory_space<hbm>>) dst(%dma_wait3A_72 : memref<100x64xf32, #tpu.memory_space<vmem>>)
    %dma_wait3A_81 = arith.constant 0 : i32
    %dma_wait3A_82 = arith.constant 1 : i32
    %dma_wait3A_83 = arith.constant 0 : i32
    %dma_wait3A_84 = arith.constant 0 : i32
    %dma_wait3A_85 = arith.constant 100 : i32
    %dma_wait3A_86 = arith.constant 0 : i32
    %dma_wait3A_87 = tpu.memref_slice %arg12[%dma_wait3A_83, %dma_wait3A_85, %dma_wait3A_86] : memref<2x200x64xf32, #tpu.memory_space<vmem>> -> memref<1x100x64xf32, #tpu.memory_space<vmem>>
    %dma_wait3A_88 = tpu.memref_squeeze %dma_wait3A_87 : memref<1x100x64xf32, #tpu.memory_space<vmem>> -> memref<100x64xf32, #tpu.memory_space<vmem>>
    %dma_wait3A_89 = arith.constant 0 : i32
    %dma_wait3A_90 = tpu.memref_slice %arg11[%dma_wait3A_81, %dma_wait3A_82, %dma_wait3A_89] : memref<2x2x100xi32, #tpu.memory_space<vmem>> -> memref<1x1x100xi32, #tpu.memory_space<vmem>>
    %dma_wait3A_91 = tpu.memref_squeeze %dma_wait3A_90 : memref<1x1x100xi32, #tpu.memory_space<vmem>> -> memref<100xi32, #tpu.memory_space<vmem>>
    %dma_wait3A_92 = arith.constant 0 : i32
    %dma_wait3A_93 = arith.constant 0 : i32
    %dma_wait3A_94 = tpu.memref_slice %arg3[%dma_wait3A_92, %dma_wait3A_93] : memref<1000000x64xf32, #tpu.memory_space<hbm>> -> memref<1000000x64xf32, #tpu.memory_space<hbm>>
    %dma_wait3A_95 = tpu.memref_slice %arg14[%dma_wait3A_84] : memref<2x!tpu.dma_semaphore, #tpu.memory_space<semaphore_mem>> -> memref<1x!tpu.dma_semaphore, #tpu.memory_space<semaphore_mem>>
    %dma_wait3A_96 = tpu.memref_squeeze %dma_wait3A_95 : memref<1x!tpu.dma_semaphore, #tpu.memory_space<semaphore_mem>> -> memref<!tpu.dma_semaphore, #tpu.memory_space<semaphore_mem>>
    tpu.wait_indirect_dma semaphore(%dma_wait3A_96 : memref<!tpu.dma_semaphore, #tpu.memory_space<semaphore_mem>>) src(%dma_wait3A_94 : memref<1000000x64xf32, #tpu.memory_space<hbm>>) dst(%dma_wait3A_88 : memref<100x64xf32, #tpu.memory_space<vmem>>)
    %add3A_97 = arith.constant 128 : i32
    %add3A_98 = arith.addi %mul3A_28, %add3A_97 : i32
    %sub3A = arith.constant 2 : i32
    %sub3A_99 = arith.subi %add3A_98, %sub3A : i32
    %dma_wait3A_100 = arith.constant 0 : i32
    %dma_wait3A_101 = arith.constant 0 : i32
    %dma_wait3A_102 = arith.constant 0 : i32
    %dma_wait3A_103 = arith.constant 0 : i32
    %dma_wait3A_104 = tpu.memref_slice %arg13[%dma_wait3A_100, %dma_wait3A_102, %dma_wait3A_103] : memref<2x200x64xf32, #tpu.memory_space<vmem>> -> memref<1x200x64xf32, #tpu.memory_space<vmem>>
    %dma_wait3A_105 = tpu.memref_squeeze %dma_wait3A_104 : memref<1x200x64xf32, #tpu.memory_space<vmem>> -> memref<200x64xf32, #tpu.memory_space<vmem>>
    %dma_wait3A_106 = arith.constant 0 : i32
    %dma_wait3A_107 = arith.constant 0 : i32
    %dma_wait3A_108 = tpu.memref_slice %arg7[%sub3A_99, %dma_wait3A_106, %dma_wait3A_107] : memref<4096x200x64xf32, #tpu.memory_space<hbm>> -> memref<1x200x64xf32, #tpu.memory_space<hbm>>
    %dma_wait3A_109 = tpu.memref_squeeze %dma_wait3A_108 : memref<1x200x64xf32, #tpu.memory_space<hbm>> -> memref<200x64xf32, #tpu.memory_space<hbm>>
    %dma_wait3A_110 = tpu.memref_slice %arg15[%dma_wait3A_101] : memref<2x!tpu.dma_semaphore, #tpu.memory_space<semaphore_mem>> -> memref<1x!tpu.dma_semaphore, #tpu.memory_space<semaphore_mem>>
    %dma_wait3A_111 = tpu.memref_squeeze %dma_wait3A_110 : memref<1x!tpu.dma_semaphore, #tpu.memory_space<semaphore_mem>> -> memref<!tpu.dma_semaphore, #tpu.memory_space<semaphore_mem>>
    %dma_wait3A_112 = arith.constant 0 : i32
    %dma_wait3A_113 = arith.constant 0 : i32
    %dma_wait3A_114 = tpu.memref_slice %arg7[%sub3A_99, %dma_wait3A_112, %dma_wait3A_113] : memref<4096x200x64xf32, #tpu.memory_space<hbm>> -> memref<1x200x64xf32, #tpu.memory_space<hbm>>
    %dma_wait3A_115 = tpu.memref_squeeze %dma_wait3A_114 : memref<1x200x64xf32, #tpu.memory_space<hbm>> -> memref<200x64xf32, #tpu.memory_space<hbm>>
    %dma_wait3A_116 = arith.constant 0 : i32
    %dma_wait3A_117 = arith.constant 0 : i32
    %dma_wait3A_118 = tpu.memref_slice %arg13[%dma_wait3A_100, %dma_wait3A_116, %dma_wait3A_117] : memref<2x200x64xf32, #tpu.memory_space<vmem>> -> memref<1x200x64xf32, #tpu.memory_space<vmem>>
    %dma_wait3A_119 = tpu.memref_squeeze %dma_wait3A_118 : memref<1x200x64xf32, #tpu.memory_space<vmem>> -> memref<200x64xf32, #tpu.memory_space<vmem>>
    tpu.wait_dma2 semaphore(%dma_wait3A_111 : memref<!tpu.dma_semaphore, #tpu.memory_space<semaphore_mem>>) src(%dma_wait3A_119 : memref<200x64xf32, #tpu.memory_space<vmem>>) dst(%dma_wait3A_115 : memref<200x64xf32, #tpu.memory_space<hbm>>)
    %add3A_120 = arith.constant 128 : i32
    %add3A_121 = arith.addi %mul3A_28, %add3A_120 : i32
    %sub3A_122 = arith.constant 1 : i32
    %sub3A_123 = arith.subi %add3A_121, %sub3A_122 : i32
    %dma_wait3A_124 = arith.constant 1 : i32
    %dma_wait3A_125 = arith.constant 1 : i32
    %dma_wait3A_126 = arith.constant 0 : i32
    %dma_wait3A_127 = arith.constant 0 : i32
    %dma_wait3A_128 = tpu.memref_slice %arg13[%dma_wait3A_124, %dma_wait3A_126, %dma_wait3A_127] : memref<2x200x64xf32, #tpu.memory_space<vmem>> -> memref<1x200x64xf32, #tpu.memory_space<vmem>>
    %dma_wait3A_129 = tpu.memref_squeeze %dma_wait3A_128 : memref<1x200x64xf32, #tpu.memory_space<vmem>> -> memref<200x64xf32, #tpu.memory_space<vmem>>
    %dma_wait3A_130 = arith.constant 0 : i32
    %dma_wait3A_131 = arith.constant 0 : i32
    %dma_wait3A_132 = tpu.memref_slice %arg7[%sub3A_123, %dma_wait3A_130, %dma_wait3A_131] : memref<4096x200x64xf32, #tpu.memory_space<hbm>> -> memref<1x200x64xf32, #tpu.memory_space<hbm>>
    %dma_wait3A_133 = tpu.memref_squeeze %dma_wait3A_132 : memref<1x200x64xf32, #tpu.memory_space<hbm>> -> memref<200x64xf32, #tpu.memory_space<hbm>>
    %dma_wait3A_134 = tpu.memref_slice %arg15[%dma_wait3A_125] : memref<2x!tpu.dma_semaphore, #tpu.memory_space<semaphore_mem>> -> memref<1x!tpu.dma_semaphore, #tpu.memory_space<semaphore_mem>>
    %dma_wait3A_135 = tpu.memref_squeeze %dma_wait3A_134 : memref<1x!tpu.dma_semaphore, #tpu.memory_space<semaphore_mem>> -> memref<!tpu.dma_semaphore, #tpu.memory_space<semaphore_mem>>
    %dma_wait3A_136 = arith.constant 0 : i32
    %dma_wait3A_137 = arith.constant 0 : i32
    %dma_wait3A_138 = tpu.memref_slice %arg7[%sub3A_123, %dma_wait3A_136, %dma_wait3A_137] : memref<4096x200x64xf32, #tpu.memory_space<hbm>> -> memref<1x200x64xf32, #tpu.memory_space<hbm>>
    %dma_wait3A_139 = tpu.memref_squeeze %dma_wait3A_138 : memref<1x200x64xf32, #tpu.memory_space<hbm>> -> memref<200x64xf32, #tpu.memory_space<hbm>>
    %dma_wait3A_140 = arith.constant 0 : i32
    %dma_wait3A_141 = arith.constant 0 : i32
    %dma_wait3A_142 = tpu.memref_slice %arg13[%dma_wait3A_124, %dma_wait3A_140, %dma_wait3A_141] : memref<2x200x64xf32, #tpu.memory_space<vmem>> -> memref<1x200x64xf32, #tpu.memory_space<vmem>>
    %dma_wait3A_143 = tpu.memref_squeeze %dma_wait3A_142 : memref<1x200x64xf32, #tpu.memory_space<vmem>> -> memref<200x64xf32, #tpu.memory_space<vmem>>
    tpu.wait_dma2 semaphore(%dma_wait3A_135 : memref<!tpu.dma_semaphore, #tpu.memory_space<semaphore_mem>>) src(%dma_wait3A_143 : memref<200x64xf32, #tpu.memory_space<vmem>>) dst(%dma_wait3A_139 : memref<200x64xf32, #tpu.memory_space<hbm>>)
    return
  }
}

</mosaic_0001>

<sc_bundles>
// kernel: kernel.3.cloned.1.call-start
scs
__scs_entry_jumppad:
0x0: {  	(pc) =	sbr.rel $0x88, $3  }
0x1: {  	(tag) =	ssettag $0x0;
	lr =	simm.s32 $0x1  }
0x2: {  	[smem:$0x3F9C] =	sst lr;
	_ =	strace $0xD0000000  }
0x3: {  	_ = 	snop  }
0x4: {  	_ = 	snop  }
0x5: {  	_ = 	snop  }
0x6: {  	_ = 	snop  }
0x7: {  	_ = 	snop  }
__scs_overlays_trampoline_lowered:
0x8: {  	[smem:$0x3FAB] =	sst s0  }
0x9: {  	[smem:$0x3FAC] =	sst s1  }
0xa: {  	[smem:$0x3FAD] =	sst s2  }
0xb: {  	[smem:$0x3FAE] =	sst s3  }
0xc: {  	[smem:$0x3FAF] =	sst s4  }
0xd: {  	[smem:$0x3FB0] =	sst s5  }
0xe: {  	[smem:$0x3FB1] =	sst s6  }
0xf: {  	[smem:$0x3FB2] =	sst s7  }
0x10: {  	[smem:$0x3FB3] =	sst s8  }
0x11: {  	[smem:$0x3FB4] =	sst s9;
	s0 =	simm.s32 @!p0 $0x0  }
0x12: {  	s1 =	sld [smem:$0x3F9A];
	s0 =	simm.s32 @p0 $0x1  }
0x13: {  	[smem:$0x3FB5] =	sst s0;
	s0 =	simm.s32 @!p1 $0x0  }
0x14: {  	s2 =	sld [smem:$0x3F99];
	s0 =	simm.s32 @p1 $0x1  }
0x15: {  	[smem:$0x3FB6] =	sst s0;
	s0 =	simm.s32 @!p2 $0x0  }
0x16: {  	s3 =	sld [smem:$0x3FDB];
	s0 =	simm.s32 @p2 $0x1  }
0x17: {  	s4 =	simm.s32 $0x1BF5;
	[smem:$0x3FB8] =	sst s0  }
0x18: {  	s0 =	sld [smem:$0x3F9B];
	_ =	swait.ge [sflag:s4], $0x0  }
0x19: {  	s7 =	sld [smem:$0x3F9C]  }
0x1a: {  	s8 =	sadd.s32 $0xFFFFE003, lr  }
0x1b: {  	s9 =	sadd.s32 $0xFFFFFEF7, lr;
	s5 =	simm.s32 $0xFFFFFFFF;
	p2 =	slt.u32 s8, $0xFFFFF086  }
0x1c: {  	p1 =	slt.u32 s9, $0xF7A;
	s5 =	simm.s32 @!p2 $0x0  }
0x1d: {  	s5 =	simm.s32 @p1 $0x1;
	p0 =	seq.s32 s7, s2  }
0x1e: {  	s7 =	smul.u32 @!p0 $0xF7A, s2;
	p2 =	seq.s32 @!p0 s5, $0x0  }
0x1f: {  	s9 =	smul.u32 $0xF7A, s1;
	s8 =	simm.s32 @!p0 $0x1BF5;
	p2 =	por !p2, p0  }
0x20: {  	[sflag:s8] =	ssyncset.s32 @!p0 $0xFFFFF086;
	s6 =	sadd.s32 @!p0 s3, s7;
	s7 =	simm.s32 @!p0 $0x108  }
0x21: {  	s3 =	sadd.s32 s3, s9;
	s6 =	sadd.s32 @!p0 $0x88, s6;
	s7 =	simm.s32 @p2 $0x1082  }
0x22: {  	[simem:s7], [sflag:s8] =	dma.local @!p0 [hbm:s6], $0xF7A  }
0x23: {  	s9 =	sor.u32 $0xD0000000, s2;
	s6 =	simm.s32 $0x108;
	_ =	swait.ge @!p0 [sflag:s8], $0x0  }
0x24: {  	s3 =	sadd.s32 $0x88, s3;
	s6 =	simm.s32 @!p1 $0x1082;
	[sflag:s4] =	ssyncset.s32 $0xFFFFF086  }
0x25: {  	[simem:s6], [sflag:s4] =	dma.local [hbm:s3], $0xF7A  }
0x26: {  	[smem:$0x3F9C] =	sst s1;
	(tag) =	ssettag s2;
	_ =	strace s9  }
0x27: {  	s1 =	sld [smem:$0x3FAC]  }
0x28: {  	s2 =	sld [smem:$0x3FAD]  }
0x29: {  	s4 =	sld [smem:$0x3FAF]  }
0x2a: {  	p0 =	seq.s32 s5, $0x0;
	s5 =	sld [smem:$0x3FB0]  }
0x2b: {  	s6 =	sld [smem:$0x3FB1]  }
0x2c: {  	s7 =	sld [smem:$0x3FB2]  }
0x2d: {  	s3 =	simm.s32 $0x108;
	s8 =	sld [smem:$0x3FB3]  }
0x2e: {  	s3 =	simm.s32 @!p0 $0x1082;
	s9 =	sld [smem:$0x3FB4]  }
0x2f: {  	lr =	sadd.s32 s0, s3;
	s0 =	sld [smem:$0x3FAB]  }
0x30: {  	s3 =	sld [smem:$0x3FAE]  }
0x31: {  	[smem:$0x3FB7] =	sst s10  }
0x32: {  	s10 =	sld [smem:$0x3FB5];
	_ =	sdelay $0x3  }
0x33: {  	p0 =	seq.s32 s10, $0x1;
	s10 =	sld [smem:$0x3FB7];
	_ =	sdelay $0x3  }
0x34: {  	[smem:$0x3FB7] =	sst s10  }
0x35: {  	s10 =	sld [smem:$0x3FB6];
	_ =	sdelay $0x3  }
0x36: {  	p1 =	seq.s32 s10, $0x1;
	s10 =	sld [smem:$0x3FB7];
	_ =	sdelay $0x3  }
0x37: {  	[smem:$0x3FB7] =	sst s10  }
0x38: {  	s10 =	sld [smem:$0x3FB8]  }
0x39: {  	_ = 	snop;
	(pc) =	sbr.ind lr, $3  }
0x3a: {  	_ = 	snop  }
0x3b: {  	_ = 	snop  }
0x3c: {  	p2 =	seq.s32 s10, $0x1;
	s10 =	sld [smem:$0x3FB7]  }
0x3d: {  	_ =	shalt  }
0x3e: {  	_ =	shalt  }
0x3f: {  	_ =	shalt  }
0x40: {  	_ =	shalt  }
0x41: {  	_ =	shalt  }
0x42: {  	_ =	shalt  }
0x43: {  	_ =	shalt  }
0x44: {  	_ =	shalt  }
0x45: {  	_ =	shalt  }
0x46: {  	_ =	shalt  }
0x47: {  	_ =	shalt  }
0x48: {  	_ =	shalt  }
0x49: {  	_ =	shalt  }
0x4a: {  	_ =	shalt  }
0x4b: {  	_ =	shalt  }
0x4c: {  	_ =	shalt  }
0x4d: {  	_ =	shalt  }
0x4e: {  	_ =	shalt  }
0x4f: {  	_ =	shalt  }
0x50: {  	_ =	shalt  }
0x51: {  	_ =	shalt  }
0x52: {  	_ =	shalt  }
0x53: {  	_ =	shalt  }
0x54: {  	_ =	shalt  }
0x55: {  	_ =	shalt  }
0x56: {  	_ =	shalt  }
0x57: {  	_ =	shalt  }
0x58: {  	_ =	shalt  }
0x59: {  	_ =	shalt  }
0x5a: {  	_ =	shalt  }
0x5b: {  	_ =	shalt  }
0x5c: {  	_ =	shalt  }
0x5d: {  	_ =	shalt  }
0x5e: {  	_ =	shalt  }
0x5f: {  	_ =	shalt  }
0x60: {  	_ =	shalt  }
0x61: {  	_ =	shalt  }
0x62: {  	_ =	shalt  }
0x63: {  	_ =	shalt  }
0x64: {  	_ =	shalt  }
0x65: {  	_ =	shalt  }
0x66: {  	_ =	shalt  }
0x67: {  	_ =	shalt  }
0x68: {  	_ =	shalt  }
0x69: {  	_ =	shalt  }
0x6a: {  	_ =	shalt  }
0x6b: {  	_ =	shalt  }
0x6c: {  	_ =	shalt  }
0x6d: {  	_ =	shalt  }
0x6e: {  	_ =	shalt  }
0x6f: {  	_ =	shalt  }
0x70: {  	_ =	shalt  }
0x71: {  	_ =	shalt  }
0x72: {  	_ =	shalt  }
0x73: {  	_ =	shalt  }
0x74: {  	_ =	shalt  }
0x75: {  	_ =	shalt  }
0x76: {  	_ =	shalt  }
0x77: {  	_ =	shalt  }
0x78: {  	_ =	shalt  }
0x79: {  	_ =	shalt  }
0x7a: {  	_ =	shalt  }
0x7b: {  	_ =	shalt  }
0x7c: {  	_ =	shalt  }
0x7d: {  	_ =	shalt  }
0x7e: {  	_ =	shalt  }
0x7f: {  	_ =	shalt  }
0x80: {  	_ =	shalt  }
0x81: {  	_ =	shalt  }
0x82: {  	_ =	shalt  }
0x83: {  	_ =	shalt  }
0x84: {  	_ =	shalt  }
0x85: {  	_ =	shalt  }
0x86: {  	_ =	shalt  }
0x87: {  	_ =	shalt  }
.Lfunc_end0:
.L_simem_size_0:
called_computation.1_lowered:
.L_overlay_start_0:
0x88: {  	s2 =	sld [smem:$0x3FD9]  }
0x89: {  	s3 =	sld [smem:$0x3FFE];
	_ =	sdelay $0x1  }
0x8a: {  	s1 =	srdreg.scid  }
0x8b: {  	s0 =	sand.u32 $0x1, s1  }
0x8c: {  	s17 =	sshll.u32 s0, $0xA;
	s2 =	sadd.s32 s3, s2  }
0x8d: {  	s2 =	sadd.s32 s2, s17  }
0x8e: {  	[smem:$0x3FC3] =	sst s2  }
0x8f: {  	_ = 	snop  }
0x90: {  	s2 =	sld [smem:$0x3FC6]  }
0x91: {  	s18 =	sld [smem:$0x3FC5]  }
0x92: {  	s4 =	sld [smem:$0x3FD0];
	(tm) =	ssettm $0x1  }
0x93: {  	s5 =	sld [smem:$0x3FFB];
	_ =	sdelay $0x3  }
0x94: {  	_ =	strace s5  }
0x95: {  	s5 =	sld [smem:$0x3FFC];
	_ =	sdelay $0x3  }
0x96: {  	_ =	strace s5  }
0x97: {  	s5 =	sld [smem:$0x3FFD];
	_ =	sdelay $0x3  }
0x98: {  	_ =	strace s5  }
0x99: {  	_ =	strace $0x8FFFFFFF  }
0x9a: {  	s19 =	sld [smem:$0x3FDB];
	_ =	sdelay $0x1  }
0x9b: {  	s6 =	simm.s32 $_scs_section_size  }
0x9c: {  	s7 =	simm.s32 $_size__tile_overlayer_lowered;
	s8 =	simm.s32 $_tile_overlayer_lowered  }
0x9d: {  	s22 =	simm.s32 $0x1BFF;
	s21 =	sshll.u32 s8, $0x1;
	s5 =	sadd.s32 s6, s19  }
0x9e: {  	s9 =	simm.s32 $0x0;
	s20 =	sshll.u32 s7, $0x1;
	s7 =	sadd.s32 s21, s5  }
0x9f: {  	[timem:s9], [sflag:s22] =	dma.local [hbm:s7], s20  }
0xa0: {  	_ =	swait.ge [sflag:s22], s20  }
0xa1: {  	s6 =	ssub.s32 $0x0, s20;
	[sflag:s22] =	ssyncset.done $0x0  }
0xa2: {  	[sflag:s22] =	ssyncadd.s32 s6;
	_ =	sdelay $0x1  }
0xa3: {  	s23 =	simm.s32 $0x1B8B  }
0xa4: {  	_ =	swait.ge [sflag:s23], $0x1  }
0xa5: {  	[sflag:s23] =	ssyncset.done $0x0  }
0xa6: {  	s25 =	simm.s32 $0x1B8E;
	s24 =	sld [smem:$0x3FFE];
	[sflag:s23] =	ssyncadd.s32 $0xFFFFFFFF  }
0xa7: {  	s26 =	simm.s32 $execute0_lowered;
	[smem:$0x3FD2] =	sst s25  }
0xa8: {  	s7 =	sshll.u32 s26, $0x1;
	_ =	strace $0x80000046;
	[dreg:$0x1] =	wrdreg $0xFFFFFFFF  }
0xa9: {  	s28 =	simm.s32 $_size_execute0_lowered;
	s5 =	sadd.s32 s5, s7;
	[dreg:$0x0] =	wrdreg $0x0  }
0xaa: {  	s7 =	sshll.u32 s28, $0x1;
	[dreg:$0x2] =	wrdreg s5  }
0xab: {  	[dreg:$0x3] =	wrdreg s7  }
0xac: {  	[dreg:$0x4] =	wrdreg $0xC0  }
0xad: {  	_ =	task [dreg:s9], $0x5FFFF  }
0xae: {  	[dreg:$0x1] =	wrdreg $0xFFFFFFFF  }
0xaf: {  	[dreg:$0x0] =	wrdreg $0x60  }
0xb0: {  	[dreg:$0x2] =	wrdreg s24  }
0xb1: {  	[dreg:$0x3] =	wrdreg s2  }
0xb2: {  	[dreg:$0x4] =	wrdreg s18  }
0xb3: {  	[dreg:$0x5] =	wrdreg s4  }
0xb4: {  	[dreg:$0x6] =	wrdreg $0x9  }
0xb5: {  	_ =	task.clear_ibuf [dreg:s9], $0x7FFFF;
	_ =	strace $0x90000046  }
0xb6: {  	s29 =	simm.s32 $0x9;
	_ =	strace $0x80000048  }
0xb7: {  	_ =	swait.ge [sflag:s29], $0x1  }
0xb8: {  	[sflag:s29] =	ssyncadd.s32 $0xFFFFFFFF  }
0xb9: {  	_ =	strace $0x90000048  }
0xba: {  	_ =	sfence  }
0xbb: {  	s30 =	sld [smem:$0x0];
	_ =	sdelay $0x2  }
0xbc: {  	s31 =	sshll.u32 s1, $0xD;
	s1 =	sshrl.u32 s1, $0x2  }
0xbd: {  	s3 =	sand.u32 $0x4000, s31;
	s1 =	sadd.s32 s1, s30  }
0xbe: {  	s0 =	sor.u32 s3, s0;
	s1 =	sshll.u32 s1, $0x11  }
0xbf: {  	s0 =	sor.u32 s1, s0  }
0xc0: {  	s0 =	sadd.s32 $0x8F2B, s0  }
0xc1: {  	[sflag:s0] =	ssyncadd.remote.s32 $0x1  }
0xc2: {  	_ =	sfence.sel $0xFFFF  }
0xc3: {  	[dreg:$0x0] =	wrdreg $0xFFFFFFFF;
	(pc) =	sbr.abs _section_cstart, $3  }
0xc4: {  	[dreg:$0x1] =	wrdreg $0xFFFFFFFF  }
0xc5: {  	_ =	task.clear_ibuf [dreg:s9], $0x2FFFF;
	_ =	strace $0x9FFFFFFF  }
0xc6: {  	(tm) =	ssettm $0x7FFFFFFF  }
0xc7: {  	_ =	shalt  }
tec
execute0_lowered:
.L_overlay_start_1:
0x0: {  	(tag) =	ssettag $0x1  }
0x1: {  	s0 =	rddreg [dreg:$0x0];
	v0 =	vimm.s32 $0xEFCDAB89;
	v1 =	vimm.s32 $0x67452301;
	v2 =	vimm.s32 $0xDCFE98BA  }
0x2: {  	s3 =	rddreg [dreg:$0x3];
	v3 =	vimm.s32 $0x54761032;
	v4 =	vimm.s32 $0xBA98FEDC;
	v5 =	vimm.s32 $0x32107654  }
0x3: {  	s1 =	srdreg.scid;
	s5 =	simm.s32 $0x0;
	s2 =	stileid.u32;
	v6 =	vimm.s32 $0xFEDCBA98;
	v7 =	vimm.s32 $0x76543210;
	v0 =	vunpack.c.l.s4.s8 v0  }
0x4: {  	s12 =	simm.s32 $0x5;
	s15 =	simm.s32 $0x3280;
	s16 =	simm.s32 $0x64;
	v1 =	vunpack.c.l.s4.s8 v1;
	v2 =	vunpack.c.l.s4.s8 v2;
	v3 =	vunpack.c.l.s4.s8 v3  }
0x5: {  	s17 =	simm.s32 $0x3420;
	s18 =	simm.s32 $0x32E8;
	s19 =	simm.s32 $0x4D20;
	v4 =	vunpack.c.l.s4.s8 v4;
	v5 =	vunpack.c.l.s4.s8 v5;
	v6 =	vunpack.c.l.s4.s8 v6  }
0x6: {  	s20 =	simm.s32 $0x3350;
	s21 =	simm.s32 $0x6620;
	s22 =	simm.s32 $0x33B8;
	v0 =	vunpack.c.0.s8.s32 v0;
	v1 =	vunpack.c.0.s8.s32 v1;
	v2 =	vunpack.c.0.s8.s32 v2  }
0x7: {  	s23 =	simm.s32 $0x7F20;
	s24 =	simm.s32 $0x1;
	s28 =	simm.s32 $0xCA20;
	v3 =	vunpack.c.0.s8.s32 v3;
	v4 =	vunpack.c.0.s8.s32 v4;
	v5 =	vunpack.c.0.s8.s32 v5  }
0x8: {  	s29 =	simm.s32 $0x3;
	s30 =	simm.s32 $0x4;
	s31 =	simm.s32 $0x0;
	v7 =	vunpack.c.l.s4.s8 v7;
	v0 =	vcombine.low v1, v0  }
0x9: {  	s1 =	sand.u32 $0x1, s1;
	[smem:$0x7FF] =	sst s5;
	s2 =	sshll.u32 s2, $0x8;
	v1 =	vunpack.c.0.s8.s32 v6;
	v2 =	vcombine.low v3, v2;
	v3 =	vcombine.low v5, v4  }
0xa: {  	s7 =	sadd.s32 $0xC00, s0;
	s8 =	sadd.s32 $0xF43000, s0;
	s4 =	sshll.u32 s1, $0x7;
	v4 =	vunpack.c.0.s8.s32 v7;
	v0 =	vand.u32 $0xF, v0  }
0xb: {  	_ =	strace $0x80000047;
	s1 =	ssub.s32 $0x2, s1;
	s6 =	sor.u32 s4, s2;
	v5 =	vand.u32 $0xF, v1;
	v1 =	vand.u32 $0xF, v2;
	v2 =	vand.u32 $0xF, v3;
	[tilespmem:$0x1FFC0] =	vst v0  }
0xc: {  	s0 =	sadd.s32 $0x1AC00, s0;
	s25 =	sshrl.u32 s1, $0x1;
	s4 =	smul.u32 $0x1A, s6;
	v3 =	vcombine.low v5, v4;
	[tilespmem:$0x1FFD0] =	vst v2  }
0xd: {  	[dreg:$0x5] =	wrdreg s0;
	s26 =	ssub.s32 s1, s25;
	s25 =	simm.s32 $0x9820;
	[tilespmem:$0x1FFE0] =	vst v1  }
0xe: {  	s11 =	smax.u32 s26, $0x1;
	s26 =	simm.s32 $0x2;
	s10 =	sadd.s32 s7, s4;
	[tilespmem:$0x1FFF0] =	vst v3  }
.LBB2_1:
0xf: {  	s0 =	rddreg [dreg:$0x5]  }
0x10: {  	[tilespmem:s5], [sflag:$0x5] =	stream.linear.gather [hbm4b:s0+s5], $0x3200, $0x38;
	[tilespmem:$0xFC20] =	vst v63  }
0x11: {  	_ =	swait.ge [sflag:s12], $0x3200  }
0x12: {  	[sflag:s12] =	ssyncset.done $0x0  }
0x13: {  	[sflag:s12] =	ssyncadd.s32 $0xFFFFCE00  }
0x14: {  	s1 =	simm.s32 $0x3200;
	s9 =	rddreg [dreg:$0x1]  }
0x15: {  	[tilespmem:s1], [sflag:$0x5] =	stream.linear.gather [hbm4b:s9+s5], $0x40, $0x38;
	[tilespmem:$0xFC20] =	vst v63  }
0x16: {  	_ =	swait.ge [sflag:s12], $0x40  }
0x17: {  	[sflag:s12] =	ssyncset.done $0x0  }
0x18: {  	[sflag:s12] =	ssyncadd.s32 $0xFFFFFFC0  }
0x19: {  	s14 =	simm.s32 $0x3240;
	s13 =	rddreg [dreg:$0x2]  }
0x1a: {  	[tilespmem:s14], [sflag:$0x5] =	stream.linear.gather [hbm4b:s13+s5], $0x40, $0x38;
	[tilespmem:$0xFC20] =	vst v63  }
0x1b: {  	_ =	swait.ge [sflag:s12], $0x40  }
0x1c: {  	[sflag:s12] =	ssyncset.done $0x0  }
0x1d: {  	[sflag:s12] =	ssyncadd.s32 $0xFFFFFFC0  }
0x1e: {  	v4 =	vld [tilespmem:$0x3200];
	_ =	sdelay $0x4  }
0x1f: {  	[tilespmem:$0x1FF40] =	vst v4;
	v4 =	vld [tilespmem:$0x3210];
	_ =	sdelay $0x4  }
0x20: {  	[tilespmem:$0x1FF50] =	vst v4;
	v4 =	vld [tilespmem:$0x3220];
	_ =	sdelay $0x3  }
0x21: {  	v7 =	vld [tilespmem:$0x3270]  }
0x22: {  	[tilespmem:$0x1FF60] =	vst v4;
	v4 =	vld [tilespmem:$0x3230];
	_ =	sdelay $0x1  }
0x23: {  	v6 =	vld [tilespmem:$0x3260]  }
0x24: {  	v5 =	vld [tilespmem:$0x3250]  }
0x25: {  	[tilespmem:$0x1FF80] =	vst v7  }
0x26: {  	[tilespmem:$0x1FF70] =	vst v4;
	v4 =	vld [tilespmem:$0x3240];
	[tilespmem:s15], [sflag:$0x5] =	stream.linear.gather [hbm4b:s10+s5], $0xD0, $0x38  }
0x27: {  	_ =	swait.ge [sflag:s12], $0xD0  }
0x28: {  	[sflag:s12] =	ssyncset.done $0x0;
	[tilespmem:$0x1FF90] =	vst v6  }
0x29: {  	[tilespmem:$0x1FFA0] =	vst v5;
	[sflag:s12] =	ssyncadd.s32 $0xFFFFFF30  }
0x2a: {  	[tilespmem:s17], [sflag:$0x1] =	stream.indirect.gather [hbm4b:s8+s16], $0x40, s15, s16, $0xb8;
	[tilespmem:$0xFC20] =	vst v63  }
0x2b: {  	s0 =	simm.s32 $0x0;
	[tilespmem:$0x1FFB0] =	vst v4  }
0x2c: {  	[tilespmem:s19], [sflag:$0x1] =	stream.indirect.gather [hbm4b:s8+s16], $0x40, s18, s16, $0xb8;
	[tilespmem:$0xFC20] =	vst v63  }
.LBB2_2:
0x2d: {  	s1 =	sshll.u32 s0, $0x1  }
0x2e: {  	s4 =	sor.u32 s6, s1  }
0x2f: {  	s1 =	smul.u32 $0xD0, s4;
	_ =	sdelay $0x1  }
0x30: {  	s1 =	sshrl.u32 s1, $0x3  }
0x31: {  	s1 =	sadd.s32 s7, s1  }
0x32: {  	s1 =	sadd.s32 $0x1A, s1  }
0x33: {  	[tilespmem:s20], [sflag:$0x5] =	stream.linear.gather [hbm4b:s1+s5], $0xD0, $0x38;
	[tilespmem:$0xFC20] =	vst v63  }
0x34: {  	_ =	swait.ge [sflag:s12], $0xD0  }
0x35: {  	[sflag:s12] =	ssyncset.done $0x0  }
0x36: {  	[sflag:s12] =	ssyncadd.s32 $0xFFFFFF30  }
0x37: {  	[tilespmem:s21], [sflag:$0x2] =	stream.indirect.gather [hbm4b:s8+s16], $0x40, s20, s16, $0xb8;
	[tilespmem:$0xFC20] =	vst v63  }
0x38: {  	_ = 	snop  }
0x39: {  	[tilespmem:s23], [sflag:$0x2] =	stream.indirect.gather [hbm4b:s8+s16], $0x40, s22, s16, $0xb8;
	[tilespmem:$0xFC20] =	vst v63  }
0x3a: {  	_ =	swait.ge [sflag:s24], $0x1900  }
0x3b: {  	[sflag:s24] =	ssyncset.done $0x0  }
0x3c: {  	[sflag:s24] =	ssyncadd.s32 $0xFFFFE700  }
0x3d: {  	_ =	swait.ge [sflag:s24], $0x1900  }
0x3e: {  	p0 =	seq.s32 s0, $0x0;
	[sflag:s24] =	ssyncset.done $0x0  }
0x3f: {  	s1 =	simm.s32 @!p0 $0x3;
	[sflag:s24] =	ssyncadd.s32 $0xFFFFE700  }
0x40: {  	_ =	swait.ge @!p0 [sflag:s1], $0x3200  }
0x41: {  	[sflag:s1] =	ssyncset.done @!p0 $0x0  }
0x42: {  	s2 =	simm.s32 $0x3520;
	[sflag:s1] =	ssyncadd.s32 @!p0 $0xFFFFCE00  }
0x43: {  	v14 =	vld [tilespmem:s2+$0xE0]  }
0x44: {  	s1 =	simm.s32 $0x100;
	v12 =	vld [tilespmem:s2+$0xC0]  }
0x45: {  	v13 =	vld [tilespmem:s1+$0xC0]  }
0x46: {  	v15 =	vld [tilespmem:s2+$0xD0]  }
0x47: {  	v16 =	vld [tilespmem:s1+$0xD0]  }
0x48: {  	v17 =	vld [tilespmem:s1+$0xE0]  }
0x49: {  	v18 =	vld [tilespmem:s2+$0xF0]  }
0x4a: {  	v19 =	vld [tilespmem:s1+$0xF0]  }
0x4b: {  	v30 =	vld [tilespmem:s1+$0xFFFFFF00]  }
0x4c: {  	v20 =	vld [tilespmem:s2+$0xFFFFFF10]  }
0x4d: {  	v21 =	vld [tilespmem:s1+$0xFFFFFF10]  }
0x4e: {  	v22 =	vld [tilespmem:s2+$0xFFFFFF40]  }
0x4f: {  	v25 =	vld [tilespmem:s2+$0xFFFFFF50]  }
0x50: {  	v26 =	vld [tilespmem:s1+$0xFFFFFF80];
	v6 =	vadd.f32 v13, v12;
	v7 =	vadd.f32 v16, v15  }
0x51: {  	v27 =	vld [tilespmem:s2+$0xFFFFFF90];
	v8 =	vadd.f32 v17, v14  }
0x52: {  	v28 =	vld [tilespmem:s1+$0xFFFFFF90];
	v17 =	vadd.f32 v7, v6;
	v23 =	vmul.f32 v6, v6;
	v24 =	vmul.f32 v7, v7  }
0x53: {  	v31 =	vld [tilespmem:s1+$0xFFFFFFC0];
	v4 =	vadd.f32 v19, v18  }
0x54: {  	v32 =	vld [tilespmem:s2+$0xFFFFFFD0];
	v17 =	vadd.f32 v8, v17;
	v18 =	vadd.f32 v24, v23;
	v23 =	vmul.f32 v8, v8  }
0x55: {  	v33 =	vld [tilespmem:s1+$0xFFFFFFD0]  }
0x56: {  	v35 =	vld [tilespmem:s2+$0x0];
	v17 =	vadd.f32 v4, v17;
	v18 =	vadd.f32 v23, v18;
	v23 =	vmul.f32 v4, v4  }
0x57: {  	v36 =	vld [tilespmem:s1+$0x0]  }
0x58: {  	v37 =	vld [tilespmem:s2+$0x10];
	v29 =	vperm.xlane v17, v0;
	v18 =	vadd.f32 v23, v18  }
0x59: {  	v14 =	vld [tilespmem:s1+$0xFFFFFF40]  }
0x5a: {  	v19 =	vld [tilespmem:s1+$0xFFFFFF50];
	v17 =	vadd.f32 v17, v29;
	v29 =	vperm.xlane v18, v0  }
0x5b: {  	v38 =	vld [tilespmem:s1+$0x10]  }
0x5c: {  	v24 =	vld [tilespmem:s2+$0xFFFFFF80];
	v34 =	vperm.xlane v17, v1;
	v29 =	vadd.f32 v29, v18  }
0x5d: {  	v39 =	vld [tilespmem:s2+$0x40]  }
0x5e: {  	v40 =	vld [tilespmem:s1+$0x40];
	v34 =	vadd.f32 v17, v34;
	v17 =	vperm.xlane v29, v1  }
0x5f: {  	v59 =	vld [tilespmem:s2+$0x50];
	v11 =	vadd.f32 v14, v22;
	v9 =	vadd.f32 v19, v25  }
0x60: {  	v25 =	vadd.f32 v21, v20;
	v23 =	vld [tilespmem:s2+$0xFFFFFFC0];
	v19 =	vperm.xlane v34, v2;
	v21 =	vadd.f32 v17, v29  }
0x61: {  	v43 =	vld [tilespmem:s2+$0x80];
	v22 =	vmul.f32 v11, v11;
	v10 =	vadd.f32 v26, v24  }
0x62: {  	v44 =	vld [tilespmem:s1+$0x80];
	v24 =	vmul.f32 v9, v9;
	v19 =	vadd.f32 v34, v19;
	v26 =	vperm.xlane v21, v2  }
0x63: {  	v60 =	vld [tilespmem:s1+$0x90];
	v20 =	vadd.f32 v28, v27  }
0x64: {  	v27 =	vld [tilespmem:s1+$0x50];
	v42 =	vadd.f32 v24, v22;
	v28 =	vperm.xlane v19, v3;
	v26 =	vadd.f32 v26, v21  }
0x65: {  	v56 =	vld [tilespmem:s2+$0xFFFFFF00];
	v24 =	vmul.f32 v10, v10;
	v21 =	vadd.f32 v31, v23;
	v23 =	vmul.f32 v20, v20  }
0x66: {  	v58 =	vld [tilespmem:s1+$0xFFFFFF20];
	v22 =	vadd.f32 v33, v32;
	v28 =	vadd.f32 v19, v28;
	v29 =	vperm.xlane v26, v3  }
0x67: {  	v5 =	vmovc v0;
	v48 =	vld [tilespmem:s2+$0xFFFFFF60];
	v45 =	vadd.f32 v36, v35;
	v0 =	vadd.f32 v23, v24;
	v23 =	vmul.f32 v21, v21  }
0x68: {  	v63 =	vld [tilespmem:s1+$0xFFFFFF60];
	v24 =	vmul.f32 v22, v22;
	v55 =	vadd.f32 v29, v26;
	v29 =	vmul.f32 $1.562500000e-02, v28  }
0x69: {  	v27 =	vadd.f32 v27, v59;
	v32 =	vld [tilespmem:s2+$0x90];
	v26 =	vadd.f32 v38, v37  }
0x6a: {  	v37 =	vld [tilespmem:s2+$0xFFFFFF20];
	v47 =	vadd.f32 v24, v23;
	v23 =	vmul.f32 $1.562500000e-02, v55;
	v57 =	vmul.f32 v29, v29  }
0x6b: {  	v51 =	vld [tilespmem:s1+$0xFFFFFFA0];
	v28 =	vmul.f32 v45, v45;
	v24 =	vadd.f32 v40, v39;
	v61 =	vmul.f32 v26, v26  }
0x6c: {  	v53 =	vld [tilespmem:s1+$0xFFFFFFE0];
	v52 =	vmul.f32 v27, v27;
	v31 =	vadd.f32 v20, v10;
	v62 =	vsub.f32 v23, v57  }
0x6d: {  	v59 =	vmul.f32 v24, v24;
	v55 =	vld [tilespmem:s2+$0x20];
	v40 =	vadd.f32 v61, v28;
	v23 =	vadd.f32 v44, v43  }
0x6e: {  	v43 =	vld [tilespmem:s2+$0xFFFFFFA0];
	v28 =	vadd.f32 v60, v32;
	v32 =	vadd.f32 v30, v56  }
0x6f: {  	v49 =	vmul.f32 v25, v25;
	v30 =	vld [tilespmem:s2+$0xFFFFFFE0];
	v44 =	vadd.f32 v52, v59;
	v38 =	vadd.f32 v58, v37  }
0x70: {  	v57 =	vld [tilespmem:s1+$0x20];
	v37 =	vadd.f32 v63, v48;
	v34 =	vadd.f32 $9.999999960e-13, v62;
	v61 =	vmul.f32 v32, v32  }
0x71: {  	v33 =	vmul.f32 v23, v23;
	v62 =	vadd.f32 v25, v32;
	v59 =	vmul.f32 v28, v28  }
0x72: {  	v60 =	vshra.s32 v34, $0x1;
	v34 =	vmul.f32 $5.000000000e-01, v34;
	v49 =	vadd.f32 v49, v61  }
0x73: {  	v48 =	vadd.f32 v38, v62;
	v59 =	vadd.f32 v59, v33;
	v33 =	vmul.f32 v38, v38;
	v61 =	vld [tilespmem:s1+$0xA0]  }
0x74: {  	v54 =	vsub.s32 $0x5F3759DF, v60;
	v36 =	vadd.f32 v51, v43;
	v43 =	vld [tilespmem:s2+$0xA0];
	v35 =	vadd.f32 v53, v30  }
0x75: {  	v52 =	vld [tilespmem:s2+$0x60];
	v56 =	vmul.f32 v54, v34;
	v49 =	vadd.f32 v33, v49;
	v33 =	vadd.f32 v57, v55  }
0x76: {  	v53 =	vld [tilespmem:s2+$0xFFFFFF30];
	v62 =	vadd.f32 v36, v31;
	v31 =	vmul.f32 v36, v36;
	v30 =	vmul.f32 v35, v35  }
0x77: {  	v55 =	vld [tilespmem:s2+$0xFFFFFF70];
	v63 =	vmul.f32 v54, v56  }
0x78: {  	v56 =	vld [tilespmem:s1+$0x60];
	v57 =	vadd.f32 v31, v0;
	v0 =	vmul.f32 v33, v33;
	v47 =	vadd.f32 v30, v47  }
0x79: {  	v51 =	vmul.f32 v37, v37;
	v60 =	vsub.f32 $1.500000000e+00, v63;
	v30 =	vadd.f32 v61, v43;
	v61 =	vld [tilespmem:s2+$0xFFFFFFF0]  }
0x7a: {  	v63 =	vadd.f32 v0, v40;
	v40 =	vld [tilespmem:s1+$0xFFFFFFF0]  }
0x7b: {  	v41 =	vadd.f32 v9, v11;
	v51 =	vadd.f32 v51, v42;
	v42 =	vmul.f32 v54, v60;
	v54 =	vld [tilespmem:s1+$0xFFFFFF30]  }
0x7c: {  	v46 =	vadd.f32 v22, v21;
	v39 =	vadd.f32 v26, v45;
	v60 =	vld [tilespmem:s1+$0xFFFFFF70]  }
0x7d: {  	v50 =	vadd.f32 v27, v24;
	v31 =	vadd.f32 v56, v52;
	v52 =	vld [tilespmem:s2+$0xFFFFFFB0]  }
0x7e: {  	v58 =	vadd.f32 v28, v23;
	v41 =	vadd.f32 v37, v41;
	v56 =	vld [tilespmem:s1+$0xFFFFFFB0]  }
0x7f: {  	v46 =	vadd.f32 v35, v46;
	v39 =	vadd.f32 v33, v39;
	v34 =	vmul.f32 v42, v34  }
0x80: {  	v50 =	vadd.f32 v31, v50;
	v43 =	vmul.f32 v31, v31;
	v61 =	vadd.f32 v40, v61  }
0x81: {  	v34 =	vmul.f32 v34, v42;
	v0 =	vadd.f32 v54, v53;
	v53 =	vadd.f32 v30, v58  }
0x82: {  	v58 =	vld [tilespmem:s2+$0x30];
	v14 =	vadd.f32 v43, v44;
	v44 =	vadd.f32 v60, v55  }
0x83: {  	v54 =	vmul.f32 v30, v30;
	v55 =	vld [tilespmem:s1+$0x30];
	v34 =	vsub.f32 $1.500000000e+00, v34;
	v43 =	vadd.f32 v56, v52  }
0x84: {  	v52 =	vld [tilespmem:s1+$0x70];
	v46 =	vadd.f32 v61, v46;
	v48 =	vadd.f32 v0, v48  }
0x85: {  	v60 =	vmul.f32 v0, v0;
	v54 =	vadd.f32 v54, v59;
	v59 =	vld [tilespmem:s2+$0x70];
	v41 =	vadd.f32 v44, v41  }
0x86: {  	v56 =	vmul.f32 v44, v44;
	v34 =	vmul.f32 v34, v42;
	v62 =	vadd.f32 v43, v62  }
0x87: {  	v40 =	vld [tilespmem:s1+$0xB0];
	v12 =	vmul.f32 v43, v43;
	v42 =	vperm.xlane v48, v5;
	v49 =	vadd.f32 v60, v49  }
0x88: {  	v60 =	vld [tilespmem:s2+$0xB0];
	v13 =	vperm.xlane v41, v5;
	v56 =	vadd.f32 v56, v51;
	v51 =	vadd.f32 v55, v58  }
0x89: {  	v55 =	vmul.f32 v61, v61;
	v57 =	vadd.f32 v12, v57;
	v58 =	vperm.xlane v62, v5  }
0x8a: {  	v13 =	vadd.f32 v41, v13;
	v41 =	vperm.xlane v56, v5;
	v19 =	vadd.f32 v52, v59  }
0x8b: {  	v48 =	vadd.f32 v48, v42;
	v39 =	vadd.f32 v51, v39;
	v52 =	vmul.f32 v51, v51  }
0x8c: {  	v59 =	vperm.xlane v46, v5;
	v41 =	vadd.f32 v41, v56;
	v50 =	vadd.f32 v19, v50  }
0x8d: {  	v42 =	vmul.f32 v19, v19;
	v60 =	vadd.f32 v40, v60;
	v40 =	vadd.f32 v55, v47  }
0x8e: {  	v47 =	vperm.xlane v49, v5;
	v55 =	vperm.xlane v39, v5;
	v52 =	vadd.f32 v52, v63  }
0x8f: {  	v46 =	vadd.f32 v46, v59;
	v63 =	vperm.xlane v50, v5;
	v53 =	vadd.f32 v60, v53  }
0x90: {  	v12 =	vmul.f32 v60, v60;
	v14 =	vadd.f32 v42, v14;
	v42 =	vadd.f32 v62, v58  }
0x91: {  	v59 =	vperm.xlane v40, v5;
	v39 =	vadd.f32 v39, v55;
	v55 =	vperm.xlane v52, v5  }
0x92: {  	v47 =	vadd.f32 v47, v49;
	v49 =	vperm.xlane v13, v1;
	v58 =	vperm.xlane v53, v5  }
0x93: {  	v12 =	vadd.f32 v12, v54;
	v54 =	vperm.xlane v57, v5;
	v50 =	vadd.f32 v50, v63  }
0x94: {  	v62 =	vperm.xlane v14, v5;
	v63 =	vperm.xlane v48, v1;
	v40 =	vadd.f32 v59, v40  }
0x95: {  	v59 =	vperm.xlane v39, v1;
	v52 =	vadd.f32 v55, v52;
	v13 =	vadd.f32 v13, v49  }
0x96: {  	v49 =	vperm.xlane v41, v1;
	v53 =	vadd.f32 v53, v58;
	v58 =	vperm.xlane v12, v5  }
0x97: {  	v5 =	vperm.xlane v42, v1;
	v54 =	vadd.f32 v54, v57;
	v57 =	vperm.xlane v46, v1  }
0x98: {  	v55 =	vperm.xlane v50, v1;
	v14 =	vadd.f32 v62, v14;
	v48 =	vadd.f32 v48, v63  }
0x99: {  	v39 =	vadd.f32 v39, v59;
	v59 =	vperm.xlane v52, v1;
	v63 =	vperm.xlane v13, v2  }
0x9a: {  	v41 =	vadd.f32 v49, v41;
	v62 =	vperm.xlane v53, v1;
	v12 =	vadd.f32 v58, v12  }
0x9b: {  	v58 =	vperm.xlane v47, v1;
	v42 =	vadd.f32 v42, v5;
	v5 =	vperm.xlane v54, v1  }
0x9c: {  	v46 =	vadd.f32 v46, v57;
	v57 =	vperm.xlane v40, v1;
	v50 =	vadd.f32 v50, v55  }
0x9d: {  	v55 =	vperm.xlane v14, v1;
	v52 =	vadd.f32 v59, v52;
	v13 =	vadd.f32 v13, v63  }
0x9e: {  	v53 =	vadd.f32 v53, v62;
	v62 =	vperm.xlane v48, v2;
	v47 =	vadd.f32 v58, v47  }
0x9f: {  	v58 =	vperm.xlane v12, v1;
	v49 =	vperm.xlane v42, v2;
	v54 =	vadd.f32 v5, v54  }
0xa0: {  	v5 =	vperm.xlane v46, v2;
	v40 =	vadd.f32 v57, v40;
	v57 =	vperm.xlane v39, v2  }
0xa1: {  	v1 =	vperm.xlane v50, v2;
	v14 =	vadd.f32 v55, v14;
	v55 =	vperm.xlane v53, v2  }
0xa2: {  	v12 =	vadd.f32 v58, v12;
	v48 =	vadd.f32 v48, v62;
	v58 =	vperm.xlane v47, v2  }
0xa3: {  	v62 =	vperm.xlane v41, v2;
	v42 =	vadd.f32 v42, v49;
	v49 =	vperm.xlane v54, v2  }
0xa4: {  	v46 =	vadd.f32 v46, v5;
	v5 =	vperm.xlane v40, v2;
	v39 =	vadd.f32 v39, v57  }
0xa5: {  	v57 =	vperm.xlane v52, v2;
	v50 =	vadd.f32 v50, v1;
	v59 =	vperm.xlane v14, v2  }
0xa6: {  	v1 =	vperm.xlane v48, v3;
	v53 =	vadd.f32 v53, v55;
	v55 =	vperm.xlane v12, v2  }
0xa7: {  	v47 =	vadd.f32 v58, v47;
	v58 =	vperm.xlane v13, v3;
	v41 =	vadd.f32 v62, v41  }
0xa8: {  	v2 =	vperm.xlane v42, v3;
	v49 =	vadd.f32 v49, v54;
	v54 =	vperm.xlane v46, v3  }
0xa9: {  	v40 =	vadd.f32 v5, v40;
	v5 =	vperm.xlane v39, v3;
	v52 =	vadd.f32 v57, v52  }
0xaa: {  	v57 =	vperm.xlane v50, v3;
	v14 =	vadd.f32 v59, v14;
	v59 =	vperm.xlane v53, v3  }
0xab: {  	v48 =	vadd.f32 v48, v1;
	v1 =	vperm.xlane v47, v3;
	v12 =	vadd.f32 v55, v12  }
0xac: {  	v13 =	vadd.f32 v13, v58;
	v55 =	vperm.xlane v41, v3;
	v42 =	vadd.f32 v42, v2  }
0xad: {  	v2 =	vperm.xlane v49, v3;
	v46 =	vadd.f32 v46, v54;
	v54 =	vperm.xlane v40, v3  }
0xae: {  	v39 =	vadd.f32 v39, v5;
	v5 =	vperm.xlane v52, v3;
	v50 =	vadd.f32 v50, v57  }
0xaf: {  	v57 =	vperm.xlane v14, v3;
	v53 =	vadd.f32 v53, v59;
	v59 =	vperm.xlane v12, v3  }
0xb0: {  	v1 =	vadd.f32 v1, v47;
	v63 =	vmul.f32 $1.562500000e-02, v48;
	v18 =	vmul.f32 $1.562500000e-02, v13  }
0xb1: {  	v42 =	vmul.f32 $1.562500000e-02, v42;
	v2 =	vadd.f32 v2, v49;
	v49 =	vmul.f32 $1.562500000e-02, v46  }
0xb2: {  	v41 =	vadd.f32 v55, v41;
	v48 =	vmul.f32 $1.562500000e-02, v39;
	v47 =	vmul.f32 $1.562500000e-02, v50  }
0xb3: {  	v3 =	vmul.f32 $1.562500000e-02, v1;
	v46 =	vmul.f32 $1.562500000e-02, v53  }
0xb4: {  	v39 =	vadd.f32 v54, v40;
	v58 =	vmul.f32 v63, v63;
	v41 =	vmul.f32 $1.562500000e-02, v41  }
0xb5: {  	v5 =	vadd.f32 v5, v52;
	v62 =	vmul.f32 v18, v18;
	v1 =	vmul.f32 $1.562500000e-02, v2  }
0xb6: {  	v14 =	vadd.f32 v57, v14;
	v2 =	vmul.f32 v42, v42;
	v39 =	vmul.f32 $1.562500000e-02, v39  }
0xb7: {  	v12 =	vadd.f32 v59, v12;
	v50 =	vmul.f32 $1.562500000e-02, v5;
	v57 =	vmul.f32 v48, v48  }
0xb8: {  	v14 =	vmul.f32 $1.562500000e-02, v14;
	v40 =	vsub.f32 v3, v58;
	v3 =	vmul.f32 v49, v49  }
0xb9: {  	v41 =	vsub.f32 v41, v62;
	v5 =	vsub.f32 v1, v2;
	v58 =	vmul.f32 v47, v47  }
0xba: {  	v12 =	vmul.f32 $1.562500000e-02, v12;
	v50 =	vsub.f32 v50, v57;
	v39 =	vsub.f32 v39, v3  }
0xbb: {  	v59 =	vmul.f32 v46, v46;
	v40 =	vadd.f32 $9.999999960e-13, v40;
	v41 =	vadd.f32 $9.999999960e-13, v41  }
0xbc: {  	v14 =	vsub.f32 v14, v58;
	v53 =	vadd.f32 $9.999999960e-13, v5  }
0xbd: {  	v12 =	vsub.f32 v12, v59;
	v50 =	vadd.f32 $9.999999960e-13, v50  }
0xbe: {  	v62 =	vshra.s32 v40, $0x1;
	v40 =	vmul.f32 $5.000000000e-01, v40;
	v39 =	vadd.f32 $9.999999960e-13, v39  }
0xbf: {  	v1 =	vshra.s32 v41, $0x1;
	v14 =	vadd.f32 $9.999999960e-13, v14;
	v12 =	vadd.f32 $9.999999960e-13, v12  }
0xc0: {  	v41 =	vmul.f32 $5.000000000e-01, v41;
	v55 =	vshra.s32 v53, $0x1;
	v53 =	vmul.f32 $5.000000000e-01, v53  }
0xc1: {  	v2 =	vshra.s32 v50, $0x1;
	v50 =	vmul.f32 $5.000000000e-01, v50;
	v52 =	vsub.s32 $0x5F3759DF, v62  }
0xc2: {  	v54 =	vsub.s32 $0x5F3759DF, v1;
	v55 =	vsub.s32 $0x5F3759DF, v55;
	v57 =	vsub.s32 $0x5F3759DF, v2  }
0xc3: {  	v56 =	vshra.s32 v39, $0x1;
	v39 =	vmul.f32 $5.000000000e-01, v39;
	v5 =	vmul.f32 v52, v40  }
0xc4: {  	v3 =	vshra.s32 v14, $0x1;
	v17 =	vmul.f32 $5.000000000e-01, v14;
	v13 =	vmul.f32 v54, v41  }
0xc5: {  	v1 =	vshra.s32 v12, $0x1;
	v16 =	vmul.f32 $5.000000000e-01, v12;
	v15 =	vmul.f32 v55, v53  }
0xc6: {  	v14 =	vmul.f32 v57, v50;
	v56 =	vsub.s32 $0x5F3759DF, v56;
	v59 =	vmul.f32 v52, v5  }
0xc7: {  	v58 =	vsub.s32 $0x5F3759DF, v3;
	v13 =	vmul.f32 v54, v13;
	v12 =	vmul.f32 v56, v39  }
0xc8: {  	v62 =	vsub.s32 $0x5F3759DF, v1;
	v2 =	vmul.f32 v58, v17;
	v15 =	vmul.f32 v55, v15  }
0xc9: {  	v14 =	vmul.f32 v57, v14;
	v59 =	vsub.f32 $1.500000000e+00, v59;
	v13 =	vsub.f32 $1.500000000e+00, v13  }
0xca: {  	v3 =	vmul.f32 v62, v16;
	v12 =	vmul.f32 v56, v12;
	v15 =	vsub.f32 $1.500000000e+00, v15  }
0xcb: {  	v14 =	vsub.f32 $1.500000000e+00, v14;
	v52 =	vmul.f32 v52, v59;
	v13 =	vmul.f32 v54, v13  }
0xcc: {  	v59 =	vmul.f32 v58, v2;
	v54 =	vmul.f32 v62, v3;
	v12 =	vsub.f32 $1.500000000e+00, v12  }
0xcd: {  	v15 =	vmul.f32 v55, v15;
	v14 =	vmul.f32 v57, v14  }
0xce: {  	v40 =	vmul.f32 v52, v40;
	v5 =	vsub.f32 $1.500000000e+00, v59;
	v12 =	vmul.f32 v56, v12  }
0xcf: {  	v54 =	vsub.f32 $1.500000000e+00, v54;
	v41 =	vmul.f32 v13, v41;
	v57 =	vmul.f32 v15, v53  }
0xd0: {  	v50 =	vmul.f32 v14, v50;
	v40 =	vmul.f32 v40, v52  }
0xd1: {  	v55 =	vmul.f32 v58, v5;
	v54 =	vmul.f32 v62, v54  }
0xd2: {  	v59 =	vsub.f32 $0.0e+00, v63;
	v39 =	vmul.f32 v12, v39;
	v41 =	vmul.f32 v41, v13  }
0xd3: {  	v50 =	vmul.f32 v50, v14;
	v40 =	vsub.f32 $1.500000000e+00, v40;
	v17 =	vmul.f32 v55, v17  }
0xd4: {  	v16 =	vmul.f32 v54, v16;
	v39 =	vmul.f32 v39, v12;
	v41 =	vsub.f32 $1.500000000e+00, v41  }
0xd5: {  	v58 =	vsub.f32 $1.500000000e+00, v50;
	v40 =	vmul.f32 v40, v52;
	v52 =	vmul.f32 v57, v15  }
0xd6: {  	v17 =	vmul.f32 v17, v55;
	v13 =	vmul.f32 v41, v13;
	v39 =	vsub.f32 $1.500000000e+00, v39  }
0xd7: {  	v56 =	vsub.f32 $0.0e+00, v48;
	v16 =	vmul.f32 v16, v54;
	v41 =	vmul.f32 v58, v14  }
0xd8: {  	v52 =	vsub.f32 $1.500000000e+00, v52;
	v12 =	vmul.f32 v39, v12;
	v14 =	vmul.f32 v40, v59  }
0xd9: {  	v17 =	vsub.f32 $1.500000000e+00, v17;
	v25 =	vmul.f32 v40, v25;
	v62 =	vmul.f32 v40, v38  }
0xda: {  	v16 =	vsub.f32 $1.500000000e+00, v16;
	v63 =	vmul.f32 v40, v0;
	v37 =	vmul.f32 v13, v37  }
0xdb: {  	v5 =	vsub.f32 $0.0e+00, v42;
	v39 =	vmul.f32 v41, v56;
	v15 =	vmul.f32 v52, v15  }
0xdc: {  	v50 =	vmul.f32 v17, v55;
	v16 =	vmul.f32 v16, v54;
	v17 =	vsub.f32 $0.0e+00, v18  }
0xdd: {  	v18 =	vmul.f32 v40, v32;
	v0 =	vadd.f32 v14, v25;
	v25 =	vmul.f32 v13, v9  }
0xde: {  	v52 =	vadd.f32 v14, v62;
	v57 =	vmul.f32 v12, v21;
	v22 =	vmul.f32 v12, v22  }
0xdf: {  	v53 =	vadd.f32 v14, v63;
	v58 =	vmul.f32 v12, v35;
	v62 =	vmul.f32 v41, v26  }
0xe0: {  	v55 =	vsub.f32 $0.0e+00, v49;
	v63 =	vmul.f32 v41, v51;
	v17 =	vmul.f32 v13, v17  }
0xe1: {  	v42 =	vadd.f32 v14, v18;
	v18 =	vmul.f32 v13, v11;
	v13 =	vmul.f32 v13, v44  }
0xe2: {  	v14 =	vsub.f32 $0.0e+00, v29;
	v54 =	vmul.f32 v15, v5;
	v29 =	vmul.f32 v15, v10  }
0xe3: {  	v59 =	vsub.f32 $0.0e+00, v47;
	v20 =	vmul.f32 v15, v20;
	v36 =	vmul.f32 v15, v36  }
0xe4: {  	v44 =	vadd.f32 v17, v18;
	v25 =	vadd.f32 v17, v25;
	v18 =	vmul.f32 v12, v55  }
0xe5: {  	v21 =	vadd.f32 v17, v37;
	v12 =	vmul.f32 v12, v61;
	v61 =	vmul.f32 v41, v45;
	v45 =	vld [tilespmem:$0x1FF70]  }
0xe6: {  	v17 =	vadd.f32 v17, v13;
	v1 =	vmul.f32 v34, v14;
	v13 =	vmul.f32 v34, v4  }
0xe7: {  	v15 =	vmul.f32 v15, v43;
	v2 =	vmul.f32 v50, v59;
	v59 =	vld [tilespmem:$0x1FF80]  }
0xe8: {  	v9 =	vmul.f32 v50, v24;
	v10 =	vmul.f32 v50, v27;
	v13 =	vadd.f32 v1, v13  }
0xe9: {  	v11 =	vmul.f32 v50, v31;
	v50 =	vmul.f32 v50, v19  }
0xea: {  	v40 =	vmul.f32 v16, v28;
	v24 =	vadd.f32 v18, v12;
	v12 =	vmul.f32 v13, v45  }
0xeb: {  	v28 =	vmul.f32 v34, v7;
	v32 =	vadd.f32 v54, v29;
	v29 =	vadd.f32 v54, v20  }
0xec: {  	v20 =	vmul.f32 v41, v33;
	v33 =	vadd.f32 v54, v36;
	v13 =	vadd.f32 v12, v59  }
0xed: {  	s13 =	simm.s32 $0x9920;
	v26 =	vadd.f32 v54, v15;
	v41 =	vmul.f32 v16, v23;
	v23 =	vadd.f32 v39, v62;
	v62 =	vld [tilespmem:$0x1FF50]  }
0xee: {  	v15 =	vsub.f32 $0.0e+00, v46;
	v37 =	vmul.f32 v16, v30;
	v38 =	vadd.f32 v39, v61;
	v61 =	vld [tilespmem:$0x1FF40];
	[tilespmem:s13+$0xF0] =	vst v13  }
0xef: {  	v30 =	vmul.f32 v16, v60;
	v31 =	vadd.f32 v18, v22;
	v22 =	vadd.f32 v39, v63;
	v63 =	vld [tilespmem:$0x1FF60]  }
0xf0: {  	v60 =	vmul.f32 v34, v6;
	v35 =	vadd.f32 v18, v57;
	v36 =	vadd.f32 v18, v58  }
0xf1: {  	v19 =	vmul.f32 v16, v15;
	v27 =	vadd.f32 v39, v20;
	v20 =	vadd.f32 v2, v9  }
0xf2: {  	v18 =	vadd.f32 v2, v10;
	v16 =	vadd.f32 v2, v11;
	v39 =	vmul.f32 v0, v62  }
0xf3: {  	v15 =	vadd.f32 v2, v50;
	v12 =	vmul.f32 v34, v8;
	v42 =	vmul.f32 v42, v61  }
0xf4: {  	s14 =	simm.s32 $0x0;
	s9 =	simm.s32 $0x3720;
	s2 =	simm.s32 $0x9920;
	v56 =	vadd.f32 v1, v60;
	v13 =	vmul.f32 v53, v45;
	v34 =	vmul.f32 v52, v63;
	v52 =	vmovc v1  }
.LBB2_3:
0xf5: {  	v1 =	vld [tilespmem:$0x1FF40]  }
0xf6: {  	v47 =	vld [tilespmem:s9+$0xC0]  }
0xf7: {  	v2 =	vld [tilespmem:$0x1FF50]  }
0xf8: {  	v3 =	vld [tilespmem:$0x1FF60]  }
0xf9: {  	v5 =	vld [tilespmem:$0x1FFB0]  }
0xfa: {  	s1 =	sadd.s32 $0x200, s1;
	v4 =	vld [tilespmem:$0x1FF70];
	v41 =	vadd.f32 v19, v41;
	v46 =	vadd.f32 v19, v40  }
0xfb: {  	v48 =	vadd.f32 v19, v37;
	v19 =	vadd.f32 v19, v30;
	v30 =	vld [tilespmem:s1+$0xC0]  }
0xfc: {  	v51 =	vadd.f32 v52, v12;
	v12 =	vld [tilespmem:s9+$0xD0]  }
0xfd: {  	v50 =	vadd.f32 v52, v28;
	v28 =	vld [tilespmem:s1+$0xD0]  }
0xfe: {  	v40 =	vld [tilespmem:$0x1FFA0]  }
0xff: {  	v37 =	vld [tilespmem:$0x1FF90]  }
0x100: {  	v44 =	vmul.f32 v44, v1  }
0x101: {  	v43 =	vld [tilespmem:s9+$0xE0];
	v25 =	vmul.f32 v25, v2;
	v14 =	vadd.f32 v42, v5;
	v53 =	vmul.f32 v29, v2  }
0x102: {  	v57 =	vld [tilespmem:s9+$0xF0];
	v54 =	vmul.f32 v33, v3;
	v10 =	vmul.f32 v18, v2  }
0x103: {  	v29 =	vld [tilespmem:s1+$0xE0];
	v0 =	vmul.f32 v26, v4;
	v49 =	vadd.f32 v39, v40;
	v39 =	vadd.f32 v30, v47;
	[tilespmem:s13+$0xFFFFFF00] =	vst v14  }
0x104: {  	v58 =	vld [tilespmem:s1+$0xF0];
	v11 =	vmul.f32 v20, v1;
	v7 =	vadd.f32 v28, v12;
	v14 =	vadd.f32 v34, v37;
	[tilespmem:$0x1FE90] =	vst v10  }
0x105: {  	v63 =	vld [tilespmem:s1+$0xFFFFFF80];
	v8 =	vmovc v2;
	v34 =	vmul.f32 v35, v1;
	v35 =	vmul.f32 v31, v2;
	v31 =	vmov v5;
	[tilespmem:s13+$0xFFFFFF10] =	vst v49  }
0x106: {  	v26 =	vld [tilespmem:$0x1FF80];
	[tilespmem:s13+$0xFFFFFF20] =	vst v14;
	v14 =	vadd.f32 v44, v5;
	v5 =	vmul.f32 v24, v4;
	v24 =	vadd.f32 v25, v40  }
0x107: {  	v33 =	vld [tilespmem:s9+$0xFFFFFF80];
	[tilespmem:$0x1FF20] =	vst v7;
	v20 =	vadd.f32 v7, v39;
	v25 =	vmul.f32 v7, v7;
	v7 =	vmul.f32 v46, v8  }
0x108: {  	v42 =	vmul.f32 v23, v2;
	v10 =	vld [tilespmem:s1+$0xFFFFFF90];
	v9 =	vadd.f32 v29, v43;
	[tilespmem:s13+$0xFFFFFF50] =	vst v24;
	v24 =	vmul.f32 v39, v39  }
0x109: {  	v59 =	vmul.f32 v15, v4;
	v6 =	vld [tilespmem:s1+$0xFFFFFF00];
	[tilespmem:$0x1FEB0] =	vst v7;
	v7 =	vmul.f32 v19, v4  }
0x10a: {  	[tilespmem:s13+$0xFFFFFF40] =	vst v14;
	v19 =	vld [tilespmem:s9+$0xFFFFFF90];
	v15 =	vadd.f32 v9, v20;
	v20 =	vmul.f32 v9, v9;
	v2 =	vadd.f32 v25, v24  }
0x10b: {  	v21 =	vmul.f32 v21, v3;
	v13 =	vadd.f32 v13, v26;
	v18 =	vld [tilespmem:s9+$0xFFFFFF40]  }
0x10c: {  	v17 =	vmul.f32 v17, v4;
	v30 =	vld [tilespmem:s1+$0xFFFFFF40];
	v61 =	vadd.f32 v20, v2;
	v2 =	vmul.f32 v48, v3  }
0x10d: {  	v52 =	vmul.f32 v32, v1;
	v36 =	vmul.f32 v36, v3;
	[tilespmem:s13+$0xFFFFFF30] =	vst v13;
	v60 =	vld [tilespmem:s9+$0xFFFFFF50]  }
0x10e: {  	v38 =	vmul.f32 v38, v1;
	v32 =	vmul.f32 v16, v3;
	v23 =	vld [tilespmem:s9+$0xFFFFFF10]  }
0x10f: {  	v21 =	vadd.f32 v21, v37;
	v53 =	vadd.f32 v53, v40;
	v14 =	vmul.f32 v22, v4;
	v22 =	vld [tilespmem:s1+$0xFFFFFF10]  }
0x110: {  	v49 =	vadd.f32 v58, v57;
	v13 =	vmul.f32 v27, v3;
	[tilespmem:$0x1FEC0] =	vst v2;
	v2 =	vmov v3;
	v3 =	vld [tilespmem:$0x1FFC0]  }
0x111: {  	v16 =	vmovc v4;
	v42 =	vadd.f32 v42, v40;
	v29 =	vmul.f32 v41, v1;
	v1 =	vmul.f32 v56, v1;
	v24 =	vld [tilespmem:s1+$0xFFFFFF50]  }
0x112: {  	v62 =	vmul.f32 v49, v49;
	v0 =	vadd.f32 v0, v26;
	v4 =	vld [tilespmem:s1+$0xFFFFFFD0];
	[tilespmem:$0x1FED0] =	vst v7;
	v7 =	vadd.f32 v35, v40  }
0x113: {  	[tilespmem:$0x1FEE0] =	vst v1;
	v1 =	vld [tilespmem:$0x1FFE0];
	v25 =	vadd.f32 v49, v15;
	v13 =	vadd.f32 v13, v37  }
0x114: {  	[tilespmem:s13+$0xFFFFFF60] =	vst v21;
	v21 =	vadd.f32 v62, v61;
	v62 =	vadd.f32 v63, v33;
	v33 =	vld [tilespmem:s9+$0xFFFFFFD0]  }
0x115: {  	v57 =	vld [tilespmem:s1+$0x0];
	[tilespmem:$0x1FF30] =	vst v9;
	v9 =	vadd.f32 v30, v18;
	v27 =	vadd.f32 v22, v23;
	v18 =	vperm.xlane v25, v3  }
0x116: {  	v44 =	vld [tilespmem:s9+$0x40];
	v23 =	vadd.f32 v24, v60;
	v2 =	vmul.f32 v51, v2;
	v60 =	vperm.xlane v21, v3  }
0x117: {  	[tilespmem:$0x1FE80] =	vst v11;
	v30 =	vadd.f32 v17, v26;
	v61 =	vld [tilespmem:s1+$0xFFFFFFC0];
	v11 =	vadd.f32 v25, v18  }
0x118: {  	v22 =	vadd.f32 v10, v19;
	[tilespmem:$0x1FEF0] =	vst v2;
	v2 =	vld [tilespmem:$0x1FFD0];
	v48 =	vadd.f32 v60, v21  }
0x119: {  	v24 =	vld [tilespmem:s9+$0xFFFFFFC0];
	v55 =	vmul.f32 v9, v9;
	v33 =	vadd.f32 v4, v33;
	v63 =	vperm.xlane v11, v1  }
0x11a: {  	[tilespmem:$0x1FF00] =	vst v9;
	v4 =	vld [tilespmem:$0x1FFF0];
	v25 =	vmul.f32 v50, v8;
	v50 =	vadd.f32 v23, v9;
	v9 =	vperm.xlane v48, v1  }
0x11b: {  	[tilespmem:s13+$0xFFFFFF70] =	vst v30;
	v30 =	vadd.f32 v52, v31;
	v8 =	vld [tilespmem:s9+$0x0];
	v47 =	vadd.f32 v11, v63  }
0x11c: {  	v10 =	vmul.f32 v62, v62;
	v21 =	vmul.f32 v23, v23;
	v60 =	vld [tilespmem:s1+$0x10];
	v48 =	vadd.f32 v9, v48  }
0x11d: {  	[tilespmem:$0x1FEA0] =	vst v59;
	v51 =	vadd.f32 v22, v62;
	v59 =	vmul.f32 v22, v22;
	v11 =	vld [tilespmem:s9+$0x10];
	v58 =	vperm.xlane v47, v2  }
0x11e: {  	v46 =	vld [tilespmem:s9+$0x50];
	v43 =	vadd.f32 v21, v55;
	v21 =	vadd.f32 v61, v24;
	v63 =	vperm.xlane v48, v2  }
0x11f: {  	v56 =	vld [tilespmem:s9+$0x80];
	[tilespmem:$0x1FF10] =	vst v62;
	v62 =	vadd.f32 v54, v37;
	v47 =	vadd.f32 v47, v58  }
0x120: {  	v54 =	vadd.f32 v59, v10;
	v61 =	vld [tilespmem:s1+$0x50];
	v55 =	vmul.f32 v21, v21;
	v48 =	vadd.f32 v63, v48  }
0x121: {  	[tilespmem:s13+$0xFFFFFF80] =	vst v30;
	v9 =	vmul.f32 v33, v33;
	v30 =	vadd.f32 v57, v8;
	v58 =	vld [tilespmem:s1+$0x40];
	v8 =	vperm.xlane v47, v4  }
0x122: {  	[tilespmem:s13+$0xFFFFFFA0] =	vst v62;
	v10 =	vadd.f32 v34, v31;
	v62 =	vld [tilespmem:s1+$0x90];
	v34 =	vadd.f32 v60, v11;
	v11 =	vperm.xlane v48, v4  }
0x123: {  	v55 =	vadd.f32 v9, v55;
	v63 =	vld [tilespmem:s9+$0xFFFFFF00];
	v47 =	vadd.f32 v47, v8  }
0x124: {  	[tilespmem:s13+$0xFFFFFFB0] =	vst v0;
	v9 =	vadd.f32 v36, v37;
	v0 =	vmul.f32 v30, v30;
	v60 =	vld [tilespmem:s1+$0x80];
	v48 =	vadd.f32 v11, v48  }
0x125: {  	v36 =	vadd.f32 v61, v46;
	v61 =	vld [tilespmem:s9+$0xFFFFFF20];
	v8 =	vmul.f32 v34, v34;
	v57 =	vmul.f32 $1.562500000e-02, v47  }
0x126: {  	[tilespmem:s13+$0xFFFFFFC0] =	vst v10;
	v52 =	vadd.f32 v33, v21;
	v35 =	vadd.f32 v58, v44;
	v44 =	vld [tilespmem:s9+$0x90];
	v10 =	vmul.f32 $1.562500000e-02, v48  }
0x127: {  	[tilespmem:s13+$0xFFFFFFD0] =	vst v7;
	v59 =	vadd.f32 v8, v0;
	v8 =	vadd.f32 v5, v26;
	v0 =	vld [tilespmem:s1+$0xFFFFFF20];
	v11 =	vmul.f32 v57, v57  }
0x128: {  	[tilespmem:s13+$0xFFFFFFE0] =	vst v9;
	v58 =	vadd.f32 v34, v30;
	v20 =	vadd.f32 v6, v63;
	v48 =	vld [tilespmem:s9+$0xFFFFFF60]  }
0x129: {  	v9 =	vmul.f32 v36, v36;
	v28 =	vadd.f32 v60, v56;
	v60 =	vld [tilespmem:s1+$0xFFFFFF60];
	[tilespmem:s13+$0xFFFFFFF0] =	vst v8;
	v46 =	vsub.f32 v10, v11  }
0x12a: {  	v47 =	vmul.f32 v35, v35;
	v56 =	vadd.f32 v36, v35;
	v8 =	vld [tilespmem:s9+$0xFFFFFFE0];
	v10 =	vadd.f32 v38, v31  }
0x12b: {  	[tilespmem:s13+$0xFFFFFF90] =	vst v53;
	v41 =	vmul.f32 v27, v27;
	v12 =	vld [tilespmem:s1+$0xFFFFFFE0];
	v38 =	vadd.f32 v62, v44;
	v11 =	vadd.f32 $9.999999960e-13, v46  }
0x12c: {  	v53 =	vld [tilespmem:s1+$0xFFFFFFA0];
	v7 =	vadd.f32 v27, v20;
	v5 =	vadd.f32 v9, v47;
	v44 =	vmul.f32 v20, v20  }
0x12d: {  	v62 =	vmul.f32 v28, v28;
	v46 =	vld [tilespmem:s9+$0xFFFFFFA0];
	v63 =	vadd.f32 v38, v28;
	v47 =	vshra.s32 v11, $0x1  }
0x12e: {  	[tilespmem:s13+$0x0] =	vst v10;
	v6 =	vmul.f32 $5.000000000e-01, v11;
	v11 =	vadd.f32 v41, v44;
	v44 =	vadd.f32 v60, v48  }
0x12f: {  	v48 =	vld [tilespmem:s9+$0x20];
	v9 =	vsub.s32 $0x5F3759DF, v47;
	v47 =	vadd.f32 v0, v61;
	v61 =	vmul.f32 v38, v38  }
0x130: {  	v60 =	vld [tilespmem:s1+$0x20];
	v24 =	vadd.f32 v12, v8;
	[tilespmem:s13+$0x20] =	vst v13;
	v13 =	vadd.f32 v14, v26;
	v0 =	vmul.f32 v9, v6  }
0x131: {  	v8 =	vld [tilespmem:s9+$0xA0];
	v50 =	vadd.f32 v44, v50;
	v61 =	vadd.f32 v61, v62;
	v62 =	vmul.f32 v47, v47  }
0x132: {  	v41 =	vadd.f32 v53, v46;
	v46 =	vld [tilespmem:s9+$0x60];
	v53 =	vmul.f32 v44, v44;
	v10 =	vmul.f32 v9, v0  }
0x133: {  	[tilespmem:s13+$0x10] =	vst v42;
	v42 =	vadd.f32 v24, v52;
	v0 =	vld [tilespmem:s1+$0x60];
	v11 =	vadd.f32 v62, v11  }
0x134: {  	v62 =	vadd.f32 v53, v43;
	v53 =	vld [tilespmem:s1+$0xA0];
	v10 =	vsub.f32 $1.500000000e+00, v10  }
0x135: {  	v52 =	vmul.f32 v24, v24;
	v45 =	vmul.f32 v41, v41;
	v43 =	vadd.f32 v60, v48;
	v48 =	vld [tilespmem:s1+$0xFFFFFF30]  }
0x136: {  	v7 =	vadd.f32 v47, v7;
	v51 =	vadd.f32 v41, v51;
	v9 =	vmul.f32 v9, v10;
	v10 =	vld [tilespmem:s9+$0xFFFFFF30]  }
0x137: {  	v45 =	vadd.f32 v45, v54;
	v54 =	vld [tilespmem:s9+$0xFFFFFF70];
	v58 =	vadd.f32 v43, v58;
	v60 =	vmul.f32 v43, v43  }
0x138: {  	v19 =	vadd.f32 v0, v46;
	v0 =	vld [tilespmem:s1+$0xFFFFFF70];
	v46 =	vadd.f32 v52, v55;
	v6 =	vmul.f32 v9, v6  }
0x139: {  	v59 =	vadd.f32 v60, v59;
	v18 =	vadd.f32 v53, v8;
	v53 =	vld [tilespmem:s1+$0xFFFFFFB0]  }
0x13a: {  	v56 =	vadd.f32 v19, v56;
	v14 =	vmul.f32 v19, v19;
	v52 =	vmul.f32 v6, v9;
	v6 =	vld [tilespmem:s9+$0xFFFFFFB0]  }
0x13b: {  	[tilespmem:s13+$0x30] =	vst v13;
	v13 =	vadd.f32 v18, v63;
	v63 =	vld [tilespmem:s1+$0xFFFFFFF0];
	v12 =	vadd.f32 v48, v10  }
0x13c: {  	v60 =	vmul.f32 v18, v18;
	v10 =	vld [tilespmem:s9+$0xFFFFFFF0];
	v5 =	vadd.f32 v14, v5;
	v52 =	vsub.f32 $1.500000000e+00, v52  }
0x13d: {  	v15 =	vadd.f32 v0, v54;
	v7 =	vadd.f32 v12, v7  }
0x13e: {  	v54 =	vld [tilespmem:s9+$0x30];
	v60 =	vadd.f32 v60, v61;
	v48 =	vmul.f32 v52, v9;
	v9 =	vsub.f32 $0.0e+00, v57  }
0x13f: {  	v52 =	vmul.f32 v12, v12;
	v57 =	vld [tilespmem:s1+$0x30];
	v61 =	vadd.f32 v15, v50;
	v50 =	vperm.xlane v7, v3  }
0x140: {  	v0 =	vld [tilespmem:s1+$0x70];
	v53 =	vadd.f32 v53, v6;
	v17 =	vmul.f32 v48, v9;
	v9 =	vmul.f32 v48, v49  }
0x141: {  	v6 =	vld [tilespmem:s9+$0x70];
	v49 =	vmul.f32 v15, v15;
	v11 =	vadd.f32 v52, v11;
	v10 =	vadd.f32 v63, v10  }
0x142: {  	v14 =	vperm.xlane v61, v3;
	v51 =	vadd.f32 v53, v51;
	v9 =	vadd.f32 v17, v9  }
0x143: {  	v52 =	vmul.f32 v53, v53;
	v62 =	vadd.f32 v49, v62;
	v42 =	vadd.f32 v10, v42  }
0x144: {  	v63 =	vld [tilespmem:s9+$0xB0];
	v8 =	vmul.f32 v10, v10;
	v14 =	vadd.f32 v61, v14;
	v54 =	vadd.f32 v57, v54  }
0x145: {  	v49 =	vld [tilespmem:s1+$0xB0];
	v57 =	vperm.xlane v51, v3;
	v45 =	vadd.f32 v52, v45;
	v9 =	vmul.f32 v9, v16  }
0x146: {  	v16 =	vadd.f32 v0, v6;
	v6 =	vadd.f32 v7, v50;
	v7 =	vperm.xlane v42, v3  }
0x147: {  	v8 =	vadd.f32 v8, v46;
	v61 =	vperm.xlane v62, v3;
	v52 =	vadd.f32 v54, v58  }
0x148: {  	v58 =	vmul.f32 v54, v54;
	v46 =	vadd.f32 v51, v57;
	v9 =	vadd.f32 v9, v26  }
0x149: {  	v0 =	vmul.f32 v16, v16;
	v7 =	vadd.f32 v42, v7;
	v42 =	vperm.xlane v8, v3  }
0x14a: {  	s13 =	sadd.s32 $0x200, s13;
	v61 =	vadd.f32 v61, v62;
	v50 =	vadd.f32 v49, v63;
	v49 =	vperm.xlane v11, v3  }
0x14b: {  	v58 =	vadd.f32 v58, v59;
	v62 =	vperm.xlane v46, v1;
	[tilespmem:s13+$0xF0] =	vst v9;
	v9 =	vadd.f32 v16, v56  }
0x14c: {  	v56 =	vperm.xlane v52, v3;
	v5 =	vadd.f32 v0, v5;
	v0 =	vperm.xlane v45, v3  }
0x14d: {  	v8 =	vadd.f32 v42, v8;
	v13 =	vadd.f32 v50, v13;
	v63 =	vmul.f32 v50, v50  }
0x14e: {  	v11 =	vadd.f32 v49, v11;
	v49 =	vperm.xlane v14, v1;
	v46 =	vadd.f32 v46, v62  }
0x14f: {  	v59 =	vperm.xlane v9, v3;
	v52 =	vadd.f32 v52, v56;
	v56 =	vperm.xlane v58, v3  }
0x150: {  	v45 =	vadd.f32 v0, v45;
	v0 =	vperm.xlane v7, v1;
	v51 =	vperm.xlane v13, v3  }
0x151: {  	v57 =	vadd.f32 v63, v60;
	v63 =	vperm.xlane v6, v1;
	v14 =	vadd.f32 v14, v49  }
0x152: {  	v49 =	vperm.xlane v61, v1;
	v9 =	vadd.f32 v9, v59;
	v59 =	vperm.xlane v5, v3  }
0x153: {  	v42 =	vperm.xlane v52, v1;
	v56 =	vadd.f32 v56, v58;
	v62 =	vperm.xlane v45, v1  }
0x154: {  	v7 =	vadd.f32 v7, v0;
	v0 =	vperm.xlane v8, v1;
	v13 =	vadd.f32 v13, v51  }
0x155: {  	v51 =	vperm.xlane v57, v3;
	v6 =	vadd.f32 v6, v63;
	v63 =	vperm.xlane v14, v2  }
0x156: {  	v49 =	vadd.f32 v49, v61;
	v61 =	vperm.xlane v46, v2;
	v58 =	vperm.xlane v9, v1  }
0x157: {  	v5 =	vadd.f32 v59, v5;
	v42 =	vadd.f32 v52, v42;
	v52 =	vperm.xlane v56, v1  }
0x158: {  	v45 =	vadd.f32 v62, v45;
	v62 =	vperm.xlane v7, v2;
	v8 =	vadd.f32 v0, v8  }
0x159: {  	v59 =	vperm.xlane v13, v1;
	v51 =	vadd.f32 v51, v57;
	v14 =	vadd.f32 v14, v63  }
0x15a: {  	v57 =	vperm.xlane v11, v1;
	v46 =	vadd.f32 v46, v61;
	v9 =	vadd.f32 v9, v58  }
0x15b: {  	v3 =	vperm.xlane v5, v1;
	v0 =	vperm.xlane v42, v2;
	v52 =	vadd.f32 v52, v56  }
0x15c: {  	v61 =	vperm.xlane v45, v2;
	v7 =	vadd.f32 v7, v62;
	v13 =	vadd.f32 v13, v59  }
0x15d: {  	v59 =	vperm.xlane v6, v2;
	v11 =	vadd.f32 v57, v11;
	v57 =	vperm.xlane v51, v1  }
0x15e: {  	v1 =	vperm.xlane v9, v2;
	v5 =	vadd.f32 v3, v5;
	v3 =	vperm.xlane v8, v2  }
0x15f: {  	v42 =	vadd.f32 v42, v0;
	v0 =	vperm.xlane v52, v2;
	v45 =	vadd.f32 v61, v45  }
0x160: {  	v58 =	vperm.xlane v13, v2;
	v51 =	vadd.f32 v57, v51;
	v6 =	vadd.f32 v6, v59  }
0x161: {  	v57 =	vperm.xlane v11, v2;
	v59 =	vperm.xlane v49, v2;
	v9 =	vadd.f32 v9, v1  }
0x162: {  	v1 =	vperm.xlane v5, v2;
	v8 =	vadd.f32 v3, v8;
	v62 =	vperm.xlane v42, v4  }
0x163: {  	v52 =	vadd.f32 v0, v52;
	v63 =	vperm.xlane v6, v4;
	v13 =	vadd.f32 v13, v58  }
0x164: {  	v58 =	vperm.xlane v51, v2;
	v11 =	vadd.f32 v57, v11;
	v57 =	vperm.xlane v14, v4  }
0x165: {  	v49 =	vadd.f32 v59, v49;
	v59 =	vperm.xlane v46, v4;
	v2 =	vperm.xlane v7, v4  }
0x166: {  	v0 =	vperm.xlane v9, v4;
	v5 =	vadd.f32 v1, v5;
	v42 =	vadd.f32 v42, v62  }
0x167: {  	v3 =	vperm.xlane v52, v4;
	v1 =	vperm.xlane v13, v4;
	v6 =	vadd.f32 v6, v63  }
0x168: {  	v63 =	vperm.xlane v11, v4;
	v51 =	vadd.f32 v58, v51;
	v14 =	vadd.f32 v14, v57  }
0x169: {  	v57 =	vperm.xlane v49, v4;
	v46 =	vadd.f32 v46, v59;
	v58 =	vperm.xlane v45, v4  }
0x16a: {  	v7 =	vadd.f32 v7, v2;
	v2 =	vperm.xlane v8, v4;
	v9 =	vadd.f32 v9, v0  }
0x16b: {  	v0 =	vperm.xlane v5, v4;
	v52 =	vadd.f32 v3, v52;
	v42 =	vmul.f32 $1.562500000e-02, v42  }
0x16c: {  	v13 =	vadd.f32 v13, v1;
	v1 =	vperm.xlane v51, v4;
	v11 =	vadd.f32 v63, v11  }
0x16d: {  	v6 =	vmul.f32 $1.562500000e-02, v6;
	v49 =	vadd.f32 v57, v49;
	v14 =	vmul.f32 $1.562500000e-02, v14  }
0x16e: {  	v45 =	vadd.f32 v58, v45;
	v46 =	vmul.f32 $1.562500000e-02, v46;
	v7 =	vmul.f32 $1.562500000e-02, v7  }
0x16f: {  	v8 =	vadd.f32 v2, v8;
	v9 =	vmul.f32 $1.562500000e-02, v9;
	v52 =	vmul.f32 $1.562500000e-02, v52  }
0x170: {  	v5 =	vadd.f32 v0, v5;
	v61 =	vmul.f32 v42, v42;
	v11 =	vmul.f32 $1.562500000e-02, v11  }
0x171: {  	v51 =	vadd.f32 v1, v51;
	v2 =	vmul.f32 v6, v6;
	v3 =	vmul.f32 $1.562500000e-02, v49  }
0x172: {  	v55 =	vmul.f32 v14, v14;
	v57 =	vsub.f32 $0.0e+00, v14;
	v14 =	vmul.f32 $1.562500000e-02, v45  }
0x173: {  	v58 =	vsub.f32 $0.0e+00, v6;
	v59 =	vmul.f32 v46, v46;
	v8 =	vmul.f32 $1.562500000e-02, v8  }
0x174: {  	v60 =	vmul.f32 v7, v7;
	v5 =	vmul.f32 $1.562500000e-02, v5;
	v45 =	vsub.f32 v52, v61  }
0x175: {  	v62 =	vmul.f32 v9, v9;
	v11 =	vsub.f32 v11, v2;
	v6 =	vsub.f32 v3, v55  }
0x176: {  	v13 =	vmul.f32 $1.562500000e-02, v13;
	v14 =	vsub.f32 v14, v59;
	v8 =	vsub.f32 v8, v60  }
0x177: {  	v51 =	vmul.f32 $1.562500000e-02, v51;
	v60 =	vsub.f32 $0.0e+00, v42;
	v5 =	vsub.f32 v5, v62  }
0x178: {  	v63 =	vmul.f32 v13, v13;
	v45 =	vadd.f32 $9.999999960e-13, v45;
	v11 =	vadd.f32 $9.999999960e-13, v11  }
0x179: {  	v6 =	vadd.f32 $9.999999960e-13, v6;
	v14 =	vadd.f32 $9.999999960e-13, v14  }
0x17a: {  	v49 =	vmul.f32 v48, v39;
	v51 =	vsub.f32 v51, v63;
	v8 =	vadd.f32 $9.999999960e-13, v8  }
0x17b: {  	v5 =	vadd.f32 $9.999999960e-13, v5;
	v2 =	vshra.s32 v45, $0x1;
	v45 =	vmul.f32 $5.000000000e-01, v45  }
0x17c: {  	v39 =	vshra.s32 v11, $0x1;
	v11 =	vmul.f32 $5.000000000e-01, v11;
	v52 =	vshra.s32 v6, $0x1  }
0x17d: {  	v51 =	vadd.f32 $9.999999960e-13, v51;
	v6 =	vmul.f32 $5.000000000e-01, v6;
	v0 =	vshra.s32 v14, $0x1  }
0x17e: {  	v14 =	vmul.f32 $5.000000000e-01, v14;
	v1 =	vshra.s32 v8, $0x1;
	v8 =	vmul.f32 $5.000000000e-01, v8  }
0x17f: {  	v61 =	vshra.s32 v5, $0x1;
	v5 =	vmul.f32 $5.000000000e-01, v5;
	v62 =	vsub.s32 $0x5F3759DF, v39  }
0x180: {  	v52 =	vsub.s32 $0x5F3759DF, v52;
	v56 =	vsub.s32 $0x5F3759DF, v0;
	v63 =	vsub.s32 $0x5F3759DF, v1  }
0x181: {  	v0 =	vsub.s32 $0x5F3759DF, v2;
	v39 =	vshra.s32 v51, $0x1;
	v51 =	vmul.f32 $5.000000000e-01, v51  }
0x182: {  	v4 =	vsub.s32 $0x5F3759DF, v61;
	v59 =	vmul.f32 v62, v11;
	v1 =	vmul.f32 v52, v6  }
0x183: {  	v2 =	vmul.f32 v56, v14;
	v3 =	vmul.f32 v63, v8;
	v61 =	vsub.f32 $0.0e+00, v7  }
0x184: {  	v7 =	vmul.f32 v0, v45;
	v55 =	vsub.s32 $0x5F3759DF, v39;
	v42 =	vmul.f32 v4, v5  }
0x185: {  	v39 =	vmul.f32 v62, v59;
	v59 =	vsub.f32 $0.0e+00, v9;
	v9 =	vmul.f32 v55, v51  }
0x186: {  	v1 =	vmul.f32 v52, v1;
	v2 =	vmul.f32 v56, v2  }
0x187: {  	v3 =	vmul.f32 v63, v3;
	v7 =	vmul.f32 v0, v7;
	v39 =	vsub.f32 $1.500000000e+00, v39  }
0x188: {  	v42 =	vmul.f32 v4, v42;
	v1 =	vsub.f32 $1.500000000e+00, v1;
	v2 =	vsub.f32 $1.500000000e+00, v2  }
0x189: {  	v9 =	vmul.f32 v55, v9;
	v3 =	vsub.f32 $1.500000000e+00, v3;
	v7 =	vsub.f32 $1.500000000e+00, v7  }
0x18a: {  	v42 =	vsub.f32 $1.500000000e+00, v42;
	v39 =	vmul.f32 v62, v39;
	v1 =	vmul.f32 v52, v1  }
0x18b: {  	v2 =	vmul.f32 v56, v2;
	v3 =	vmul.f32 v63, v3;
	v9 =	vsub.f32 $1.500000000e+00, v9  }
0x18c: {  	v0 =	vmul.f32 v0, v7;
	v4 =	vmul.f32 v4, v42  }
0x18d: {  	v62 =	vld [tilespmem:$0x1FE80];
	v7 =	vmul.f32 v39, v11;
	v9 =	vmul.f32 v55, v9  }
0x18e: {  	v52 =	vmovc v17;
	v56 =	vadd.f32 v17, v49;
	v17 =	vld [tilespmem:$0x1FE90];
	v6 =	vmul.f32 v1, v6;
	v14 =	vmul.f32 v2, v14  }
0x18f: {  	v8 =	vmul.f32 v3, v8;
	v63 =	vmul.f32 v0, v45  }
0x190: {  	v49 =	vmovc v31;
	v45 =	vadd.f32 v32, v37;
	v5 =	vmul.f32 v4, v5;
	v51 =	vmul.f32 v9, v51  }
0x191: {  	v55 =	vadd.f32 v29, v49;
	v7 =	vmul.f32 v7, v39;
	v6 =	vmul.f32 v6, v1  }
0x192: {  	v14 =	vmul.f32 v14, v2;
	v8 =	vmul.f32 v8, v3;
	v11 =	vadd.f32 v62, v31  }
0x193: {  	v32 =	vld [tilespmem:$0x1FEC0];
	v31 =	vadd.f32 v17, v40;
	v5 =	vmul.f32 v5, v4;
	v7 =	vsub.f32 $1.500000000e+00, v7  }
0x194: {  	v17 =	vld [tilespmem:$0x1FEA0];
	v6 =	vsub.f32 $1.500000000e+00, v6;
	v62 =	vsub.f32 $1.500000000e+00, v14;
	v14 =	vmul.f32 v51, v9  }
0x195: {  	[tilespmem:s2+$0x60] =	vst v45;
	v8 =	vsub.f32 $1.500000000e+00, v8;
	v5 =	vsub.f32 $1.500000000e+00, v5;
	v7 =	vmul.f32 v7, v39  }
0x196: {  	[tilespmem:s2+$0x80] =	vst v55;
	v45 =	vld [tilespmem:$0x1FEE0];
	v55 =	vadd.f32 v25, v40;
	v1 =	vmul.f32 v6, v1;
	v2 =	vmul.f32 v62, v2  }
0x197: {  	v3 =	vmul.f32 v8, v3;
	v39 =	vld [tilespmem:$0x1FED0];
	v4 =	vmul.f32 v5, v4  }
0x198: {  	[tilespmem:s2+$0xD0] =	vst v55;
	v8 =	vadd.f32 v32, v37;
	v62 =	vld [tilespmem:$0x1FF10];
	v42 =	vmul.f32 v7, v58;
	v51 =	vmul.f32 v7, v20  }
0x199: {  	[tilespmem:s2+$0x50] =	vst v31;
	v31 =	vadd.f32 v17, v26;
	v17 =	vld [tilespmem:$0x1FEB0];
	v25 =	vmul.f32 v7, v47;
	v20 =	vmul.f32 v2, v22  }
0x19a: {  	v46 =	vsub.f32 $0.0e+00, v46;
	[tilespmem:s2+$0xA0] =	vst v8;
	v22 =	vmul.f32 v2, v41;
	v24 =	vmul.f32 v3, v24  }
0x19b: {  	v8 =	vadd.f32 v45, v49;
	v58 =	vld [tilespmem:$0x1FEF0];
	v55 =	vmul.f32 v4, v35;
	[tilespmem:s2+$0x70] =	vst v31;
	v31 =	vmul.f32 v63, v0  }
0x19c: {  	v63 =	vsub.f32 $1.500000000e+00, v14;
	v14 =	vmul.f32 v7, v27;
	v7 =	vmul.f32 v7, v12  }
0x19d: {  	v12 =	vmul.f32 v1, v57;
	v57 =	vmul.f32 v4, v36;
	v5 =	vadd.f32 v39, v26  }
0x19e: {  	[tilespmem:s2+$0x40] =	vst v11;
	v11 =	vmul.f32 v2, v62;
	v6 =	vmul.f32 v63, v9;
	v29 =	vadd.f32 v17, v40;
	v17 =	vld [tilespmem:$0x1FF00]  }
0x19f: {  	v63 =	vmul.f32 v3, v10;
	[tilespmem:s2+$0xB0] =	vst v5;
	v5 =	vadd.f32 v42, v14;
	v14 =	vmul.f32 v1, v23  }
0x1a0: {  	[tilespmem:s2+$0xC0] =	vst v8;
	v8 =	vadd.f32 v58, v37;
	v23 =	vmul.f32 v1, v44;
	v58 =	vld [tilespmem:$0x1FF20];
	v41 =	vmul.f32 v6, v28  }
0x1a1: {  	v40 =	vmul.f32 v6, v38;
	v37 =	vmul.f32 v6, v18;
	[tilespmem:s2+$0x90] =	vst v29;
	v29 =	vsub.f32 $1.500000000e+00, v31  }
0x1a2: {  	[tilespmem:s2+$0xE0] =	vst v8;
	v8 =	vadd.f32 v42, v25;
	v25 =	vadd.f32 v12, v14;
	v14 =	vmul.f32 v3, v61  }
0x1a3: {  	v13 =	vsub.f32 $0.0e+00, v13;
	v62 =	vld [tilespmem:$0x1FF60];
	v0 =	vmul.f32 v29, v0;
	v27 =	vmul.f32 v1, v17  }
0x1a4: {  	v9 =	vadd.f32 v42, v51;
	v1 =	vmul.f32 v1, v15;
	v15 =	vmul.f32 v2, v46  }
0x1a5: {  	v7 =	vadd.f32 v42, v7;
	v2 =	vmul.f32 v2, v53;
	v28 =	vmul.f32 v48, v58  }
0x1a6: {  	v36 =	vadd.f32 v14, v24;
	v49 =	vmul.f32 v0, v60;
	v51 =	vmul.f32 v0, v30  }
0x1a7: {  	v24 =	vadd.f32 v14, v63;
	v53 =	vmul.f32 v0, v34;
	v30 =	vmul.f32 v6, v50  }
0x1a8: {  	v34 =	vmul.f32 v8, v62;
	v44 =	vadd.f32 v12, v27;
	v27 =	vmul.f32 v3, v21  }
0x1a9: {  	v61 =	vld [tilespmem:$0x1FF50];
	v21 =	vadd.f32 v12, v23;
	v23 =	vmul.f32 v3, v33;
	v17 =	vadd.f32 v12, v1  }
0x1aa: {  	v63 =	vld [tilespmem:$0x1FF70];
	v32 =	vadd.f32 v15, v11;
	v29 =	vadd.f32 v15, v20;
	v20 =	vmul.f32 v0, v43  }
0x1ab: {  	s14 =	sadd.s32 $0x8, s14;
	v60 =	vld [tilespmem:$0x1FF40];
	v0 =	vmul.f32 v0, v54;
	v33 =	vadd.f32 v15, v22;
	v54 =	vmul.f32 v4, v59  }
0x1ac: {  	p1 =	slt.u32 s14, $0xC0;
	v26 =	vadd.f32 v15, v2;
	v15 =	vmul.f32 v4, v19;
	v59 =	vld [tilespmem:$0x1FF30];
	v38 =	vadd.f32 v49, v51  }
.Ltmp0:
0x1ad: {  	v4 =	vmul.f32 v4, v16;
	v35 =	vadd.f32 v14, v27;
	v31 =	vadd.f32 v14, v23;
	(pc) =	sbr.rel @p1 .LBB2_3-.Ltmp0, $4  }
0x1ae: {  	v19 =	vmul.f32 v6, v13;
	v23 =	vadd.f32 v49, v53;
	v27 =	vadd.f32 v49, v20  }
0x1af: {  	v39 =	vmul.f32 v5, v61;
	v22 =	vadd.f32 v49, v0;
	v20 =	vadd.f32 v54, v55  }
0x1b0: {  	v18 =	vadd.f32 v54, v57;
	v13 =	vmul.f32 v7, v63;
	v16 =	vadd.f32 v54, v15  }
0x1b1: {  	s9 =	sadd.s32 $0x200, s9;
	s2 =	smov.u32 s13;
	v15 =	vadd.f32 v54, v4;
	v42 =	vmul.f32 v9, v60;
	v12 =	vmul.f32 v48, v59  }
0x1b2: {  	v9 =	vld [tilespmem:$0x1FFB0];
	_ =	sdelay $0x1  }
0x1b3: {  	v8 =	vld [tilespmem:$0x1FFA0];
	_ =	sdelay $0x2  }
0x1b4: {  	v0 =	vadd.f32 v42, v9;
	_ =	sdelay $0x1  }
0x1b5: {  	v10 =	vld [tilespmem:$0x1FF40];
	v1 =	vadd.f32 v39, v8;
	[tilespmem:s13+$0xFFFFFF00] =	vst v0  }
0x1b6: {  	v7 =	vld [tilespmem:$0x1FF90]  }
0x1b7: {  	v62 =	vld [tilespmem:$0x1FF50];
	[tilespmem:s13+$0xFFFFFF10] =	vst v1  }
0x1b8: {  	v61 =	vld [tilespmem:$0x1FF80];
	_ =	sdelay $0x3  }
0x1b9: {  	v2 =	vmul.f32 v44, v10;
	v58 =	vadd.f32 v34, v7  }
0x1ba: {  	v39 =	vmul.f32 v32, v10;
	v63 =	vld [tilespmem:$0x1FF60];
	v59 =	vadd.f32 v13, v61  }
0x1bb: {  	v49 =	vmul.f32 v35, v10;
	v6 =	vadd.f32 v2, v9;
	[tilespmem:s13+$0xFFFFFF20] =	vst v58  }
0x1bc: {  	v46 =	vadd.f32 v39, v9;
	v3 =	vmul.f32 v25, v62;
	v13 =	vld [tilespmem:$0x1FF70];
	[tilespmem:s13+$0xFFFFFF30] =	vst v59  }
0x1bd: {  	v55 =	vadd.f32 v49, v9;
	v43 =	vmul.f32 v29, v62;
	[tilespmem:s13+$0xFFFFFF40] =	vst v6  }
0x1be: {  	v51 =	vmul.f32 v31, v62;
	v34 =	vadd.f32 v3, v8;
	[tilespmem:s13+$0xFFFFFF80] =	vst v46  }
0x1bf: {  	v4 =	vmul.f32 v21, v63;
	v48 =	vadd.f32 v43, v8;
	[tilespmem:s13+$0xFFFFFFC0] =	vst v55  }
0x1c0: {  	v45 =	vmul.f32 v33, v63;
	v58 =	vadd.f32 v51, v8;
	[tilespmem:s13+$0xFFFFFF50] =	vst v34  }
0x1c1: {  	v54 =	vmul.f32 v36, v63;
	v42 =	vadd.f32 v4, v7;
	[tilespmem:s13+$0xFFFFFF90] =	vst v48  }
0x1c2: {  	v33 =	vmul.f32 v27, v63;
	v50 =	vadd.f32 v45, v7;
	[tilespmem:s13+$0xFFFFFFD0] =	vst v58  }
0x1c3: {  	v5 =	vmul.f32 v16, v63;
	v60 =	vadd.f32 v54, v7;
	[tilespmem:s13+$0xFFFFFF60] =	vst v42  }
0x1c4: {  	v59 =	vmul.f32 v38, v10;
	v39 =	vadd.f32 v33, v7;
	v46 =	vadd.f32 v19, v40;
	[tilespmem:s13+$0xFFFFFFA0] =	vst v50  }
0x1c5: {  	v38 =	vmul.f32 v20, v10;
	v49 =	vadd.f32 v5, v7;
	v48 =	vadd.f32 v19, v37;
	[tilespmem:s13+$0xFFFFFFE0] =	vst v60  }
0x1c6: {  	v34 =	vadd.f32 v59, v9;
	[tilespmem:s13+$0x20] =	vst v39;
	v3 =	vmul.f32 v46, v62  }
0x1c7: {  	v45 =	vadd.f32 v38, v9;
	[tilespmem:s2+$0x60] =	vst v49;
	v4 =	vmul.f32 v48, v63  }
0x1c8: {  	[tilespmem:s13+$0x0] =	vst v34;
	v55 =	vadd.f32 v3, v8;
	v11 =	vmul.f32 v17, v13  }
0x1c9: {  	[tilespmem:s2+$0x40] =	vst v45;
	v47 =	vmul.f32 v26, v13;
	v59 =	vadd.f32 v4, v7  }
0x1ca: {  	v57 =	vmul.f32 v24, v13;
	[tilespmem:s2+$0x90] =	vst v55;
	v44 =	vadd.f32 v11, v61  }
0x1cb: {  	v42 =	vmul.f32 v18, v62;
	v35 =	vmul.f32 v22, v13;
	v53 =	vadd.f32 v47, v61;
	[tilespmem:s2+$0xA0] =	vst v59  }
0x1cc: {  	v50 =	vadd.f32 v19, v30;
	v6 =	vmul.f32 v15, v13;
	v32 =	vadd.f32 v57, v61;
	[tilespmem:s13+$0xFFFFFF70] =	vst v44  }
0x1cd: {  	v43 =	vadd.f32 v35, v61;
	[tilespmem:s13+$0xFFFFFFB0] =	vst v53  }
0x1ce: {  	v5 =	vmul.f32 v50, v13;
	v47 =	vadd.f32 v42, v8;
	v51 =	vadd.f32 v6, v61;
	[tilespmem:s13+$0xFFFFFFF0] =	vst v32  }
0x1cf: {  	v11 =	vmul.f32 v23, v62;
	v57 =	vadd.f32 v52, v12;
	v44 =	vadd.f32 v19, v41;
	[tilespmem:s13+$0x30] =	vst v43  }
0x1d0: {  	v54 =	vadd.f32 v52, v28;
	v58 =	vmul.f32 v56, v10;
	v60 =	vadd.f32 v5, v61;
	[tilespmem:s2+$0x50] =	vst v47  }
0x1d1: {  	v36 =	vadd.f32 v11, v8;
	[tilespmem:s2+$0x70] =	vst v51;
	v3 =	vmul.f32 v57, v63;
	v2 =	vmul.f32 v44, v10  }
0x1d2: {  	[tilespmem:s2+$0xB0] =	vst v60;
	v10 =	vadd.f32 v58, v9  }
0x1d3: {  	s1 =	smul.u32 $0x640, s4;
	s4 =	sor.u32 $0x1, s4;
	[tilespmem:s13+$0x10] =	vst v36;
	v32 =	vadd.f32 v3, v7;
	v53 =	vadd.f32 v2, v9;
	v2 =	vmul.f32 v54, v62  }
0x1d4: {  	s9 =	smin.u32 s4, $0xFFE;
	[tilespmem:s2+$0xC0] =	vst v10  }
0x1d5: {  	s9 =	smul.u32 $0xD0, s9;
	[tilespmem:s2+$0xE0] =	vst v32;
	v11 =	vadd.f32 v2, v8  }
0x1d6: {  	[tilespmem:s2+$0x80] =	vst v53  }
0x1d7: {  	s1 =	sadd.s32 s3, s1;
	s13 =	sshrl.u32 s9, $0x3;
	[tilespmem:s2+$0xD0] =	vst v11  }
0x1d8: {  	[hbm4b:s1+s5] =	stream.linear.scatter [tilespmem:s25], [sflag:$0x3], $0x3200, $0x38;
	[tilespmem:$0xFC20] =	vst v63  }
0x1d9: {  	s1 =	sadd.s32 s7, s13  }
0x1da: {  	s1 =	sadd.s32 $0x1A, s1  }
0x1db: {  	[tilespmem:s15], [sflag:$0x5] =	stream.linear.gather [hbm4b:s1+s5], $0xD0, $0x38;
	[tilespmem:$0xFC20] =	vst v63  }
0x1dc: {  	_ =	swait.ge [sflag:s12], $0xD0  }
0x1dd: {  	[sflag:s12] =	ssyncset.done $0x0  }
0x1de: {  	[sflag:s12] =	ssyncadd.s32 $0xFFFFFF30  }
0x1df: {  	[tilespmem:s17], [sflag:$0x1] =	stream.indirect.gather [hbm4b:s8+s16], $0x40, s15, s16, $0xb8;
	[tilespmem:$0xFC20] =	vst v63  }
0x1e0: {  	_ = 	snop  }
0x1e1: {  	[tilespmem:s19], [sflag:$0x1] =	stream.indirect.gather [hbm4b:s8+s16], $0x40, s18, s16, $0xb8;
	[tilespmem:$0xFC20] =	vst v63  }
0x1e2: {  	_ =	swait.ge [sflag:s26], $0x1900  }
0x1e3: {  	[sflag:s26] =	ssyncset.done $0x0  }
0x1e4: {  	[sflag:s26] =	ssyncadd.s32 $0xFFFFE700  }
0x1e5: {  	_ =	swait.ge [sflag:s26], $0x1900  }
0x1e6: {  	[sflag:s26] =	ssyncset.done $0x0  }
0x1e7: {  	s1 =	simm.s32 @!p0 $0x4;
	[sflag:s26] =	ssyncadd.s32 $0xFFFFE700  }
0x1e8: {  	_ =	swait.ge @!p0 [sflag:s1], $0x3200  }
0x1e9: {  	v56 =	vld [tilespmem:$0x1FFC0]  }
0x1ea: {  	[sflag:s1] =	ssyncset.done @!p0 $0x0;
	v58 =	vld [tilespmem:$0x1FFE0]  }
0x1eb: {  	s14 =	simm.s32 $0x6810;
	v57 =	vld [tilespmem:$0x1FFD0];
	[sflag:s1] =	ssyncadd.s32 @!p0 $0xFFFFCE00  }
0x1ec: {  	v33 =	vld [tilespmem:s14+$0xFFFFFFF0]  }
0x1ed: {  	v34 =	vld [tilespmem:s14+$0xFFFFFFD0]  }
0x1ee: {  	s1 =	simm.s32 $0x100;
	v36 =	vld [tilespmem:s14+$0xFFFFFFE0]  }
0x1ef: {  	v37 =	vld [tilespmem:s1+$0xD0]  }
0x1f0: {  	v35 =	vld [tilespmem:s1+$0xC0]  }
0x1f1: {  	v38 =	vld [tilespmem:s1+$0xE0]  }
0x1f2: {  	v39 =	vld [tilespmem:s14+$0x0]  }
0x1f3: {  	v40 =	vld [tilespmem:s1+$0xF0]  }
0x1f4: {  	v8 =	vld [tilespmem:s1+$0xFFFFFF00];
	v4 =	vadd.f32 v37, v36  }
0x1f5: {  	v41 =	vld [tilespmem:s14+$0xFFFFFE20]  }
0x1f6: {  	v42 =	vld [tilespmem:s1+$0xFFFFFF10];
	[tilespmem:$0x1FE70] =	vst v4  }
0x1f7: {  	v43 =	vld [tilespmem:s14+$0xFFFFFE50]  }
0x1f8: {  	v44 =	vld [tilespmem:s1+$0xFFFFFF40]  }
0x1f9: {  	v12 =	vadd.f32 v35, v34;
	v46 =	vld [tilespmem:s14+$0xFFFFFE60]  }
0x1fa: {  	v15 =	vadd.f32 v38, v33;
	v47 =	vld [tilespmem:s1+$0xFFFFFF50]  }
0x1fb: {  	v2 =	vadd.f32 v4, v12;
	v45 =	vmul.f32 v12, v12;
	v4 =	vmul.f32 v4, v4;
	v49 =	vld [tilespmem:s14+$0xFFFFFE90]  }
0x1fc: {  	v16 =	vadd.f32 v40, v39;
	v11 =	vld [tilespmem:s1+$0xFFFFFF80]  }
0x1fd: {  	v48 =	vmul.f32 v15, v15;
	v19 =	vld [tilespmem:s14+$0xFFFFFEA0];
	v2 =	vadd.f32 v15, v2;
	v3 =	vadd.f32 v4, v45  }
0x1fe: {  	v20 =	vld [tilespmem:s1+$0xFFFFFF90]  }
0x1ff: {  	v50 =	vmul.f32 v16, v16;
	v51 =	vld [tilespmem:s14+$0xFFFFFED0];
	v2 =	vadd.f32 v16, v2;
	v3 =	vadd.f32 v48, v3  }
0x200: {  	v21 =	vld [tilespmem:s1+$0xFFFFFFC0]  }
0x201: {  	v22 =	vld [tilespmem:s14+$0xFFFFFEE0];
	v14 =	vperm.xlane v2, v56;
	v3 =	vadd.f32 v50, v3  }
0x202: {  	v23 =	vld [tilespmem:s1+$0xFFFFFFD0]  }
0x203: {  	v24 =	vld [tilespmem:s14+$0xFFFFFF10];
	v2 =	vadd.f32 v2, v14;
	v14 =	vperm.xlane v3, v56  }
0x204: {  	v26 =	vld [tilespmem:s1+$0x0];
	v18 =	vadd.f32 v44, v43  }
0x205: {  	v27 =	vld [tilespmem:s14+$0xFFFFFF20];
	v3 =	vadd.f32 v14, v3;
	v14 =	vadd.f32 v47, v46  }
0x206: {  	v52 =	vld [tilespmem:s1+$0x10];
	v17 =	vperm.xlane v2, v58  }
0x207: {  	v37 =	vld [tilespmem:s14+$0xFFFFFE70];
	v55 =	vmul.f32 v18, v18;
	v59 =	vmul.f32 v14, v14  }
0x208: {  	v7 =	vld [tilespmem:s1+$0xFFFFFF60];
	v2 =	vadd.f32 v2, v17;
	v17 =	vperm.xlane v3, v58  }
0x209: {  	v6 =	vadd.f32 v59, v55;
	v59 =	vld [tilespmem:$0x1FFF0]  }
0x20a: {  	v48 =	vld [tilespmem:s14+$0xFFFFFE10];
	v53 =	vperm.xlane v2, v57;
	v3 =	vadd.f32 v17, v3  }
0x20b: {  	v25 =	vadd.f32 v42, v41;
	v54 =	vld [tilespmem:s14+$0xFFFFFF50];
	v20 =	vadd.f32 v20, v19  }
0x20c: {  	v60 =	vld [tilespmem:s1+$0x40];
	v21 =	vadd.f32 v21, v51;
	v1 =	vadd.f32 v2, v53;
	v42 =	vperm.xlane v3, v57  }
0x20d: {  	v35 =	vld [tilespmem:s14+$0xFFFFFE30];
	v22 =	vadd.f32 v23, v22;
	v37 =	vadd.f32 v7, v37  }
0x20e: {  	v50 =	vld [tilespmem:s1+$0xFFFFFF20];
	v17 =	vadd.f32 v11, v49;
	v2 =	vadd.f32 v42, v3;
	v28 =	vperm.xlane v1, v59  }
0x20f: {  	v30 =	vld [tilespmem:s1+$0x80];
	v29 =	vmul.f32 v20, v20;
	v34 =	vadd.f32 v22, v21;
	v32 =	vadd.f32 v8, v48  }
0x210: {  	v43 =	vld [tilespmem:s14+$0xFFFFFF60];
	v19 =	vmul.f32 v17, v17;
	v23 =	vperm.xlane v2, v59;
	v1 =	vadd.f32 v1, v28  }
0x211: {  	v44 =	vld [tilespmem:s1+$0x50];
	v46 =	vmul.f32 v21, v21;
	v48 =	vmul.f32 v32, v32;
	v10 =	vadd.f32 v14, v18  }
0x212: {  	v40 =	vld [tilespmem:s1+$0xFFFFFFA0];
	v31 =	vadd.f32 v29, v19;
	v2 =	vadd.f32 v23, v2;
	v29 =	vmul.f32 $1.562500000e-02, v1  }
0x213: {  	v45 =	vld [tilespmem:s14+$0xFFFFFF90];
	v38 =	vadd.f32 v50, v35;
	v11 =	vmul.f32 v25, v25;
	v10 =	vadd.f32 v37, v10  }
0x214: {  	v47 =	vld [tilespmem:s1+$0x90];
	v19 =	vadd.f32 v26, v24;
	v2 =	vmul.f32 $1.562500000e-02, v2;
	v23 =	vmul.f32 v29, v29  }
0x215: {  	v4 =	vadd.f32 v20, v17;
	v24 =	vmul.f32 v22, v22;
	v26 =	vadd.f32 v52, v27;
	v3 =	vld [tilespmem:s14+$0xFFFFFEB0]  }
0x216: {  	v27 =	vadd.f32 v44, v43;
	v43 =	vld [tilespmem:s14+$0xFFFFFF30];
	v49 =	vmul.f32 v19, v19;
	v2 =	vsub.f32 v2, v23  }
0x217: {  	v42 =	vld [tilespmem:s14+$0xFFFFFEC0];
	v39 =	vadd.f32 v24, v46;
	v24 =	vadd.f32 v60, v54;
	v51 =	vmul.f32 v26, v26  }
0x218: {  	v11 =	vadd.f32 v11, v48;
	v28 =	vld [tilespmem:s14+$0xFFFFFFA0];
	v2 =	vadd.f32 $9.999999960e-13, v2  }
0x219: {  	v53 =	vmul.f32 v27, v27;
	v60 =	vld [tilespmem:s1+$0xFFFFFFE0];
	v0 =	vadd.f32 v51, v49;
	v52 =	vmul.f32 v24, v24  }
0x21a: {  	v49 =	vadd.f32 v25, v32;
	v1 =	vld [tilespmem:s14+$0xFFFFFEF0];
	v55 =	vshra.s32 v2, $0x1;
	v2 =	vmul.f32 $5.000000000e-01, v2  }
0x21b: {  	v5 =	vadd.f32 v26, v19;
	v36 =	vadd.f32 v40, v3;
	v3 =	vld [tilespmem:s14+$0xFFFFFFB0];
	v33 =	vsub.s32 $0x5F3759DF, v55  }
0x21c: {  	v9 =	vadd.f32 v53, v52;
	v52 =	vld [tilespmem:s14+$0xFFFFFF70];
	v7 =	vadd.f32 v38, v49;
	v50 =	vmul.f32 v33, v2  }
0x21d: {  	v53 =	vld [tilespmem:s1+$0x60];
	v28 =	vadd.f32 v47, v28;
	v47 =	vmul.f32 v38, v38;
	v23 =	vadd.f32 v30, v45  }
0x21e: {  	v4 =	vadd.f32 v36, v4;
	v30 =	vadd.f32 v27, v24;
	v45 =	vld [tilespmem:s1+$0x20];
	v35 =	vmul.f32 v33, v50  }
0x21f: {  	v49 =	vld [tilespmem:s1+$0xA0];
	v51 =	vmul.f32 v28, v28;
	v11 =	vadd.f32 v47, v11;
	v54 =	vmul.f32 v23, v23  }
0x220: {  	v48 =	vsub.f32 $1.500000000e+00, v35;
	v35 =	vadd.f32 v60, v1;
	v1 =	vld [tilespmem:s14+$0xFFFFFE40]  }
0x221: {  	v46 =	vadd.f32 v28, v23;
	v8 =	vadd.f32 v51, v54;
	v55 =	vmul.f32 v37, v37;
	v60 =	vld [tilespmem:s1+$0xFFFFFF30]  }
0x222: {  	v50 =	vmul.f32 v36, v36;
	v40 =	vmul.f32 v33, v48;
	v47 =	vadd.f32 v35, v34;
	v34 =	vld [tilespmem:s14+$0xFFFFFE80]  }
0x223: {  	v6 =	vadd.f32 v55, v6;
	v33 =	vadd.f32 v45, v43;
	v54 =	vmul.f32 v35, v35;
	v48 =	vld [tilespmem:s1+$0xFFFFFF70]  }
0x224: {  	v45 =	vadd.f32 v50, v31;
	v31 =	vadd.f32 v53, v52;
	v52 =	vld [tilespmem:s1+$0xFFFFFFF0];
	v2 =	vmul.f32 v40, v2  }
0x225: {  	v5 =	vadd.f32 v33, v5;
	v55 =	vmul.f32 v33, v33;
	v50 =	vadd.f32 v54, v39;
	v39 =	vld [tilespmem:s1+$0xFFFFFFB0]  }
0x226: {  	v51 =	vadd.f32 v31, v30;
	v30 =	vadd.f32 v49, v3;
	v3 =	vld [tilespmem:s14+$0xFFFFFF00];
	v43 =	vmul.f32 v31, v31  }
0x227: {  	v2 =	vmul.f32 v2, v40;
	v49 =	vadd.f32 v55, v0;
	v0 =	vadd.f32 v60, v1  }
0x228: {  	v1 =	vadd.f32 v30, v46;
	v60 =	vmul.f32 v30, v30;
	v46 =	vld [tilespmem:s14+$0xFFFFFF40];
	v9 =	vadd.f32 v43, v9  }
0x229: {  	v44 =	vadd.f32 v48, v34;
	v48 =	vld [tilespmem:s1+$0x30];
	v2 =	vsub.f32 $1.500000000e+00, v2  }
0x22a: {  	v7 =	vadd.f32 v0, v7;
	v53 =	vmul.f32 v0, v0;
	v8 =	vadd.f32 v60, v8  }
0x22b: {  	v54 =	vld [tilespmem:s14+$0xFFFFFF80];
	v43 =	vadd.f32 v39, v42;
	v39 =	vmul.f32 v44, v44;
	v42 =	vadd.f32 v52, v3  }
0x22c: {  	v3 =	vld [tilespmem:s1+$0xB0];
	v34 =	vmul.f32 v2, v40;
	v2 =	vadd.f32 v44, v10;
	v55 =	vperm.xlane v7, v56  }
0x22d: {  	v10 =	vld [tilespmem:s1+$0x70];
	v11 =	vadd.f32 v53, v11;
	v4 =	vadd.f32 v43, v4;
	v60 =	vmul.f32 v43, v43  }
0x22e: {  	v53 =	vld [tilespmem:s14+$0xFFFFFFC0];
	v6 =	vadd.f32 v39, v6;
	v52 =	vperm.xlane v2, v56;
	v41 =	vadd.f32 v48, v46  }
0x22f: {  	v46 =	vadd.f32 v42, v47;
	v47 =	vmul.f32 v42, v42;
	v7 =	vadd.f32 v7, v55  }
0x230: {  	v45 =	vadd.f32 v60, v45;
	v48 =	vperm.xlane v4, v56;
	v5 =	vadd.f32 v41, v5  }
0x231: {  	v2 =	vadd.f32 v2, v52;
	v52 =	vperm.xlane v6, v56;
	v55 =	vperm.xlane v7, v58  }
0x232: {  	v40 =	vadd.f32 v10, v54;
	v10 =	vmul.f32 v41, v41;
	v54 =	vperm.xlane v46, v56  }
0x233: {  	v39 =	vadd.f32 v3, v53;
	v3 =	vadd.f32 v47, v50;
	v47 =	vperm.xlane v11, v56  }
0x234: {  	v4 =	vadd.f32 v4, v48;
	v50 =	vperm.xlane v5, v56;
	v6 =	vadd.f32 v52, v6  }
0x235: {  	v7 =	vadd.f32 v7, v55;
	v51 =	vadd.f32 v40, v51;
	v60 =	vmul.f32 v40, v40  }
0x236: {  	v10 =	vadd.f32 v10, v49;
	v1 =	vadd.f32 v39, v1;
	v53 =	vmul.f32 v39, v39  }
0x237: {  	v46 =	vadd.f32 v46, v54;
	v54 =	vperm.xlane v3, v56;
	v11 =	vadd.f32 v47, v11  }
0x238: {  	v47 =	vperm.xlane v2, v58;
	v52 =	vperm.xlane v4, v58;
	v5 =	vadd.f32 v5, v50  }
0x239: {  	v49 =	vperm.xlane v51, v56;
	v9 =	vadd.f32 v60, v9;
	v48 =	vperm.xlane v1, v56  }
0x23a: {  	v8 =	vadd.f32 v53, v8;
	v60 =	vperm.xlane v45, v56;
	v50 =	vperm.xlane v10, v56  }
0x23b: {  	v3 =	vadd.f32 v54, v3;
	v2 =	vadd.f32 v2, v47;
	v47 =	vperm.xlane v6, v58  }
0x23c: {  	v4 =	vadd.f32 v4, v52;
	v54 =	vperm.xlane v5, v58;
	v49 =	vadd.f32 v51, v49  }
0x23d: {  	v51 =	vperm.xlane v9, v56;
	v1 =	vadd.f32 v1, v48;
	v48 =	vperm.xlane v8, v56  }
0x23e: {  	v45 =	vadd.f32 v60, v45;
	v60 =	vperm.xlane v46, v58;
	v10 =	vadd.f32 v50, v10  }
0x23f: {  	v55 =	vperm.xlane v2, v57;
	v6 =	vadd.f32 v47, v6;
	v47 =	vperm.xlane v4, v57  }
0x240: {  	v5 =	vadd.f32 v5, v54;
	v50 =	vperm.xlane v49, v58;
	v9 =	vadd.f32 v51, v9  }
0x241: {  	v51 =	vperm.xlane v1, v58;
	v8 =	vadd.f32 v48, v8;
	v48 =	vperm.xlane v11, v58  }
0x242: {  	v52 =	vperm.xlane v45, v58;
	v46 =	vadd.f32 v46, v60;
	v60 =	vperm.xlane v3, v58  }
0x243: {  	v54 =	vperm.xlane v10, v58;
	v2 =	vadd.f32 v2, v55;
	v4 =	vadd.f32 v4, v47  }
0x244: {  	v49 =	vadd.f32 v49, v50;
	v50 =	vperm.xlane v9, v58;
	v1 =	vadd.f32 v1, v51  }
0x245: {  	v51 =	vperm.xlane v7, v57;
	v11 =	vadd.f32 v48, v11;
	v48 =	vperm.xlane v8, v58  }
0x246: {  	v45 =	vadd.f32 v52, v45;
	v58 =	vperm.xlane v46, v57;
	v3 =	vadd.f32 v60, v3  }
0x247: {  	v60 =	vperm.xlane v5, v57;
	v10 =	vadd.f32 v54, v10;
	v54 =	vperm.xlane v49, v57  }
0x248: {  	v9 =	vadd.f32 v50, v9;
	v50 =	vperm.xlane v1, v57;
	v8 =	vadd.f32 v48, v8  }
0x249: {  	v7 =	vadd.f32 v7, v51;
	v48 =	vperm.xlane v11, v57;
	v51 =	vperm.xlane v6, v57  }
0x24a: {  	v47 =	vperm.xlane v45, v57;
	v46 =	vadd.f32 v46, v58;
	v58 =	vperm.xlane v3, v57  }
0x24b: {  	v5 =	vadd.f32 v5, v60;
	v60 =	vperm.xlane v10, v57;
	v49 =	vadd.f32 v49, v54  }
0x24c: {  	v54 =	vperm.xlane v9, v57;
	v55 =	vperm.xlane v7, v59;
	v1 =	vadd.f32 v1, v50  }
0x24d: {  	v50 =	vperm.xlane v8, v57;
	v11 =	vadd.f32 v48, v11;
	v48 =	vperm.xlane v2, v59  }
0x24e: {  	v6 =	vadd.f32 v51, v6;
	v51 =	vperm.xlane v4, v59;
	v45 =	vadd.f32 v47, v45  }
0x24f: {  	v57 =	vperm.xlane v46, v59;
	v3 =	vadd.f32 v58, v3;
	v58 =	vperm.xlane v5, v59  }
0x250: {  	v10 =	vadd.f32 v60, v10;
	v60 =	vperm.xlane v49, v59;
	v9 =	vadd.f32 v54, v9  }
0x251: {  	v54 =	vperm.xlane v1, v59;
	v7 =	vadd.f32 v7, v55;
	v55 =	vperm.xlane v11, v59  }
0x252: {  	v8 =	vadd.f32 v50, v8;
	v2 =	vadd.f32 v2, v48;
	v48 =	vperm.xlane v6, v59  }
0x253: {  	v4 =	vadd.f32 v4, v51;
	v50 =	vperm.xlane v45, v59;
	v46 =	vadd.f32 v46, v57  }
0x254: {  	v57 =	vperm.xlane v3, v59;
	v5 =	vadd.f32 v5, v58;
	v58 =	vperm.xlane v10, v59  }
0x255: {  	v60 =	vadd.f32 v49, v60;
	v53 =	vperm.xlane v9, v59;
	v1 =	vadd.f32 v1, v54  }
0x256: {  	v54 =	vperm.xlane v8, v59;
	v11 =	vadd.f32 v55, v11;
	v7 =	vmul.f32 $1.562500000e-02, v7  }
0x257: {  	v6 =	vadd.f32 v48, v6;
	v2 =	vmul.f32 $1.562500000e-02, v2;
	v4 =	vmul.f32 $1.562500000e-02, v4  }
0x258: {  	v45 =	vadd.f32 v50, v45;
	v49 =	vmul.f32 $1.562500000e-02, v46;
	v48 =	vmul.f32 $1.562500000e-02, v5  }
0x259: {  	v3 =	vadd.f32 v57, v3;
	v46 =	vmul.f32 $1.562500000e-02, v60;
	v57 =	vmul.f32 $1.562500000e-02, v11  }
0x25a: {  	v10 =	vadd.f32 v58, v10;
	v60 =	vmul.f32 $1.562500000e-02, v1;
	v58 =	vmul.f32 v7, v7  }
0x25b: {  	v6 =	vmul.f32 $1.562500000e-02, v6;
	v59 =	vmul.f32 v2, v2  }
0x25c: {  	v9 =	vadd.f32 v53, v9;
	v45 =	vmul.f32 $1.562500000e-02, v45;
	v52 =	vmul.f32 v4, v4  }
0x25d: {  	v8 =	vadd.f32 v54, v8;
	v3 =	vmul.f32 $1.562500000e-02, v3;
	v53 =	vmul.f32 v49, v49  }
0x25e: {  	v10 =	vmul.f32 $1.562500000e-02, v10;
	v55 =	vmul.f32 v48, v48;
	v1 =	vsub.f32 v57, v58  }
0x25f: {  	v6 =	vsub.f32 v6, v59;
	v54 =	vsub.f32 v45, v52;
	v9 =	vmul.f32 $1.562500000e-02, v9  }
0x260: {  	v3 =	vsub.f32 v3, v53;
	v56 =	vmul.f32 v46, v46;
	v8 =	vmul.f32 $1.562500000e-02, v8  }
0x261: {  	v10 =	vsub.f32 v10, v55;
	v57 =	vmul.f32 v60, v60;
	v1 =	vadd.f32 $9.999999960e-13, v1  }
0x262: {  	v6 =	vadd.f32 $9.999999960e-13, v6;
	v5 =	vsub.f32 v9, v56  }
0x263: {  	v11 =	vadd.f32 $9.999999960e-13, v54;
	v8 =	vsub.f32 v8, v57  }
0x264: {  	v3 =	vadd.f32 $9.999999960e-13, v3;
	v10 =	vadd.f32 $9.999999960e-13, v10;
	v58 =	vshra.s32 v1, $0x1  }
0x265: {  	v1 =	vmul.f32 $5.000000000e-01, v1;
	v59 =	vshra.s32 v6, $0x1;
	v5 =	vadd.f32 $9.999999960e-13, v5  }
0x266: {  	v8 =	vadd.f32 $9.999999960e-13, v8;
	v6 =	vmul.f32 $5.000000000e-01, v6;
	v50 =	vshra.s32 v11, $0x1  }
0x267: {  	v11 =	vmul.f32 $5.000000000e-01, v11;
	v51 =	vshra.s32 v3, $0x1;
	v3 =	vmul.f32 $5.000000000e-01, v3  }
0x268: {  	v52 =	vshra.s32 v10, $0x1;
	v10 =	vmul.f32 $5.000000000e-01, v10;
	v9 =	vsub.s32 $0x5F3759DF, v58  }
0x269: {  	v45 =	vsub.s32 $0x5F3759DF, v59;
	v50 =	vsub.s32 $0x5F3759DF, v50;
	v51 =	vsub.s32 $0x5F3759DF, v51  }
0x26a: {  	v53 =	vshra.s32 v5, $0x1;
	v54 =	vmul.f32 v9, v1;
	v5 =	vmul.f32 $5.000000000e-01, v5  }
0x26b: {  	v55 =	vshra.s32 v8, $0x1;
	v47 =	vmul.f32 v45, v6;
	v8 =	vmul.f32 $5.000000000e-01, v8  }
0x26c: {  	v52 =	vsub.s32 $0x5F3759DF, v52;
	v57 =	vmul.f32 v50, v11;
	v58 =	vmul.f32 v51, v3  }
0x26d: {  	v59 =	vmul.f32 v52, v10;
	v53 =	vsub.s32 $0x5F3759DF, v53;
	v54 =	vmul.f32 v9, v54  }
0x26e: {  	v55 =	vsub.s32 $0x5F3759DF, v55;
	v56 =	vmul.f32 v45, v47;
	v57 =	vmul.f32 v50, v57  }
0x26f: {  	v47 =	vmul.f32 v55, v8;
	v58 =	vmul.f32 v51, v58;
	v54 =	vsub.f32 $1.500000000e+00, v54  }
0x270: {  	v59 =	vmul.f32 v52, v59;
	v56 =	vsub.f32 $1.500000000e+00, v56;
	v57 =	vsub.f32 $1.500000000e+00, v57  }
0x271: {  	v58 =	vsub.f32 $1.500000000e+00, v58;
	v9 =	vmul.f32 v9, v54;
	v54 =	vmul.f32 v53, v5  }
0x272: {  	v59 =	vsub.f32 $1.500000000e+00, v59;
	v45 =	vmul.f32 v45, v56;
	v56 =	vmul.f32 v55, v47  }
0x273: {  	v50 =	vmul.f32 v50, v57;
	v51 =	vmul.f32 v51, v58  }
0x274: {  	v52 =	vmul.f32 v52, v59;
	v1 =	vmul.f32 v9, v1  }
0x275: {  	v54 =	vmul.f32 v53, v54;
	v6 =	vmul.f32 v45, v6  }
0x276: {  	v56 =	vsub.f32 $1.500000000e+00, v56;
	v47 =	vmul.f32 v50, v11;
	v3 =	vmul.f32 v51, v3  }
0x277: {  	v10 =	vmul.f32 v52, v10;
	v1 =	vmul.f32 v1, v9;
	v54 =	vsub.f32 $1.500000000e+00, v54  }
0x278: {  	v57 =	vsub.f32 $0.0e+00, v29;
	v59 =	vmul.f32 v55, v56;
	v6 =	vmul.f32 v6, v45  }
0x279: {  	v3 =	vmul.f32 v3, v51;
	v1 =	vsub.f32 $1.500000000e+00, v1;
	v53 =	vmul.f32 v53, v54  }
0x27a: {  	v10 =	vmul.f32 v10, v52;
	v8 =	vmul.f32 v59, v8;
	v6 =	vsub.f32 $1.500000000e+00, v6  }
0x27b: {  	v3 =	vsub.f32 $1.500000000e+00, v3;
	v1 =	vmul.f32 v1, v9;
	v5 =	vmul.f32 v53, v5  }
0x27c: {  	v10 =	vsub.f32 $1.500000000e+00, v10;
	v9 =	vmul.f32 v47, v50;
	v6 =	vmul.f32 v6, v45  }
0x27d: {  	v7 =	vsub.f32 $0.0e+00, v7;
	v8 =	vmul.f32 v8, v59;
	v3 =	vmul.f32 v3, v51  }
0x27e: {  	v10 =	vmul.f32 v10, v52;
	v51 =	vmul.f32 v34, v57  }
0x27f: {  	v2 =	vsub.f32 $0.0e+00, v2;
	v5 =	vmul.f32 v5, v53;
	v7 =	vmul.f32 v1, v7  }
0x280: {  	v58 =	vsub.f32 $0.0e+00, v48;
	v25 =	vmul.f32 v1, v25;
	v54 =	vmul.f32 v1, v38  }
0x281: {  	v55 =	vsub.f32 $0.0e+00, v4;
	v0 =	vmul.f32 v1, v0;
	v2 =	vmul.f32 v6, v2  }
0x282: {  	v9 =	vsub.f32 $1.500000000e+00, v9;
	v56 =	vmul.f32 v6, v18;
	v14 =	vmul.f32 v6, v14  }
0x283: {  	v8 =	vsub.f32 $1.500000000e+00, v8;
	v18 =	vmul.f32 v6, v37;
	v6 =	vmul.f32 v6, v44  }
0x284: {  	v52 =	vsub.f32 $0.0e+00, v46;
	v47 =	vmul.f32 v3, v42;
	v9 =	vmul.f32 v9, v50  }
0x285: {  	v5 =	vsub.f32 $1.500000000e+00, v5;
	v8 =	vmul.f32 v8, v59;
	v59 =	vmul.f32 v3, v21  }
0x286: {  	v21 =	vadd.f32 v2, v18;
	v18 =	vmul.f32 v3, v22;
	v22 =	vmul.f32 v3, v35  }
0x287: {  	v50 =	vadd.f32 v7, v54;
	v54 =	vmul.f32 v10, v26;
	v5 =	vmul.f32 v5, v53  }
0x288: {  	v45 =	vadd.f32 v7, v25;
	v53 =	vmul.f32 v1, v32;
	v1 =	vmul.f32 v9, v55  }
0x289: {  	v44 =	vadd.f32 v2, v56;
	v29 =	vmul.f32 v9, v17;
	v20 =	vmul.f32 v9, v20  }
0x28a: {  	v56 =	vsub.f32 $0.0e+00, v60;
	v36 =	vmul.f32 v9, v36;
	v9 =	vmul.f32 v9, v43  }
0x28b: {  	v17 =	vsub.f32 $0.0e+00, v49;
	v49 =	vmul.f32 v34, v16;
	v16 =	vmul.f32 v10, v19  }
0x28c: {  	v0 =	vadd.f32 v7, v0;
	v19 =	vmul.f32 v8, v56;
	v37 =	vmul.f32 v8, v30  }
0x28d: {  	v25 =	vadd.f32 v2, v14;
	v30 =	vmul.f32 v8, v39;
	v39 =	vmul.f32 v45, v62  }
0x28e: {  	v4 =	vadd.f32 v7, v53;
	v11 =	vmul.f32 v3, v17;
	v17 =	vadd.f32 v2, v6  }
0x28f: {  	v53 =	vmul.f32 v10, v58;
	v32 =	vadd.f32 v1, v29;
	v29 =	vadd.f32 v1, v20  }
0x290: {  	v20 =	vmul.f32 v10, v33;
	v33 =	vadd.f32 v1, v36;
	v10 =	vmul.f32 v10, v41  }
0x291: {  	v60 =	vld [tilespmem:$0x1FE70];
	v55 =	vadd.f32 v51, v49;
	v6 =	vmul.f32 v5, v52;
	v57 =	vmul.f32 v5, v24  }
0x292: {  	v26 =	vadd.f32 v1, v9;
	v14 =	vmul.f32 v5, v27;
	v58 =	vmul.f32 v5, v31  }
0x293: {  	v5 =	vmul.f32 v5, v40;
	v35 =	vadd.f32 v11, v59;
	v1 =	vmul.f32 v55, v13  }
0x294: {  	v41 =	vmul.f32 v8, v23;
	v31 =	vadd.f32 v11, v18;
	v36 =	vadd.f32 v11, v22  }
0x295: {  	v40 =	vmul.f32 v8, v28;
	v24 =	vadd.f32 v11, v47;
	v1 =	vadd.f32 v1, v61;
	v61 =	vld [tilespmem:$0x1FF40]  }
0x296: {  	v28 =	vmul.f32 v34, v60;
	v38 =	vadd.f32 v53, v16;
	v23 =	vadd.f32 v53, v54  }
0x297: {  	v27 =	vadd.f32 v53, v20;
	v22 =	vadd.f32 v53, v10;
	v59 =	vmul.f32 v34, v12  }
0x298: {  	v20 =	vadd.f32 v6, v57;
	v12 =	vmul.f32 v34, v15;
	v18 =	vadd.f32 v6, v14  }
0x299: {  	s13 =	simm.s32 $0xCC10;
	v16 =	vadd.f32 v6, v58;
	v15 =	vadd.f32 v6, v5;
	v34 =	vmul.f32 v50, v63  }
0x29a: {  	s9 =	simm.s32 $0x6A10;
	s2 =	simm.s32 $0xCC10;
	s14 =	simm.s32 $0x0;
	v13 =	vmul.f32 v0, v13;
	v56 =	vadd.f32 v51, v59;
	[tilespmem:s13+$0x0] =	vst v1;
	v42 =	vmul.f32 v4, v61  }
.LBB2_5:
0x29b: {  	v1 =	vld [tilespmem:s9+$0xFFFFFFF0]  }
0x29c: {  	v43 =	vld [tilespmem:$0x1FF40]  }
0x29d: {  	v4 =	vld [tilespmem:s9+$0xFFFFFFD0]  }
0x29e: {  	v59 =	vld [tilespmem:$0x1FF50]  }
0x29f: {  	v46 =	vld [tilespmem:$0x1FF60]  }
0x2a0: {  	v60 =	vld [tilespmem:$0x1FF70]  }
0x2a1: {  	s1 =	sadd.s32 $0x200, s1;
	v50 =	vld [tilespmem:s9+$0xFFFFFE90]  }
0x2a2: {  	v8 =	vld [tilespmem:s1+$0xC0]  }
0x2a3: {  	v6 =	vadd.f32 v19, v37;
	v37 =	vld [tilespmem:$0x1FFA0]  }
0x2a4: {  	v3 =	vadd.f32 v19, v40;
	v40 =	vld [tilespmem:$0x1FFB0]  }
0x2a5: {  	v11 =	vadd.f32 v51, v12;
	v12 =	vld [tilespmem:s9+$0xFFFFFFE0]  }
0x2a6: {  	v45 =	vmul.f32 v33, v46;
	v33 =	vld [tilespmem:$0x1FF90]  }
0x2a7: {  	v7 =	vadd.f32 v19, v30;
	v10 =	vadd.f32 v51, v28;
	v28 =	vld [tilespmem:s1+$0xE0]  }
0x2a8: {  	v5 =	vmul.f32 v25, v59;
	v30 =	vmul.f32 v26, v60;
	v26 =	vld [tilespmem:$0x1FF80];
	v25 =	vadd.f32 v39, v37  }
0x2a9: {  	v0 =	vmul.f32 v44, v43;
	v44 =	vmul.f32 v29, v59;
	v29 =	vld [tilespmem:s9+$0x0];
	v14 =	vadd.f32 v42, v40  }
0x2aa: {  	[tilespmem:s13+$0xFFFFFE20] =	vst v25;
	v25 =	vld [tilespmem:s1+$0xF0]  }
0x2ab: {  	v57 =	vld [tilespmem:s1+$0xFFFFFF80];
	v9 =	vmul.f32 v21, v46;
	v17 =	vmul.f32 v17, v60;
	[tilespmem:s13+$0xFFFFFE10] =	vst v14;
	v14 =	vadd.f32 v34, v33  }
0x2ac: {  	v2 =	vadd.f32 v19, v41;
	v21 =	vld [tilespmem:s1+$0xD0];
	v52 =	vmul.f32 v24, v60;
	v34 =	vmul.f32 v35, v43  }
0x2ad: {  	v13 =	vadd.f32 v13, v26;
	v35 =	vmul.f32 v31, v59;
	v31 =	vmov v60;
	v60 =	vld [tilespmem:s1+$0xFFFFFF90];
	[tilespmem:s13+$0xFFFFFE30] =	vst v14  }
0x2ae: {  	v19 =	vmul.f32 v32, v43;
	v55 =	vld [tilespmem:s1+$0xFFFFFF00]  }
0x2af: {  	v38 =	vmul.f32 v38, v43;
	[tilespmem:s13+$0xFFFFFE40] =	vst v13;
	v49 =	vadd.f32 v25, v29;
	v29 =	vmul.f32 v2, v43;
	v2 =	vld [tilespmem:s9+$0xFFFFFEE0]  }
0x2b0: {  	v62 =	vmul.f32 v18, v59;
	v42 =	vmul.f32 v23, v59;
	v14 =	vadd.f32 v0, v40;
	v23 =	vld [tilespmem:s9+$0xFFFFFE20]  }
0x2b1: {  	v32 =	vmul.f32 v16, v46;
	v39 =	vadd.f32 v8, v4;
	v5 =	vadd.f32 v5, v37;
	v61 =	vld [tilespmem:s1+$0xFFFFFF10]  }
0x2b2: {  	v13 =	vadd.f32 v21, v12;
	[tilespmem:s13+$0xFFFFFE50] =	vst v14;
	v14 =	vmul.f32 v22, v31;
	v22 =	vadd.f32 v28, v1;
	v1 =	vld [tilespmem:s9+$0xFFFFFEA0]  }
0x2b3: {  	v16 =	vmovc v43;
	v48 =	vmul.f32 v3, v59;
	[tilespmem:s13+$0xFFFFFE60] =	vst v5;
	v12 =	vmov v31;
	v31 =	vmul.f32 v20, v43;
	v43 =	vld [tilespmem:$0x1FFC0]  }
0x2b4: {  	[tilespmem:$0x1FD80] =	vst v62;
	v25 =	vmul.f32 v15, v12;
	v63 =	vld [tilespmem:s9+$0xFFFFFE50];
	v47 =	vadd.f32 v13, v39  }
0x2b5: {  	[tilespmem:$0x1FDA0] =	vst v48;
	v8 =	vmul.f32 v39, v39;
	v58 =	vmul.f32 v7, v12;
	v21 =	vld [tilespmem:s1+$0xFFFFFF40]  }
0x2b6: {  	v15 =	vmov v46;
	v18 =	vmul.f32 v13, v13;
	v24 =	vld [tilespmem:s9+$0xFFFFFE60];
	[tilespmem:$0x1FD90] =	vst v25;
	v5 =	vadd.f32 v22, v47  }
0x2b7: {  	v62 =	vmul.f32 v56, v16;
	v48 =	vmul.f32 v11, v15;
	[tilespmem:$0x1FDC0] =	vst v58;
	v25 =	vadd.f32 v57, v50;
	v58 =	vld [tilespmem:s1+$0xFFFFFFD0]  }
0x2b8: {  	[tilespmem:$0x1FE60] =	vst v22;
	v50 =	vld [tilespmem:s9+$0xFFFFFF10];
	v8 =	vadd.f32 v18, v8;
	v22 =	vmul.f32 v22, v22;
	v51 =	vadd.f32 v49, v5  }
0x2b9: {  	v0 =	vmul.f32 v27, v46;
	[tilespmem:$0x1FE50] =	vst v13;
	v54 =	vmul.f32 v49, v49;
	v18 =	vld [tilespmem:s1+$0xFFFFFF50];
	v13 =	vmov v59  }
0x2ba: {  	[tilespmem:$0x1FDF0] =	vst v48;
	v48 =	vld [tilespmem:s1+$0x50];
	v53 =	vadd.f32 v22, v8;
	v27 =	vadd.f32 v61, v23;
	v59 =	vperm.xlane v51, v43  }
0x2bb: {  	v10 =	vmul.f32 v10, v13;
	v13 =	vld [tilespmem:s1+$0x10];
	v61 =	vadd.f32 v17, v26;
	v22 =	vadd.f32 v60, v1  }
0x2bc: {  	v6 =	vmul.f32 v6, v46;
	v5 =	vadd.f32 v54, v53;
	v3 =	vadd.f32 v51, v59;
	v51 =	vld [tilespmem:$0x1FFE0]  }
0x2bd: {  	[tilespmem:$0x1FDD0] =	vst v62;
	v20 =	vmov v12;
	v12 =	vadd.f32 v21, v63;
	v63 =	vld [tilespmem:s9+$0xFFFFFED0];
	v54 =	vadd.f32 v19, v40  }
0x2be: {  	v62 =	vadd.f32 v44, v37;
	[tilespmem:s13+$0xFFFFFE80] =	vst v61;
	v28 =	vadd.f32 v18, v24;
	v24 =	vld [tilespmem:s1+$0xFFFFFFC0];
	v47 =	vperm.xlane v5, v43  }
0x2bf: {  	v9 =	vadd.f32 v9, v33;
	v60 =	vmul.f32 v25, v25;
	v61 =	vld [tilespmem:s1+$0x0];
	[tilespmem:s13+$0xFFFFFE90] =	vst v54;
	v54 =	vmul.f32 v22, v22  }
0x2c0: {  	[tilespmem:$0x1FDB0] =	vst v6;
	v14 =	vadd.f32 v14, v26;
	v21 =	vmul.f32 v12, v12;
	v5 =	vadd.f32 v47, v5;
	v47 =	vld [tilespmem:$0x1FFD0]  }
0x2c1: {  	[tilespmem:$0x1FE00] =	vst v12;
	v6 =	vadd.f32 v28, v12;
	v12 =	vld [tilespmem:$0x1FFF0];
	v7 =	vadd.f32 v54, v60;
	v56 =	vperm.xlane v3, v51  }
0x2c2: {  	v36 =	vmul.f32 v36, v46;
	v54 =	vadd.f32 v34, v40;
	v34 =	vadd.f32 v35, v37;
	v35 =	vld [tilespmem:s9+$0xFFFFFFA0]  }
0x2c3: {  	v23 =	vadd.f32 v24, v63;
	v63 =	vld [tilespmem:s9+$0xFFFFFF20];
	v59 =	vperm.xlane v5, v51;
	v3 =	vadd.f32 v3, v56  }
0x2c4: {  	v57 =	vmul.f32 v28, v28;
	v15 =	vadd.f32 v61, v50;
	v61 =	vld [tilespmem:s9+$0xFFFFFF60];
	v24 =	vadd.f32 v58, v2  }
0x2c5: {  	v60 =	vadd.f32 v30, v26;
	v50 =	vld [tilespmem:s1+$0x90];
	v4 =	vadd.f32 v59, v5;
	v53 =	vperm.xlane v3, v47  }
0x2c6: {  	v16 =	vadd.f32 v57, v21;
	v2 =	vld [tilespmem:s9+$0xFFFFFF50];
	v58 =	vmul.f32 v23, v23;
	v46 =	vmul.f32 v24, v24  }
0x2c7: {  	[tilespmem:s13+$0xFFFFFE70] =	vst v9;
	v56 =	vadd.f32 v45, v33;
	v59 =	vld [tilespmem:s1+$0x40];
	v57 =	vperm.xlane v4, v47;
	v3 =	vadd.f32 v3, v53  }
0x2c8: {  	[tilespmem:s13+$0xFFFFFED0] =	vst v54;
	v54 =	vld [tilespmem:s1+$0xFFFFFF60];
	v46 =	vadd.f32 v46, v58;
	v17 =	vadd.f32 v13, v63  }
0x2c9: {  	[tilespmem:s13+$0xFFFFFEA0] =	vst v62;
	v19 =	vadd.f32 v48, v61;
	v48 =	vld [tilespmem:s9+$0xFFFFFE30];
	v4 =	vadd.f32 v57, v4;
	v53 =	vperm.xlane v3, v12  }
0x2ca: {  	v58 =	vadd.f32 v36, v33;
	[tilespmem:s13+$0xFFFFFEB0] =	vst v56;
	v56 =	vld [tilespmem:s9+$0xFFFFFF90];
	v63 =	vmul.f32 v15, v15;
	v57 =	vmul.f32 v17, v17  }
0x2cb: {  	[tilespmem:s13+$0xFFFFFEC0] =	vst v60;
	v13 =	vld [tilespmem:s1+$0x80];
	v8 =	vadd.f32 v17, v15;
	v62 =	vperm.xlane v4, v12;
	v3 =	vadd.f32 v3, v53  }
0x2cc: {  	[tilespmem:$0x1FE10] =	vst v15;
	v15 =	vld [tilespmem:s9+$0xFFFFFE10];
	v18 =	vadd.f32 v59, v2;
	v45 =	vadd.f32 v57, v63  }
0x2cd: {  	[tilespmem:s13+$0xFFFFFEE0] =	vst v34;
	v4 =	vadd.f32 v62, v4;
	v62 =	vadd.f32 v52, v26;
	v52 =	vld [tilespmem:s1+$0xFFFFFF20];
	v3 =	vmul.f32 $1.562500000e-02, v3  }
0x2ce: {  	[tilespmem:s13+$0xFFFFFEF0] =	vst v58;
	v63 =	vadd.f32 v38, v40;
	v38 =	vadd.f32 v50, v35;
	v35 =	vld [tilespmem:s9+$0xFFFFFEB0]  }
0x2cf: {  	v11 =	vadd.f32 v24, v23;
	v59 =	vmul.f32 $1.562500000e-02, v4;
	v4 =	vld [tilespmem:s9+$0xFFFFFE70];
	[tilespmem:s13+$0xFFFFFF00] =	vst v62;
	v60 =	vmul.f32 v3, v3  }
0x2d0: {  	v5 =	vadd.f32 v22, v25;
	v61 =	vmul.f32 v18, v18;
	v36 =	vadd.f32 v13, v56;
	v57 =	vld [tilespmem:s9+$0xFFFFFEF0]  }
0x2d1: {  	[tilespmem:$0x1FDE0] =	vst v10;
	v53 =	vmul.f32 v19, v19;
	v21 =	vadd.f32 v55, v15;
	v1 =	vsub.f32 v59, v60;
	v60 =	vld [tilespmem:s1+$0xFFFFFFA0]  }
0x2d2: {  	v41 =	vmul.f32 v27, v27;
	[tilespmem:$0x1FE40] =	vst v19;
	v9 =	vadd.f32 v19, v18;
	v19 =	vadd.f32 v52, v48;
	v48 =	vld [tilespmem:s1+$0xFFFFFFE0]  }
0x2d3: {  	v10 =	vld [tilespmem:s9+$0xFFFFFF70];
	[tilespmem:s13+$0xFFFFFF10] =	vst v63;
	v13 =	vadd.f32 v53, v61;
	v55 =	vadd.f32 v27, v21;
	v62 =	vmul.f32 v21, v21  }
0x2d4: {  	v63 =	vmul.f32 v38, v38;
	v44 =	vadd.f32 v54, v4;
	v4 =	vld [tilespmem:s9+$0xFFFFFF30];
	v1 =	vadd.f32 $9.999999960e-13, v1  }
0x2d5: {  	v34 =	vmul.f32 v36, v36;
	v56 =	vadd.f32 v41, v62;
	v54 =	vadd.f32 v19, v55;
	v55 =	vld [tilespmem:s1+$0x20]  }
0x2d6: {  	v61 =	vshra.s32 v1, $0x1;
	v1 =	vmul.f32 $5.000000000e-01, v1;
	v41 =	vadd.f32 v60, v35;
	v60 =	vld [tilespmem:s1+$0x60]  }
0x2d7: {  	v58 =	vsub.s32 $0x5F3759DF, v61;
	v61 =	vadd.f32 v42, v37;
	v42 =	vadd.f32 v48, v57;
	v48 =	vld [tilespmem:s9+$0xFFFFFFB0]  }
0x2d8: {  	v53 =	vadd.f32 v38, v36;
	v35 =	vmul.f32 v44, v44;
	v57 =	vld [tilespmem:s1+$0xA0];
	v59 =	vmul.f32 v58, v1  }
0x2d9: {  	v2 =	vadd.f32 v63, v34;
	v34 =	vmul.f32 v19, v19;
	v6 =	vadd.f32 v44, v6  }
0x2da: {  	v50 =	vadd.f32 v35, v16;
	v35 =	vadd.f32 v55, v4;
	v4 =	vld [tilespmem:s1+$0xFFFFFF30];
	v52 =	vmul.f32 v58, v59  }
0x2db: {  	v56 =	vadd.f32 v34, v56;
	v5 =	vadd.f32 v41, v5;
	[tilespmem:s13+$0xFFFFFF20] =	vst v61;
	v61 =	vld [tilespmem:s9+$0xFFFFFE80]  }
0x2dc: {  	v52 =	vsub.f32 $1.500000000e+00, v52;
	v34 =	vadd.f32 v60, v10;
	v60 =	vld [tilespmem:s9+$0xFFFFFEC0]  }
0x2dd: {  	v62 =	vmul.f32 v41, v41;
	v11 =	vadd.f32 v42, v11;
	v30 =	vadd.f32 v57, v48;
	v57 =	vld [tilespmem:s1+$0xFFFFFFB0]  }
0x2de: {  	v55 =	vadd.f32 v0, v33;
	v59 =	vmul.f32 v42, v42;
	v10 =	vld [tilespmem:s1+$0xFFFFFF70];
	v52 =	vmul.f32 v58, v52  }
0x2df: {  	v7 =	vadd.f32 v62, v7;
	v8 =	vadd.f32 v35, v8;
	v62 =	vmul.f32 v35, v35;
	v58 =	vld [tilespmem:s9+$0xFFFFFE40]  }
0x2e0: {  	v59 =	vadd.f32 v59, v46;
	v63 =	vmul.f32 v34, v34;
	v1 =	vmul.f32 v52, v1  }
0x2e1: {  	v46 =	vsub.f32 $0.0e+00, v3;
	v45 =	vadd.f32 v62, v45  }
0x2e2: {  	v63 =	vadd.f32 v63, v13;
	v13 =	vadd.f32 v57, v60;
	v57 =	vld [tilespmem:s9+$0xFFFFFF80];
	v1 =	vmul.f32 v1, v52  }
0x2e3: {  	[tilespmem:s13+$0xFFFFFF40] =	vst v14;
	v9 =	vadd.f32 v34, v9;
	v14 =	vmul.f32 v30, v30;
	v16 =	vadd.f32 v10, v61;
	v61 =	vld [tilespmem:s1+$0x70]  }
0x2e4: {  	v62 =	vld [tilespmem:s1+$0xFFFFFFF0];
	v15 =	vadd.f32 v4, v58;
	v1 =	vsub.f32 $1.500000000e+00, v1  }
0x2e5: {  	[tilespmem:s13+$0xFFFFFF30] =	vst v55;
	v2 =	vadd.f32 v14, v2;
	v4 =	vld [tilespmem:s9+$0xFFFFFF00];
	v58 =	vadd.f32 v30, v53;
	v0 =	vmul.f32 v13, v13  }
0x2e6: {  	v10 =	vld [tilespmem:s9+$0xFFFFFF40];
	v6 =	vadd.f32 v16, v6;
	v3 =	vadd.f32 v15, v54;
	v48 =	vmul.f32 v1, v52  }
0x2e7: {  	[tilespmem:$0x1FE20] =	vst v17;
	v5 =	vadd.f32 v13, v5;
	v54 =	vld [tilespmem:s1+$0x30];
	v7 =	vadd.f32 v0, v7;
	v52 =	vmul.f32 v15, v15  }
0x2e8: {  	[tilespmem:$0x1FE30] =	vst v18;
	v18 =	vadd.f32 v61, v57;
	v60 =	vperm.xlane v3, v43;
	v17 =	vmul.f32 v48, v46  }
0x2e9: {  	v53 =	vmul.f32 v48, v49;
	v46 =	vmul.f32 v16, v16;
	v56 =	vadd.f32 v52, v56  }
0x2ea: {  	v52 =	vadd.f32 v62, v4;
	v62 =	vperm.xlane v6, v43;
	v3 =	vadd.f32 v3, v60  }
0x2eb: {  	v55 =	vmul.f32 v18, v18;
	v1 =	vadd.f32 v17, v53;
	v49 =	vadd.f32 v46, v50  }
0x2ec: {  	v60 =	vperm.xlane v7, v43;
	v11 =	vadd.f32 v52, v11;
	v54 =	vadd.f32 v54, v10  }
0x2ed: {  	v4 =	vld [tilespmem:s9+$0xFFFFFFC0];
	v14 =	vmul.f32 v52, v52;
	v10 =	vperm.xlane v5, v43;
	v6 =	vadd.f32 v6, v62  }
0x2ee: {  	v46 =	vld [tilespmem:s1+$0xB0];
	v7 =	vadd.f32 v60, v7;
	v1 =	vmul.f32 v1, v20;
	v8 =	vadd.f32 v54, v8  }
0x2ef: {  	v53 =	vmul.f32 v54, v54;
	v57 =	vperm.xlane v11, v43;
	v14 =	vadd.f32 v14, v59  }
0x2f0: {  	v61 =	vperm.xlane v49, v43;
	v5 =	vadd.f32 v5, v10;
	v1 =	vadd.f32 v1, v26  }
0x2f1: {  	v59 =	vperm.xlane v8, v43;
	v0 =	vadd.f32 v53, v45;
	v11 =	vadd.f32 v11, v57  }
0x2f2: {  	s13 =	sadd.s32 $0x200, s13;
	v57 =	vperm.xlane v14, v43;
	v49 =	vadd.f32 v61, v49;
	v61 =	vperm.xlane v5, v51  }
0x2f3: {  	v50 =	vadd.f32 v46, v4;
	v4 =	vperm.xlane v56, v43;
	[tilespmem:s13+$0x0] =	vst v1;
	v1 =	vadd.f32 v18, v9  }
0x2f4: {  	v46 =	vperm.xlane v3, v51;
	v9 =	vadd.f32 v55, v63;
	v8 =	vadd.f32 v8, v59  }
0x2f5: {  	v59 =	vperm.xlane v0, v43;
	v14 =	vadd.f32 v57, v14;
	v5 =	vadd.f32 v5, v61  }
0x2f6: {  	v61 =	vperm.xlane v7, v51;
	v58 =	vadd.f32 v50, v58;
	v53 =	vmul.f32 v50, v50  }
0x2f7: {  	v4 =	vadd.f32 v4, v56;
	v3 =	vadd.f32 v3, v46;
	v45 =	vperm.xlane v1, v43  }
0x2f8: {  	v57 =	vperm.xlane v8, v51;
	v0 =	vadd.f32 v59, v0;
	v7 =	vadd.f32 v61, v7  }
0x2f9: {  	v55 =	vperm.xlane v58, v43;
	v2 =	vadd.f32 v53, v2;
	v53 =	vperm.xlane v6, v51  }
0x2fa: {  	v1 =	vadd.f32 v1, v45;
	v45 =	vperm.xlane v9, v43;
	v8 =	vadd.f32 v8, v57  }
0x2fb: {  	v57 =	vperm.xlane v0, v51;
	v10 =	vadd.f32 v58, v55;
	v58 =	vperm.xlane v2, v43  }
0x2fc: {  	v43 =	vperm.xlane v11, v51;
	v6 =	vadd.f32 v6, v53;
	v53 =	vperm.xlane v49, v51  }
0x2fd: {  	v59 =	vperm.xlane v1, v51;
	v9 =	vadd.f32 v45, v9;
	v0 =	vadd.f32 v57, v0  }
0x2fe: {  	v45 =	vperm.xlane v10, v51;
	v2 =	vadd.f32 v58, v2;
	v58 =	vperm.xlane v4, v51  }
0x2ff: {  	v11 =	vadd.f32 v11, v43;
	v43 =	vperm.xlane v14, v51;
	v62 =	vperm.xlane v6, v47  }
0x300: {  	v49 =	vadd.f32 v53, v49;
	v53 =	vperm.xlane v5, v47;
	v1 =	vadd.f32 v1, v59  }
0x301: {  	v59 =	vperm.xlane v9, v51;
	v10 =	vadd.f32 v10, v45;
	v45 =	vperm.xlane v3, v47  }
0x302: {  	v4 =	vadd.f32 v58, v4;
	v46 =	vperm.xlane v2, v51;
	v61 =	vperm.xlane v11, v47  }
0x303: {  	v14 =	vadd.f32 v43, v14;
	v43 =	vperm.xlane v8, v47;
	v6 =	vadd.f32 v6, v62  }
0x304: {  	v51 =	vperm.xlane v49, v47;
	v5 =	vadd.f32 v5, v53;
	v53 =	vperm.xlane v7, v47  }
0x305: {  	v57 =	vperm.xlane v1, v47;
	v9 =	vadd.f32 v59, v9;
	v59 =	vperm.xlane v10, v47  }
0x306: {  	v2 =	vadd.f32 v46, v2;
	v3 =	vadd.f32 v3, v45;
	v45 =	vperm.xlane v4, v47  }
0x307: {  	v11 =	vadd.f32 v11, v61;
	v61 =	vperm.xlane v14, v47;
	v8 =	vadd.f32 v8, v43  }
0x308: {  	v43 =	vperm.xlane v0, v47;
	v49 =	vadd.f32 v51, v49;
	v58 =	vperm.xlane v5, v12  }
0x309: {  	v7 =	vadd.f32 v53, v7;
	v1 =	vadd.f32 v1, v57;
	v57 =	vperm.xlane v9, v47  }
0x30a: {  	v62 =	vperm.xlane v3, v12;
	v10 =	vadd.f32 v10, v59;
	v59 =	vperm.xlane v2, v47  }
0x30b: {  	v4 =	vadd.f32 v45, v4;
	v45 =	vperm.xlane v6, v12;
	v53 =	vperm.xlane v11, v12  }
0x30c: {  	v14 =	vadd.f32 v61, v14;
	v61 =	vperm.xlane v8, v12;
	v0 =	vadd.f32 v43, v0  }
0x30d: {  	v5 =	vadd.f32 v5, v58;
	v58 =	vperm.xlane v7, v12;
	v43 =	vperm.xlane v1, v12  }
0x30e: {  	v9 =	vadd.f32 v57, v9;
	v51 =	vperm.xlane v10, v12;
	v3 =	vadd.f32 v3, v62  }
0x30f: {  	v62 =	vperm.xlane v4, v12;
	v2 =	vadd.f32 v59, v2;
	v6 =	vadd.f32 v6, v45  }
0x310: {  	v45 =	vperm.xlane v49, v12;
	v11 =	vadd.f32 v11, v53;
	v53 =	vperm.xlane v14, v12  }
0x311: {  	v8 =	vadd.f32 v8, v61;
	v55 =	vperm.xlane v0, v12;
	v7 =	vadd.f32 v58, v7  }
0x312: {  	v5 =	vmul.f32 $1.562500000e-02, v5;
	v1 =	vadd.f32 v1, v43;
	v43 =	vperm.xlane v9, v12  }
0x313: {  	v10 =	vadd.f32 v10, v51;
	v51 =	vperm.xlane v2, v12;
	v4 =	vadd.f32 v62, v4  }
0x314: {  	v3 =	vmul.f32 $1.562500000e-02, v3;
	v45 =	vadd.f32 v45, v49;
	v6 =	vmul.f32 $1.562500000e-02, v6  }
0x315: {  	v14 =	vadd.f32 v53, v14;
	v11 =	vmul.f32 $1.562500000e-02, v11;
	v8 =	vmul.f32 $1.562500000e-02, v8  }
0x316: {  	v0 =	vadd.f32 v55, v0;
	v61 =	vmul.f32 $1.562500000e-02, v7;
	v62 =	vmul.f32 v5, v5  }
0x317: {  	v9 =	vadd.f32 v43, v9;
	v1 =	vmul.f32 $1.562500000e-02, v1;
	v4 =	vmul.f32 $1.562500000e-02, v4  }
0x318: {  	v2 =	vadd.f32 v51, v2;
	v10 =	vmul.f32 $1.562500000e-02, v10;
	v53 =	vmul.f32 v3, v3  }
0x319: {  	v58 =	vsub.f32 $0.0e+00, v3;
	v55 =	vmul.f32 $1.562500000e-02, v45;
	v60 =	vmul.f32 v6, v6  }
0x31a: {  	v57 =	vsub.f32 $0.0e+00, v6;
	v14 =	vmul.f32 $1.562500000e-02, v14;
	v63 =	vmul.f32 v11, v11  }
0x31b: {  	v0 =	vmul.f32 $1.562500000e-02, v0;
	v6 =	vsub.f32 v61, v62;
	v43 =	vmul.f32 v8, v8  }
0x31c: {  	v61 =	vsub.f32 $0.0e+00, v11;
	v9 =	vmul.f32 $1.562500000e-02, v9;
	v4 =	vsub.f32 v4, v53  }
0x31d: {  	v49 =	vmul.f32 v1, v1;
	v3 =	vsub.f32 v55, v60;
	v14 =	vsub.f32 v14, v63  }
0x31e: {  	v2 =	vmul.f32 $1.562500000e-02, v2;
	v0 =	vsub.f32 v0, v43;
	v6 =	vadd.f32 $9.999999960e-13, v6  }
0x31f: {  	v51 =	vmul.f32 v10, v10;
	v60 =	vsub.f32 $0.0e+00, v8;
	v9 =	vsub.f32 v9, v49  }
0x320: {  	v4 =	vadd.f32 $9.999999960e-13, v4;
	v3 =	vadd.f32 $9.999999960e-13, v3  }
0x321: {  	v45 =	vmul.f32 v48, v39;
	v2 =	vsub.f32 v2, v51;
	v63 =	vadd.f32 $9.999999960e-13, v14  }
0x322: {  	v0 =	vadd.f32 $9.999999960e-13, v0;
	v49 =	vshra.s32 v6, $0x1;
	v6 =	vmul.f32 $5.000000000e-01, v6  }
0x323: {  	v9 =	vadd.f32 $9.999999960e-13, v9;
	v49 =	vsub.s32 $0x5F3759DF, v49;
	v53 =	vshra.s32 v4, $0x1  }
0x324: {  	v4 =	vmul.f32 $5.000000000e-01, v4;
	v14 =	vshra.s32 v3, $0x1;
	v2 =	vadd.f32 $9.999999960e-13, v2  }
0x325: {  	v3 =	vmul.f32 $5.000000000e-01, v3;
	v43 =	vshra.s32 v63, $0x1;
	v7 =	vmul.f32 $5.000000000e-01, v63  }
0x326: {  	v46 =	vshra.s32 v0, $0x1;
	v0 =	vmul.f32 $5.000000000e-01, v0;
	v51 =	vmul.f32 v49, v6  }
0x327: {  	v47 =	vshra.s32 v9, $0x1;
	v9 =	vmul.f32 $5.000000000e-01, v9;
	v62 =	vsub.s32 $0x5F3759DF, v53  }
0x328: {  	v14 =	vsub.s32 $0x5F3759DF, v14;
	v56 =	vsub.s32 $0x5F3759DF, v43;
	v63 =	vsub.s32 $0x5F3759DF, v46  }
0x329: {  	v53 =	vshra.s32 v2, $0x1;
	v2 =	vmul.f32 $5.000000000e-01, v2;
	v59 =	vmul.f32 v62, v4  }
0x32a: {  	v43 =	vsub.s32 $0x5F3759DF, v47;
	v47 =	vmul.f32 v14, v3;
	v11 =	vmul.f32 v63, v0  }
0x32b: {  	v51 =	vmul.f32 v49, v51;
	v46 =	vsub.s32 $0x5F3759DF, v53;
	v53 =	vmul.f32 v56, v7  }
0x32c: {  	v39 =	vsub.f32 $0.0e+00, v10;
	v8 =	vmul.f32 v43, v9;
	v55 =	vmul.f32 v62, v59  }
0x32d: {  	v59 =	vsub.f32 $0.0e+00, v1;
	v1 =	vmul.f32 v46, v2;
	v47 =	vmul.f32 v14, v47  }
0x32e: {  	v11 =	vmul.f32 v63, v11;
	v12 =	vsub.f32 $1.500000000e+00, v51;
	v53 =	vmul.f32 v56, v53  }
0x32f: {  	v8 =	vmul.f32 v43, v8;
	v10 =	vsub.f32 $1.500000000e+00, v55;
	v47 =	vsub.f32 $1.500000000e+00, v47  }
0x330: {  	v1 =	vmul.f32 v46, v1;
	v11 =	vsub.f32 $1.500000000e+00, v11;
	v53 =	vsub.f32 $1.500000000e+00, v53  }
0x331: {  	v8 =	vsub.f32 $1.500000000e+00, v8;
	v10 =	vmul.f32 v62, v10;
	v14 =	vmul.f32 v14, v47  }
0x332: {  	v47 =	vmul.f32 v49, v12;
	v1 =	vsub.f32 $1.500000000e+00, v1;
	v11 =	vmul.f32 v63, v11  }
0x333: {  	v62 =	vmul.f32 v56, v53;
	v8 =	vmul.f32 v43, v8  }
0x334: {  	v4 =	vmul.f32 v10, v4;
	v1 =	vmul.f32 v46, v1  }
0x335: {  	v12 =	vld [tilespmem:$0x1FD80];
	v3 =	vmul.f32 v14, v3;
	v6 =	vmul.f32 v47, v6  }
0x336: {  	v31 =	vadd.f32 v31, v40;
	v0 =	vmul.f32 v11, v0;
	v7 =	vmul.f32 v62, v7  }
0x337: {  	v9 =	vmul.f32 v8, v9;
	v2 =	vmul.f32 v1, v2  }
0x338: {  	[tilespmem:s2+$0xFFFFFF50] =	vst v31;
	v31 =	vadd.f32 v32, v33;
	v4 =	vmul.f32 v4, v10;
	v3 =	vmul.f32 v3, v14  }
0x339: {  	v56 =	vadd.f32 v17, v45;
	v6 =	vmul.f32 v6, v47;
	v0 =	vmul.f32 v0, v11  }
0x33a: {  	v63 =	vadd.f32 v12, v37;
	v7 =	vmul.f32 v7, v62;
	v4 =	vsub.f32 $1.500000000e+00, v4  }
0x33b: {  	v9 =	vmul.f32 v9, v8;
	v3 =	vsub.f32 $1.500000000e+00, v3;
	v6 =	vsub.f32 $1.500000000e+00, v6  }
0x33c: {  	v12 =	vld [tilespmem:$0x1FD90];
	v2 =	vmul.f32 v2, v1;
	v0 =	vsub.f32 $1.500000000e+00, v0;
	v7 =	vsub.f32 $1.500000000e+00, v7  }
0x33d: {  	v45 =	vld [tilespmem:$0x1FDB0];
	v9 =	vsub.f32 $1.500000000e+00, v9;
	v4 =	vmul.f32 v4, v10;
	v3 =	vmul.f32 v3, v14  }
0x33e: {  	v49 =	vld [tilespmem:$0x1FDD0];
	v2 =	vsub.f32 $1.500000000e+00, v2;
	v6 =	vmul.f32 v6, v47;
	v0 =	vmul.f32 v0, v11  }
0x33f: {  	[tilespmem:s2+$0xFFFFFF70] =	vst v31;
	v31 =	vadd.f32 v29, v40;
	v46 =	vld [tilespmem:$0x1FDC0];
	v7 =	vmul.f32 v7, v62;
	v8 =	vmul.f32 v9, v8  }
0x340: {  	v5 =	vsub.f32 $0.0e+00, v5;
	v47 =	vmul.f32 v4, v58;
	v1 =	vmul.f32 v2, v1  }
0x341: {  	v43 =	vadd.f32 v12, v26;
	v12 =	vld [tilespmem:$0x1FDA0];
	v53 =	vmul.f32 v4, v21;
	v14 =	vmul.f32 v4, v27  }
0x342: {  	v51 =	vmovc v17;
	v10 =	vadd.f32 v45, v33;
	v17 =	vmul.f32 v4, v19;
	v4 =	vmul.f32 v4, v15;
	v15 =	vld [tilespmem:$0x1FE00]  }
0x343: {  	v55 =	vld [tilespmem:$0x1FDE0];
	v2 =	vadd.f32 v49, v40;
	v5 =	vmul.f32 v6, v5;
	v40 =	vmul.f32 v6, v25  }
0x344: {  	v9 =	vadd.f32 v46, v26;
	v49 =	vmul.f32 v7, v52;
	v52 =	vmul.f32 v0, v60  }
0x345: {  	v62 =	vadd.f32 v47, v14;
	v14 =	vmul.f32 v3, v28;
	v28 =	vmul.f32 v3, v44  }
0x346: {  	v32 =	vadd.f32 v5, v40;
	v19 =	vmul.f32 v1, v39;
	v40 =	vmul.f32 v1, v38  }
0x347: {  	v29 =	vadd.f32 v12, v37;
	v12 =	vmul.f32 v3, v57;
	v27 =	vmul.f32 v3, v15  }
0x348: {  	v58 =	vld [tilespmem:$0x1FDF0];
	[tilespmem:s2+$0xFFFFFFC0] =	vst v9;
	v9 =	vadd.f32 v55, v37;
	v15 =	vmul.f32 v6, v22;
	v22 =	vmul.f32 v6, v41  }
0x349: {  	[tilespmem:s2+$0xFFFFFFB0] =	vst v10;
	v10 =	vadd.f32 v47, v53;
	v6 =	vmul.f32 v6, v13;
	v13 =	vmul.f32 v7, v61;
	v61 =	vld [tilespmem:$0x1FF50]  }
0x34a: {  	[tilespmem:s2+$0xFFFFFF60] =	vst v63;
	v63 =	vadd.f32 v47, v17;
	v53 =	vld [tilespmem:$0x1FE10];
	v3 =	vmul.f32 v3, v16;
	v57 =	vmul.f32 v8, v34  }
0x34b: {  	v55 =	vld [tilespmem:$0x1FE40];
	v41 =	vmul.f32 v1, v36;
	v44 =	vadd.f32 v12, v27;
	v25 =	vadd.f32 v12, v14  }
0x34c: {  	v37 =	vmul.f32 v1, v30;
	v21 =	vadd.f32 v12, v28;
	v17 =	vadd.f32 v12, v3;
	v12 =	vld [tilespmem:$0x1FE20]  }
0x34d: {  	v30 =	vmul.f32 v1, v50;
	v14 =	vmul.f32 v7, v23  }
0x34e: {  	v4 =	vadd.f32 v47, v4;
	v23 =	vmul.f32 v7, v24;
	v39 =	vmul.f32 v62, v61;
	v62 =	vld [tilespmem:$0x1FF60]  }
0x34f: {  	v60 =	vld [tilespmem:$0x1FF40];
	[tilespmem:s2+$0xFFFFFFD0] =	vst v2;
	v2 =	vadd.f32 v58, v33;
	v24 =	vmul.f32 v7, v42;
	v11 =	vmul.f32 v0, v53  }
0x350: {  	v58 =	vld [tilespmem:$0x1FE50];
	[tilespmem:s2+$0xFFFFFFA0] =	vst v29;
	v29 =	vadd.f32 v5, v15;
	v15 =	vmul.f32 v0, v35;
	v33 =	vadd.f32 v5, v22  }
0x351: {  	v26 =	vadd.f32 v5, v6;
	v5 =	vmul.f32 v8, v55;
	v27 =	vmul.f32 v0, v12;
	v12 =	vld [tilespmem:$0x1FE30]  }
0x352: {  	s14 =	sadd.s32 $0x8, s14;
	v35 =	vadd.f32 v13, v14;
	v0 =	vmul.f32 v0, v54;
	v54 =	vmul.f32 v8, v59;
	v59 =	vld [tilespmem:$0x1FE60]  }
0x353: {  	p0 =	slt.u32 s14, $0xC0;
	[tilespmem:s2+$0xFFFFFF90] =	vst v31;
	v31 =	vadd.f32 v13, v23;
	v36 =	vadd.f32 v13, v24;
	v34 =	vmul.f32 v63, v62;
	v63 =	vld [tilespmem:$0x1FF70]  }
.Ltmp1:
0x354: {  	v42 =	vmul.f32 v10, v60;
	v24 =	vadd.f32 v13, v49;
	v38 =	vadd.f32 v52, v11;
	(pc) =	sbr.rel @p0 .LBB2_5-.Ltmp1, $4  }
0x355: {  	v28 =	vmul.f32 v48, v58;
	v23 =	vadd.f32 v52, v27;
	v27 =	vadd.f32 v52, v15  }
0x356: {  	[tilespmem:s2+$0xFFFFFF80] =	vst v43;
	v22 =	vadd.f32 v52, v0;
	v20 =	vmul.f32 v8, v12;
	v8 =	vmul.f32 v8, v18  }
0x357: {  	[tilespmem:s2+$0xFFFFFFE0] =	vst v9;
	v16 =	vadd.f32 v54, v57;
	v12 =	vmul.f32 v48, v59;
	v18 =	vadd.f32 v54, v5  }
0x358: {  	s9 =	sadd.s32 $0x200, s9;
	[tilespmem:s2+$0xFFFFFFF0] =	vst v2;
	s2 =	smov.u32 s13;
	v20 =	vadd.f32 v54, v20;
	v15 =	vadd.f32 v54, v8;
	v13 =	vmul.f32 v4, v63  }
0x359: {  	v43 =	vld [tilespmem:$0x1FFB0];
	_ =	sdelay $0x4  }
0x35a: {  	v0 =	vadd.f32 v42, v43  }
0x35b: {  	v62 =	vld [tilespmem:$0x1FFA0]  }
0x35c: {  	v7 =	vld [tilespmem:$0x1FF40];
	[tilespmem:s13+$0xFFFFFE10] =	vst v0  }
0x35d: {  	v14 =	vld [tilespmem:$0x1FF90];
	_ =	sdelay $0x2  }
0x35e: {  	v1 =	vadd.f32 v39, v62;
	_ =	sdelay $0x1  }
0x35f: {  	v8 =	vld [tilespmem:$0x1FF50];
	[tilespmem:s13+$0xFFFFFE20] =	vst v1;
	v0 =	vadd.f32 v34, v14  }
0x360: {  	v11 =	vld [tilespmem:$0x1FF80]  }
0x361: {  	v9 =	vld [tilespmem:$0x1FF60];
	[tilespmem:s13+$0xFFFFFE30] =	vst v0  }
0x362: {  	v10 =	vld [tilespmem:$0x1FF70];
	_ =	sdelay $0x1  }
0x363: {  	v2 =	vmul.f32 v44, v7  }
0x364: {  	v3 =	vmul.f32 v25, v8;
	v1 =	vadd.f32 v13, v11  }
0x365: {  	v4 =	vmul.f32 v21, v9;
	v0 =	vadd.f32 v2, v43  }
0x366: {  	[tilespmem:s13+$0xFFFFFE40] =	vst v1;
	v1 =	vadd.f32 v3, v62;
	v2 =	vmul.f32 v17, v10  }
0x367: {  	v3 =	vmul.f32 v32, v7;
	[tilespmem:s13+$0xFFFFFE50] =	vst v0;
	v0 =	vadd.f32 v4, v14  }
0x368: {  	v4 =	vmul.f32 v29, v8;
	[tilespmem:s13+$0xFFFFFE60] =	vst v1;
	v1 =	vadd.f32 v2, v11  }
0x369: {  	[tilespmem:s13+$0xFFFFFE70] =	vst v0;
	v0 =	vadd.f32 v3, v43;
	v2 =	vmul.f32 v33, v9  }
0x36a: {  	v3 =	vmul.f32 v26, v10;
	[tilespmem:s13+$0xFFFFFE80] =	vst v1;
	v1 =	vadd.f32 v4, v62  }
0x36b: {  	[tilespmem:s13+$0xFFFFFE90] =	vst v0;
	v4 =	vmul.f32 v35, v7;
	v0 =	vadd.f32 v2, v14  }
0x36c: {  	v2 =	vmul.f32 v31, v8;
	[tilespmem:s13+$0xFFFFFEA0] =	vst v1;
	v1 =	vadd.f32 v3, v11  }
0x36d: {  	v3 =	vmul.f32 v36, v9;
	[tilespmem:s13+$0xFFFFFEB0] =	vst v0;
	v0 =	vadd.f32 v4, v43  }
0x36e: {  	v4 =	vmul.f32 v24, v10;
	[tilespmem:s13+$0xFFFFFEC0] =	vst v1;
	v1 =	vadd.f32 v2, v62  }
0x36f: {  	v2 =	vmul.f32 v38, v7;
	[tilespmem:s13+$0xFFFFFED0] =	vst v0;
	v0 =	vadd.f32 v3, v14  }
0x370: {  	v3 =	vmul.f32 v23, v8;
	[tilespmem:s13+$0xFFFFFEE0] =	vst v1;
	v1 =	vadd.f32 v4, v11  }
0x371: {  	v4 =	vmul.f32 v27, v9;
	[tilespmem:s13+$0xFFFFFEF0] =	vst v0;
	v0 =	vadd.f32 v2, v43  }
0x372: {  	v2 =	vmul.f32 v22, v10;
	[tilespmem:s13+$0xFFFFFF00] =	vst v1;
	v1 =	vadd.f32 v3, v62  }
0x373: {  	v3 =	vmul.f32 v20, v7;
	[tilespmem:s13+$0xFFFFFF10] =	vst v0;
	v0 =	vadd.f32 v4, v14  }
0x374: {  	v4 =	vmul.f32 v18, v8;
	[tilespmem:s13+$0xFFFFFF20] =	vst v1;
	v1 =	vadd.f32 v2, v11  }
0x375: {  	v5 =	vmul.f32 v16, v9;
	v2 =	vadd.f32 v19, v41;
	[tilespmem:s13+$0xFFFFFF30] =	vst v0;
	v0 =	vadd.f32 v3, v43  }
0x376: {  	v6 =	vmul.f32 v15, v10;
	v3 =	vadd.f32 v19, v40;
	[tilespmem:s13+$0xFFFFFF40] =	vst v1;
	v1 =	vadd.f32 v4, v62  }
0x377: {  	v4 =	vadd.f32 v19, v37;
	v2 =	vmul.f32 v2, v7;
	[tilespmem:s2+$0xFFFFFF50] =	vst v0;
	v0 =	vadd.f32 v5, v14  }
0x378: {  	v5 =	vadd.f32 v19, v30;
	v3 =	vmul.f32 v3, v8;
	[tilespmem:s2+$0xFFFFFF60] =	vst v1;
	v1 =	vadd.f32 v6, v11  }
0x379: {  	v4 =	vmul.f32 v4, v9;
	[tilespmem:s2+$0xFFFFFF70] =	vst v0;
	v0 =	vadd.f32 v2, v43  }
0x37a: {  	v2 =	vadd.f32 v51, v28;
	v5 =	vmul.f32 v5, v10;
	[tilespmem:s2+$0xFFFFFF80] =	vst v1;
	v1 =	vadd.f32 v3, v62  }
0x37b: {  	v63 =	vmul.f32 v56, v7;
	v3 =	vadd.f32 v51, v12;
	[tilespmem:s2+$0xFFFFFF90] =	vst v0;
	v0 =	vadd.f32 v4, v14  }
0x37c: {  	v2 =	vmul.f32 v2, v8;
	[tilespmem:s2+$0xFFFFFFA0] =	vst v1;
	v1 =	vadd.f32 v5, v11  }
0x37d: {  	v3 =	vmul.f32 v3, v9;
	[tilespmem:s2+$0xFFFFFFB0] =	vst v0;
	v0 =	vadd.f32 v63, v43  }
0x37e: {  	[tilespmem:s2+$0xFFFFFFC0] =	vst v1;
	v1 =	vadd.f32 v2, v62  }
0x37f: {  	s0 =	sadd.s32 $0x1, s0;
	[tilespmem:s2+$0xFFFFFFD0] =	vst v0;
	v0 =	vadd.f32 v3, v14  }
0x380: {  	p0 =	sne.s32 s0, $0x40;
	[tilespmem:s2+$0xFFFFFFE0] =	vst v1  }
.Ltmp2:
0x381: {  	[tilespmem:s2+$0xFFFFFFF0] =	vst v0;
	(pc) =	sbr.rel @p0 .LBB2_2-.Ltmp2, $4  }
0x382: {  	s1 =	smul.u32 $0x640, s4;
	v0 =	vld [tilespmem:$0x1FFC0]  }
0x383: {  	v1 =	vld [tilespmem:$0x1FFE0]  }
0x384: {  	s1 =	sadd.s32 s3, s1;
	v2 =	vld [tilespmem:$0x1FFD0]  }
0x385: {  	[hbm4b:s1+s5] =	stream.linear.scatter [tilespmem:s28], [sflag:$0x4], $0x3200, $0x38;
	v3 =	vld [tilespmem:$0x1FFF0]  }
0x386: {  	_ =	swait.ge [sflag:s24], $0x1900  }
0x387: {  	[sflag:s24] =	ssyncset.done $0x0  }
0x388: {  	[sflag:s24] =	ssyncadd.s32 $0xFFFFE700  }
0x389: {  	_ =	swait.ge [sflag:s24], $0x1900  }
0x38a: {  	[sflag:s24] =	ssyncset.done $0x0  }
0x38b: {  	s31 =	sadd.s32 $0x1, s31;
	[sflag:s24] =	ssyncadd.s32 $0xFFFFE700  }
0x38c: {  	p0 =	sne.s32 s31, s11;
	_ =	swait.ge [sflag:s29], $0x3200  }
.Ltmp3:
0x38d: {  	[sflag:s29] =	ssyncset.done $0x0;
	(pc) =	sbr.rel @p0 .LBB2_1-.Ltmp3, $4  }
0x38e: {  	[sflag:s29] =	ssyncadd.s32 $0xFFFFCE00  }
0x38f: {  	_ =	swait.ge [sflag:s30], $0x3200  }
0x390: {  	[sflag:s30] =	ssyncset.done $0x0  }
0x391: {  	[sflag:s30] =	ssyncadd.s32 $0xFFFFCE00  }
0x392: {  	_ =	sfence.sel $0x180000  }
0x393: {  	[bflag:$0x0] =	sbarrier.arrive $0xFFFF  }
0x394: {  	_ =	strace $0x90000047  }
0x395: {  	s0 =	stileid.u32;
	[bflag:$0x2] =	sbarrier.arrive $0xFFFF  }
0x396: {  	p0 =	sne.s32 s0, $0x0;
	s0 =	rddreg [dreg:$0x4]  }
0x397: {  	s0 =	sadd.s32 @!p0 $0x100000, s0  }
0x398: {  	[sflag:s0] =	ssyncadd.tile.s32 @!p0 $0x1;
	_ =	shalt  }
.Lfunc_end2:
_tile_overlayer_lowered:
.L_overlay_start_2:
0x399: {  	(tag) =	ssettag $0x2  }
0x39a: {  	s0 =	rddreg [dreg:$0x0];
	s2 =	stileid.u32  }
0x39b: {  	s1 =	rddreg [dreg:$0x1];
	p0 =	sne.s32 s2, $0x0  }
0x39c: {  	s3 =	rddreg [dreg:$0x2];
	[bflag:$0x3] =	sbarrier.arrive $0xFFFF;
	s2 =	simm.s32 @!p0 $0x1C05  }
0x39d: {  	[timem:s3], [sflag:s2] =	dma.local @!p0 [hbm:s0], s1  }
0x39e: {  	s0 =	simm.s32 @!p0 $0x5  }
0x39f: {  	_ =	swait.ge @!p0 [sflag:s0], s1  }
0x3a0: {  	s1 =	ssub.s32 @!p0 $0x0, s1;
	[sflag:s0] =	ssyncset.done @!p0 $0x0  }
0x3a1: {  	[sflag:s0] =	ssyncadd.s32 @!p0 s1  }
0x3a2: {  	[bflag:$0x3] =	sbarrier.arrive $0xFFFF  }
0x3a3: {  	_ =	shalt  }

// kernel: sparse-core-data-format-call.cloned.1.call-start
scs
called_computation_lowered:
.L_overlay_start_0:
0x0: {  	s2 =	sld [smem:$0x3FD9]  }
0x1: {  	s3 =	sld [smem:$0x3FFE];
	_ =	sdelay $0x1  }
0x2: {  	s1 =	srdreg.scid  }
0x3: {  	s0 =	sand.u32 $0x1, s1  }
0x4: {  	s18 =	sshll.u32 s0, $0xA;
	s2 =	sadd.s32 s3, s2  }
0x5: {  	s2 =	sadd.s32 s2, s18  }
0x6: {  	[smem:$0x3FC3] =	sst s2  }
0x7: {  	_ = 	snop  }
0x8: {  	s2 =	sld [smem:$0x3FD0];
	(tm) =	ssettm $0x1  }
0x9: {  	s19 =	sld [smem:$0x3FFB];
	_ =	sdelay $0x3  }
0xa: {  	_ =	strace s19  }
0xb: {  	s3 =	sld [smem:$0x3FFC];
	_ =	sdelay $0x3  }
0xc: {  	_ =	strace s3  }
0xd: {  	s3 =	sld [smem:$0x3FFD];
	_ =	sdelay $0x3  }
0xe: {  	_ =	strace s3  }
0xf: {  	_ =	strace $0x8FFFFFFF  }
0x10: {  	s20 =	sld [smem:$0x3FDB];
	_ =	sdelay $0x1  }
0x11: {  	s4 =	simm.s32 $_scs_section_size  }
0x12: {  	s5 =	simm.s32 $_size__tile_overlayer_lowered;
	s6 =	simm.s32 $_tile_overlayer_lowered  }
0x13: {  	s23 =	simm.s32 $0x1BFF;
	s22 =	sshll.u32 s6, $0x1;
	s3 =	sadd.s32 s4, s20  }
0x14: {  	s7 =	simm.s32 $0x0;
	s21 =	sshll.u32 s5, $0x1;
	s5 =	sadd.s32 s22, s3  }
0x15: {  	[timem:s7], [sflag:s23] =	dma.local [hbm:s5], s21  }
0x16: {  	_ =	swait.ge [sflag:s23], s21  }
0x17: {  	s4 =	ssub.s32 $0x0, s21;
	[sflag:s23] =	ssyncset.done $0x0  }
0x18: {  	[sflag:s23] =	ssyncadd.s32 s4;
	_ =	sdelay $0x1  }
0x19: {  	s24 =	simm.s32 $0x1B8B  }
0x1a: {  	_ =	swait.ge [sflag:s24], $0x1  }
0x1b: {  	[sflag:s24] =	ssyncset.done $0x0  }
0x1c: {  	s26 =	simm.s32 $0x1B8E;
	s25 =	sld [smem:$0x3FFE];
	[sflag:s24] =	ssyncadd.s32 $0xFFFFFFFF  }
0x1d: {  	s27 =	simm.s32 $execute0_lowered;
	[smem:$0x3FD2] =	sst s26  }
0x1e: {  	s5 =	sshll.u32 s27, $0x1;
	_ =	strace $0x80000049;
	[dreg:$0x1] =	wrdreg $0xFFFFFFFF  }
0x1f: {  	s28 =	simm.s32 $_size_execute0_lowered;
	s3 =	sadd.s32 s3, s5;
	[dreg:$0x0] =	wrdreg $0x0  }
0x20: {  	s5 =	sshll.u32 s28, $0x1;
	[dreg:$0x2] =	wrdreg s3  }
0x21: {  	[dreg:$0x3] =	wrdreg s5  }
0x22: {  	[dreg:$0x4] =	wrdreg $0xC0  }
0x23: {  	_ =	task [dreg:s7], $0x5FFFF  }
0x24: {  	[dreg:$0x1] =	wrdreg $0xFFFFFFFF  }
0x25: {  	[dreg:$0x0] =	wrdreg $0x60  }
0x26: {  	[dreg:$0x2] =	wrdreg s25  }
0x27: {  	[dreg:$0x3] =	wrdreg s2  }
0x28: {  	[dreg:$0x4] =	wrdreg $0x9  }
0x29: {  	_ =	task.clear_ibuf [dreg:s7], $0x5FFFF;
	_ =	strace $0x90000049  }
0x2a: {  	s29 =	simm.s32 $0x9;
	_ =	strace $0x8000004B  }
0x2b: {  	_ =	swait.ge [sflag:s29], $0x1  }
0x2c: {  	[sflag:s29] =	ssyncadd.s32 $0xFFFFFFFF  }
0x2d: {  	_ =	strace $0x9000004B  }
0x2e: {  	_ =	sfence  }
0x2f: {  	s30 =	sld [smem:$0x0];
	_ =	sdelay $0x2  }
0x30: {  	s31 =	sshll.u32 s1, $0xD;
	s1 =	sshrl.u32 s1, $0x2  }
0x31: {  	s3 =	sand.u32 $0x4000, s31;
	s1 =	sadd.s32 s1, s30  }
0x32: {  	s0 =	sor.u32 s3, s0;
	s1 =	sshll.u32 s1, $0x11  }
0x33: {  	s0 =	sor.u32 s1, s0  }
0x34: {  	s0 =	sadd.s32 $0x8F2B, s0  }
0x35: {  	[sflag:s0] =	ssyncadd.remote.s32 $0x1  }
0x36: {  	_ =	sfence.sel $0xFFFF  }
0x37: {  	[dreg:$0x0] =	wrdreg $0xFFFFFFFF;
	(pc) =	sbr.abs _section_cstart, $3  }
0x38: {  	[dreg:$0x1] =	wrdreg $0xFFFFFFFF  }
0x39: {  	_ =	task.clear_ibuf [dreg:s7], $0x2FFFF;
	_ =	strace $0x9FFFFFFF  }
0x3a: {  	(tm) =	ssettm $0x7FFFFFFF  }
0x3b: {  	_ =	shalt  }
tec
execute0_lowered:
.L_overlay_start_1:
0x0: {  	(tag) =	ssettag $0x1  }
0x1: {  	s0 =	srdreg.scid  }
0x2: {  	s1 =	sshll.u32 s0, $0x4  }
0x3: {  	s0 =	stileid.u32;
	s1 =	sand.u32 $0x10, s1  }
0x4: {  	s1 =	sor.u32 s0, s1  }
0x5: {  	s6 =	rddreg [dreg:$0x0];
	s4 =	simm.s32 $0x1;
	s2 =	sshll.u32 s1, $0x7  }
0x6: {  	s7 =	simm.s32 $0x2;
	s12 =	simm.s32 $0x0;
	s1 =	ssub.s32 $0x1000, s2  }
0x7: {  	s8 =	simm.s32 $0x8000;
	s13 =	simm.s32 $0x0;
	s3 =	sand.u32 $0xF80, s1  }
0x8: {  	s9 =	simm.s32 $0x0;
	s5 =	sshrl.u32 s1, $0xC;
	p0 =	sne.s32 s3, $0x0  }
.Ltmp0:
0x9: {  	s1 =	rddreg [dreg:$0x2];
	s4 =	simm.s32 @!p0 $0x0;
	(pc) =	sbr.rel .LBB1_1-.Ltmp0, $4  }
0xa: {  	s11 =	simm.s32 $0x0;
	s3 =	rddreg [dreg:$0x1];
	s5 =	sadd.s32 s4, s5  }
0xb: {  	_ =	strace $0x8000004A;
	s4 =	simm.s32 $0x1;
	s5 =	smul.u32 $0xC8, s5  }
0xc: {  	s6 =	sadd.s32 $0xC00, s6;
	s10 =	smov.u32 s2;
	[sflag:s4] =	ssyncpa.u1 $0x0  }
0xd: {  	p0 =	por $0x0, $0x0;
	[sflag:s7] =	ssyncpa.u1 $0x0;
	s7 =	sor.u32 $0x1, s5  }
.LBB1_4:
0xe: {  	s16 =	sshll.u32 s13, $0x3;
	s17 =	sand.u32 $0x78, s13  }
0xf: {  	s30 =	sand.u32 $0x7E00, s13;
	s12 =	sshll.u32 s12, $0xF;
	s16 =	sand.u32 $0xC00, s16  }
0x10: {  	[tilespmem:s15+$0x810 ss:$0x81] =	vst.msk $0xffff, v2;
	s31 =	sand.u32 $0x7, s13;
	s16 =	sor.u32 s17, s16;
	s17 =	sadd.s32 s3, s30  }
0x11: {  	[tilespmem:s15+$0x1020 ss:$0x81] =	vst.msk $0xffff, v0;
	s13 =	sshll.u32 s31, $0x12;
	s12 =	sadd.s32 s12, s17;
	s16 =	sshrl.u32 s16, $0x3  }
0x12: {  	[tilespmem:s15+$0x0 ss:$0x81] =	vst.msk $0xffff, v1;
	s13 =	sor.u32 $0x400, s13;
	s12 =	sadd.s32 s16, s12  }
0x13: {  	[hbm4b:s12+s13] =	stream.strided.scatter [tilespmem:s14], [sflag:$0x2], $0x2000, s8, s13, $0x20;
	[tilespmem:$0x8080] =	vst v63  }
.LBB1_5:
0x14: {  	s14 =	sadd.s32 $0x1, s9  }
0x15: {  	s12 =	sadd.s32 $0x1000, s10;
	s16 =	smov.u32 s10;
	p2 =	sgt.s32 s14, $0xC7  }
0x16: {  	s16 =	smov.u32 @p2 s12  }
0x17: {  	s14 =	simm.s32 @p2 $0x0;
	p2 =	sgt.s32 s16, $0xFFF  }
0x18: {  	s16 =	smov.u32 @p2 s2;
	p2 =	sne.s32 s11, s7  }
.Ltmp1:
0x19: {  	p1 =	slt.u32 s11, $0x2;
	(pc) =	sbr.rel @!p2 .LBB1_6-.Ltmp1, $4  }
0x1a: {  	s15 =	simm.s32 @!p1 $0x2  }
0x1b: {  	s13 =	smov.u32 s10;
	p0 =	por !p0, !p0;
	_ =	swait.ge @!p1 [sflag:s15], $0x2000  }
0x1c: {  	s12 =	smov.u32 s9;
	[sflag:s15] =	ssyncset.done @!p1 $0x0;
	s9 =	smov.u32 s14  }
0x1d: {  	s11 =	sadd.s32 $0x1, s11;
	[sflag:s15] =	ssyncadd.s32 @!p1 $0xFFFFE000;
	s10 =	smov.u32 s16  }
.LBB1_1:
0x1e: {  	p1 =	sge.u32 s11, s5  }
0x1f: {  	s14 =	sand.u32 @!p1 $0x1FFFFFF, s9  }
0x20: {  	s15 =	smulhi.u32 @!p1 $0x147AE15, s14;
	_ =	sdelay $0x1  }
0x21: {  	s15 =	smul.u32 @!p1 $0xC8, s15  }
0x22: {  	s16 =	sxor.u32 @!p1 $0xFFFFFFFF, s11;
	s17 =	smul.u32 @!p1 $0xC80, s10  }
0x23: {  	s31 =	sadd.s32 $0xFFFFFFFF, s11;
	s16 =	sshll.u32 @!p1 s16, $0xD;
	s14 =	ssub.s32 @!p1 s14, s15  }
0x24: {  	s15 =	sand.u32 @!p1 $0x2000, s16;
	s16 =	sadd.s32 @!p1 s6, s17;
	s14 =	sshll.u32 @!p1 s14, $0x4  }
0x25: {  	s17 =	simm.s32 @!p1 $0x6400;
	s14 =	sadd.s32 @!p1 s14, s16;
	s16 =	simm.s32 @!p1 $0x40  }
0x26: {  	[tilespmem:s15], [sflag:$0x1] =	stream.strided.gather @!p1 [hbm4b:s14+s16], $0x2000, s17, s16, $0x38;
	[tilespmem:$0x8080] =	vst v63  }
0x27: {  	p1 =	sge.u32 s31, s5  }
.Ltmp2:
0x28: {  	_ = 	snop;
	(pc) =	sbr.rel @p1 .LBB1_5-.Ltmp2, $1  }
0x29: {  	_ =	sdelay $0x3  }
0x2a: {  	s14 =	simm.s32 $0x1  }
0x2b: {  	_ =	swait.ge [sflag:s4], $0x2000;
	s14 =	simm.s32 @!p0 $0x0  }
0x2c: {  	[sflag:s4] =	ssyncset.done $0x0;
	s15 =	sshll.u32 s14, $0xD  }
0x2d: {  	[sflag:s4] =	ssyncadd.s32 $0xFFFFE000;
	s18 =	sor.u32 $0x20, s15  }
0x2e: {  	s14 =	smul.u32 $0x8100, s14;
	v3 =	vld [tilespmem:s18+$0x10]  }
0x2f: {  	s30 =	sand.u32 $0x1, s11;
	v2 =	vld [tilespmem:s18+$0xFFFFFFF0]  }
0x30: {  	s15 =	smul.u32 $0x8100, s30;
	s14 =	sshrl.u32 s14, $0x2;
	v0 =	vld [tilespmem:s18+$0x0]  }
0x31: {  	v1 =	vld [tilespmem:s18+$0xFFFFFFE0];
	s16 =	sor.u32 $0x4000, s14  }
0x32: {  	s31 =	sshrl.u32 s15, $0x2;
	s15 =	sadd.s32 $0x0, s16  }
0x33: {  	s17 =	simm.s32 $0x4;
	s18 =	sadd.s32 $0x40, s18;
	s14 =	sor.u32 $0x4000, s31;
	[tilespmem:s15+$0x1830 ss:$0x81] =	vst.msk $0xffff, v3  }
.LBB1_3:
0x34: {  	v3 =	vld [tilespmem:s18+$0x10];
	p1 =	sne.s32 s17, $0x1FC;
	[tilespmem:s15+$0x810 ss:$0x81] =	vst.msk $0xffff, v2;
	s19 =	smov.u32 s17;
	s17 =	sadd.s32 $0x4, s17  }
.Ltmp3:
0x35: {  	v2 =	vld [tilespmem:s18+$0xFFFFFFF0];
	[tilespmem:s15+$0x1020 ss:$0x81] =	vst.msk $0xffff, v0;
	(pc) =	sbr.rel @p1 .LBB1_3-.Ltmp3, $4  }
0x36: {  	v0 =	vld [tilespmem:s18+$0x0];
	[tilespmem:s15+$0x0 ss:$0x81] =	vst.msk $0xffff, v1  }
0x37: {  	s15 =	sshra.s32 s19, $0x2;
	v1 =	vld [tilespmem:s18+$0xFFFFFFE0]  }
0x38: {  	s15 =	sadd.s32 s15, s16  }
0x39: {  	s18 =	sadd.s32 $0x40, s18;
	[tilespmem:s15+$0x1830 ss:$0x81] =	vst.msk $0xffff, v3  }
.Ltmp4:
0x3a: {  	_ = 	snop;
	(pc) =	sbr.rel .LBB1_4-.Ltmp4, $1  }
0x3b: {  	_ =	sdelay $0x3  }
.LBB1_6:
0x3c: {  	_ =	sfence.sel $0x180000  }
0x3d: {  	s2 =	simm.s32 $0x1;
	[bflag:$0x0] =	sbarrier.arrive $0xFFFF  }
0x3e: {  	s31 =	simm.s32 $0x2;
	[sflag:s2] =	ssyncpa.u1 $0x1  }
0x3f: {  	[sflag:s31] =	ssyncpa.u1 $0x1  }
0x40: {  	p0 =	sne.s32 s0, $0x0;
	_ =	strace $0x9000004A  }
0x41: {  	s0 =	sadd.s32 @!p0 $0x100000, s1;
	[bflag:$0x2] =	sbarrier.arrive $0xFFFF  }
0x42: {  	[sflag:s0] =	ssyncadd.tile.s32 @!p0 $0x1;
	_ =	shalt  }
.Lfunc_end1:
_tile_overlayer_lowered:
.L_overlay_start_2:
0x43: {  	(tag) =	ssettag $0x2  }
0x44: {  	s0 =	rddreg [dreg:$0x0];
	s2 =	stileid.u32  }
0x45: {  	s1 =	rddreg [dreg:$0x1];
	p0 =	sne.s32 s2, $0x0  }
0x46: {  	s3 =	rddreg [dreg:$0x2];
	[bflag:$0x3] =	sbarrier.arrive $0xFFFF;
	s2 =	simm.s32 @!p0 $0x1C01  }
0x47: {  	[timem:s3], [sflag:s2] =	dma.local @!p0 [hbm:s0], s1  }
0x48: {  	s0 =	simm.s32 @!p0 $0x1  }
0x49: {  	_ =	swait.ge @!p0 [sflag:s0], s1  }
0x4a: {  	s1 =	ssub.s32 @!p0 $0x0, s1;
	[sflag:s0] =	ssyncset.done @!p0 $0x0  }
0x4b: {  	[sflag:s0] =	ssyncadd.s32 @!p0 s1  }
0x4c: {  	[bflag:$0x3] =	sbarrier.arrive $0xFFFF  }
0x4d: {  	_ =	shalt  }

</sc_bundles>
